<compile_context>
chip_gen: v7x
topology: tpu7x:2x2x1
jax: 0.10.2.dev20260603
libtpu: 0.0.44.dev20260713+nightly
codegen_flags: <defaults>
</compile_context>

<pallas_src>
import functools

import jax
import jax.numpy as jnp
from jax import lax
from jax.experimental import pallas as pl
from jax.experimental.pallas import tpu as pltpu
from jax.experimental.pallas import tpu_sc as plsc

F32 = jnp.float32
I32 = jnp.int32
BIG = 1e30
NC = 2
NS = 16
NW = NC * NS
K = 64


def _lrelu(v):
    return jnp.where(v > 0, v, 0.2 * v)


def _bcast_lane(vec, lane):
    idx = jnp.full((16, 1), lane, I32)
    dnums = lax.GatherDimensionNumbers(
        offset_dims=(), collapsed_slice_dims=(0,), start_index_map=(0,))
    return lax.gather(vec, idx, dnums, (1,),
                      mode=lax.GatherScatterMode.PROMISE_IN_BOUNDS)


def _tc_prep1(x, W1, Ms, Md, Rexp, npad_edges):
    n = x.shape[0]

    def body(x_ref, w_ref, ms_ref, md_ref, rexp_ref, stab_ref, dtab_ref,
             corr_ref):
        h = jnp.dot(x_ref[...], w_ref[...], preferred_element_type=F32)
        a_s = jnp.dot(h, ms_ref[...], preferred_element_type=F32)
        a_d = jnp.dot(h, md_ref[...], preferred_element_type=F32)
        smax = jnp.max(a_s, axis=0, keepdims=True)
        c = _lrelu(a_d + smax)
        z8 = jnp.zeros((n, 8), F32)
        stab_ref[...] = jnp.concatenate([h, a_s, z8], axis=1)
        dtab_ref[...] = jnp.concatenate(
            [a_d, z8, c, jnp.full((n, 8), BIG, F32)], axis=1)
        pex0 = float(npad_edges) * jnp.exp(
            _lrelu(a_s[0:1, :] + a_d[0:1, :]) - c[0:1, :])
        pex0_exp = jnp.dot(pex0, rexp_ref[...],
                           preferred_element_type=F32)
        corr_ref[...] = jnp.concatenate(
            [pex0_exp * h[0:1, :], pex0, jnp.zeros((1, 8), F32)], axis=1)

    return pl.pallas_call(
        body,
        out_shape=(jax.ShapeDtypeStruct((n, 144), F32),
                   jax.ShapeDtypeStruct((n, 32), F32),
                   jax.ShapeDtypeStruct((1, 144), F32)))(x, W1, Ms, Md, Rexp)


def _tc_prep2(accden, corr1, b1, W2, As2t, Ad2t, R16, n, npad_edges):
    def body(ad_ref, corr_ref, b1_ref, w2_ref, as2_ref, ad2_ref, r16_ref,
             stab_ref, dtab_ref, corr2_ref):
        A = ad_ref[0] + ad_ref[1]
        A = A - jnp.concatenate(
            [corr_ref[...], jnp.zeros((n - 1, 144), F32)], axis=0)
        acc = A[:, 0:128]
        den = A[:, 128:144]
        den_exp = jnp.dot(den, r16_ref[...], preferred_element_type=F32)
        h1 = acc / (den_exp + 1e-16) + b1_ref[...]
        h1 = jnp.where(h1 > 0, h1, jnp.exp(h1) - 1.0)
        h2 = jnp.dot(h1, w2_ref[...], preferred_element_type=F32)
        a2s = jnp.dot(h2, as2_ref[...], preferred_element_type=F32)
        a2d = jnp.dot(h2, ad2_ref[...], preferred_element_type=F32)
        smax = jnp.max(a2s)
        c2 = _lrelu(a2d + smax)
        stab_ref[...] = jnp.concatenate(
            [h2, a2s, jnp.zeros((n, 7), F32)], axis=1)
        dtab_ref[...] = jnp.concatenate(
            [jnp.zeros((n, 8), F32), a2d, jnp.zeros((n, 7), F32),
             jnp.full((n, 8), BIG, F32), c2, jnp.full((n, 7), BIG, F32)],
            axis=1)
        pe0 = float(npad_edges) * jnp.exp(
            _lrelu(a2s[0:1, :] + a2d[0:1, :]) - c2[0:1, :])
        corr2_ref[...] = jnp.concatenate(
            [pe0 * h2[0:1, :], jnp.broadcast_to(pe0, (1, 8))], axis=1)

    return pl.pallas_call(
        body,
        out_shape=(jax.ShapeDtypeStruct((n, 48), F32),
                   jax.ShapeDtypeStruct((n, 32), F32),
                   jax.ShapeDtypeStruct((1, 48), F32)))(
            accden, corr1, b1, W2, As2t, Ad2t, R16)


def _tc_final(accden, corr2, b2, Rden, n):
    def body(ad_ref, corr_ref, b2_ref, rd_ref, out_ref):
        A = ad_ref[0] + ad_ref[1]
        A = A - jnp.concatenate(
            [corr_ref[...], jnp.zeros((n - 1, 48), F32)], axis=0)
        acc = A[:, 0:40]
        den = jnp.dot(A[:, 32:48], rd_ref[...], preferred_element_type=F32)
        out_ref[...] = acc / (den + 1e-16) + b2_ref[...]

    return pl.pallas_call(
        body, out_shape=jax.ShapeDtypeStruct((n, 40), F32))(
            accden, corr2, b2, Rden)


def _sc_edge1(stab, dtab, pk, n_pad, chunks):
    rows_pt = n_pad // NS
    mesh = plsc.VectorSubcoreMesh(core_axis_name="c", subcore_axis_name="s")

    @functools.partial(
        pl.kernel,
        out_type=jax.ShapeDtypeStruct((NC, n_pad, 144), F32),
        mesh=mesh,
        compiler_params=pltpu.CompilerParams(use_tc_tiling_on_sc=False),
        scratch_types=[
            pltpu.VMEM((chunks, K), I32),
            pltpu.VMEM((K,), I32),
            pltpu.VMEM((K,), I32),
            pltpu.VMEM((K,), I32),
            pltpu.VMEM((K,), I32),
            pltpu.VMEM((K, 144), F32),
            pltpu.VMEM((K, 144), F32),
            pltpu.VMEM((K, 32), F32),
            pltpu.VMEM((K, 32), F32),
            pltpu.VMEM_SHARED((n_pad, 144), F32),
            pltpu.SemaphoreType.DMA,
            pltpu.SemaphoreType.DMA,
            pltpu.SemaphoreType.DMA,
            pltpu.SemaphoreType.DMA,
        ])
    def kfn(stab_hbm, dtab_hbm, pk_hbm, out_hbm,
            pkbig, sidx0, sidx1, didx0, didx1, srows0, srows1,
            drows0, drows1, acc, ss0, ss1, sd0, sd1):
        cid = lax.axis_index("c")
        sid = lax.axis_index("s")
        wid = cid * NS + sid
        zero = jnp.zeros((16,), F32)
        sidx = (sidx0, sidx1)
        didx = (didx0, didx1)
        srows = (srows0, srows1)
        drows = (drows0, drows1)
        ssem = (ss0, ss1)
        dsem = (sd0, sd1)

        @plsc.parallel_loop(0, K, unroll=8)
        def zbody(r):
            for cc in range(9):
                srows0[r, pl.ds(cc * 16, 16)] = zero
        base0 = sid * rows_pt
        nfull, rem = rows_pt // K, rows_pt % K
        for i in range(nfull):
            pltpu.sync_copy(srows0, acc.at[pl.ds(base0 + i * K, K)])
        if rem:
            pltpu.sync_copy(srows0.at[pl.ds(0, rem)],
                            acc.at[pl.ds(base0 + nfull * K, rem)])
        plsc.subcore_barrier()

        pltpu.sync_copy(pk_hbm.at[wid], pkbig)

        def unpack_issue(g, b):
            for l in range(K // 16):
                v = pkbig[g, pl.ds(l * 16, 16)]
                sidx[b][pl.ds(l * 16, 16)] = lax.shift_right_logical(v, 14)
                didx[b][pl.ds(l * 16, 16)] = lax.bitwise_and(v, 16383)
            pltpu.async_copy(stab_hbm.at[sidx[b]], srows[b], ssem[b])
            pltpu.async_copy(dtab_hbm.at[didx[b]], drows[b], dsem[b])

        def compute_scatter(b):
            pltpu.make_async_copy(stab_hbm.at[sidx[b]], srows[b],
                                  ssem[b]).wait()
            pltpu.make_async_copy(dtab_hbm.at[didx[b]], drows[b],
                                  dsem[b]).wait()

            @plsc.parallel_loop(0, K, unroll=4)
            def ebody(j):
                av = srows[b][j, pl.ds(128, 16)]
                d0 = drows[b][j, pl.ds(0, 16)]
                d1 = drows[b][j, pl.ds(16, 16)]
                s = av + d0
                ex = jnp.exp(jnp.where(s > 0, s, 0.2 * s) - d1)
                srows[b][j, pl.ds(128, 16)] = ex
                for hh in range(8):
                    exb = _bcast_lane(ex, hh)
                    srows[b][j, pl.ds(hh * 16, 16)] = (
                        srows[b][j, pl.ds(hh * 16, 16)] * exb)
            pltpu.sync_copy(srows[b], acc.at[didx[b]], add=True)

        unpack_issue(0, 0)

        def pair(i, carry):
            unpack_issue(2 * i + 1, 1)
            compute_scatter(0)
            unpack_issue(lax.rem(2 * i + 2, chunks), 0)
            compute_scatter(1)
            return carry
        lax.fori_loop(0, chunks // 2, pair, 0)

        pltpu.make_async_copy(stab_hbm.at[sidx0], srows0, ss0).wait()
        pltpu.make_async_copy(dtab_hbm.at[didx0], drows0, sd0).wait()

        plsc.subcore_barrier()
        pltpu.sync_copy(acc.at[pl.ds(base0, rows_pt)],
                        out_hbm.at[cid, pl.ds(base0, rows_pt)])

    return kfn(stab, dtab, pk)


def _sc_edge2(stab, dtab, pk, n_pad, chunks):
    rows_pt = n_pad // NS
    mesh = plsc.VectorSubcoreMesh(core_axis_name="c", subcore_axis_name="s")

    @functools.partial(
        pl.kernel,
        out_type=jax.ShapeDtypeStruct((NC, n_pad, 48), F32),
        mesh=mesh,
        compiler_params=pltpu.CompilerParams(use_tc_tiling_on_sc=False),
        scratch_types=[
            pltpu.VMEM((chunks, K), I32),
            pltpu.VMEM((K,), I32),
            pltpu.VMEM((K,), I32),
            pltpu.VMEM((K,), I32),
            pltpu.VMEM((K,), I32),
            pltpu.VMEM((K, 48), F32),
            pltpu.VMEM((K, 48), F32),
            pltpu.VMEM((K, 32), F32),
            pltpu.VMEM((K, 32), F32),
            pltpu.VMEM_SHARED((n_pad, 48), F32),
            pltpu.SemaphoreType.DMA,
            pltpu.SemaphoreType.DMA,
            pltpu.SemaphoreType.DMA,
            pltpu.SemaphoreType.DMA,
        ])
    def kfn(stab_hbm, dtab_hbm, pk_hbm, out_hbm,
            pkbig, sidx0, sidx1, didx0, didx1, srows0, srows1,
            drows0, drows1, acc, ss0, ss1, sd0, sd1):
        cid = lax.axis_index("c")
        sid = lax.axis_index("s")
        wid = cid * NS + sid
        zero = jnp.zeros((16,), F32)
        sidx = (sidx0, sidx1)
        didx = (didx0, didx1)
        srows = (srows0, srows1)
        drows = (drows0, drows1)
        ssem = (ss0, ss1)
        dsem = (sd0, sd1)

        @plsc.parallel_loop(0, K, unroll=8)
        def zbody(r):
            for cc in range(3):
                srows0[r, pl.ds(cc * 16, 16)] = zero
        base0 = sid * rows_pt
        nfull, rem = rows_pt // K, rows_pt % K
        for i in range(nfull):
            pltpu.sync_copy(srows0, acc.at[pl.ds(base0 + i * K, K)])
        if rem:
            pltpu.sync_copy(srows0.at[pl.ds(0, rem)],
                            acc.at[pl.ds(base0 + nfull * K, rem)])
        plsc.subcore_barrier()

        pltpu.sync_copy(pk_hbm.at[wid], pkbig)

        def unpack_issue(g, b):
            for l in range(K // 16):
                v = pkbig[g, pl.ds(l * 16, 16)]
                sidx[b][pl.ds(l * 16, 16)] = lax.shift_right_logical(v, 14)
                didx[b][pl.ds(l * 16, 16)] = lax.bitwise_and(v, 16383)
            pltpu.async_copy(stab_hbm.at[sidx[b]], srows[b], ssem[b])
            pltpu.async_copy(dtab_hbm.at[didx[b]], drows[b], dsem[b])

        def compute_scatter(b):
            pltpu.make_async_copy(stab_hbm.at[sidx[b]], srows[b],
                                  ssem[b]).wait()
            pltpu.make_async_copy(dtab_hbm.at[didx[b]], drows[b],
                                  dsem[b]).wait()
            lanes = lax.iota(I32, 16)

            @plsc.parallel_loop(0, K, unroll=4)
            def ebody(j):
                sv2 = srows[b][j, pl.ds(32, 16)]
                d0 = drows[b][j, pl.ds(0, 16)]
                d1 = drows[b][j, pl.ds(16, 16)]
                t = sv2 + d0
                e0 = jnp.exp(jnp.where(t > 0, t, 0.2 * t) - d1)
                exv = _bcast_lane(e0, 8)
                srows[b][j, pl.ds(0, 16)] = srows[b][j, pl.ds(0, 16)] * exv
                srows[b][j, pl.ds(16, 16)] = srows[b][j, pl.ds(16, 16)] * exv
                srows[b][j, pl.ds(32, 16)] = jnp.where(
                    lanes < 8, sv2 * exv, exv)
            pltpu.sync_copy(srows[b], acc.at[didx[b]], add=True)

        unpack_issue(0, 0)

        def pair(i, carry):
            unpack_issue(2 * i + 1, 1)
            compute_scatter(0)
            unpack_issue(lax.rem(2 * i + 2, chunks), 0)
            compute_scatter(1)
            return carry
        lax.fori_loop(0, chunks // 2, pair, 0)

        pltpu.make_async_copy(stab_hbm.at[sidx0], srows0, ss0).wait()
        pltpu.make_async_copy(dtab_hbm.at[didx0], drows0, sd0).wait()

        plsc.subcore_barrier()
        pltpu.sync_copy(acc.at[pl.ds(base0, rows_pt)],
                        out_hbm.at[cid, pl.ds(base0, rows_pt)])

    return kfn(stab, dtab, pk)


def kernel(x, edge_index, W1, att_src1, att_dst1, b1,
           W2, att_src2, att_dst2, b2):
    n = x.shape[0]
    e = edge_index.shape[1]
    heads, hid = att_src1.shape

    et = e + n
    chunks = (et + NW * K - 1) // (NW * K)
    chunks += chunks % 2
    ep = chunks * NW * K
    npad_edges = ep - et

    loops = jnp.arange(n, dtype=I32)
    padi = jnp.zeros((npad_edges,), I32)
    src = jnp.concatenate([edge_index[0].astype(I32), loops, padi])
    dst = jnp.concatenate([edge_index[1].astype(I32), loops, padi])
    pk = jnp.bitwise_or(jnp.left_shift(src, 14), dst).reshape(NW, chunks, K)

    eye8 = jnp.eye(heads, dtype=F32)
    Ms1 = (att_src1.astype(F32)[:, :, None] * eye8[:, None, :]).reshape(
        heads * hid, heads)
    Md1 = (att_dst1.astype(F32)[:, :, None] * eye8[:, None, :]).reshape(
        heads * hid, heads)
    Rexp = jnp.repeat(eye8, hid, axis=1)
    R16 = jnp.concatenate(
        [Rexp, jnp.zeros((8, heads * hid), F32)], axis=0)
    Rden = jnp.concatenate(
        [jnp.zeros((8, 40), F32), jnp.full((8, 40), 1.0 / 8.0, F32)], axis=0)

    stab1, dtab1, corr1 = _tc_prep1(x, W1, Ms1, Md1, Rexp, npad_edges)
    accden1 = _sc_edge1(stab1, dtab1, pk, n, chunks)
    stab2, dtab2, corr2 = _tc_prep2(accden1, corr1, b1, W2,
                                    att_src2.T.astype(F32),
                                    att_dst2.T.astype(F32), R16, n,
                                    npad_edges)
    accden2 = _sc_edge2(stab2, dtab2, pk, n, chunks)
    return _tc_final(accden2, corr2, b2, Rden, n)

# --- scband reference (transcript-rebuilt; emitter-appended) ---
"""Pipeline reference for scband-gat-6828998001549 (READ-ONLY COPY).

The authoritative reference and input builder live on the scoring server;
editing this copy changes nothing except your own understanding.
"""

import jax, jax.numpy as jnp
import numpy as np

N_NODES = 10000
N_EDGES = 320000
IN_CH = 128
HID = 16
HEADS = 8
OUT_CH = 40


def glorot(key, shape):
    fan_in = shape[0] if len(shape) > 1 else shape[-1]
    fan_out = shape[-1]
    limit = jnp.sqrt(6.0 / (fan_in + fan_out))
    return jax.random.uniform(key, shape, jnp.float32, -limit, limit)


def setup_inputs(seed: int = 0) -> dict:
    key = jax.random.key(seed)
    ks = jax.random.split(key, 12)
    x = jax.random.normal(ks[0], (N_NODES, IN_CH), dtype=jnp.float32)
    edge_index = jax.random.randint(ks[1], (2, N_EDGES), 0, N_NODES, dtype=jnp.int64)
    # conv1: in=128 -> hidden=16, heads=8, concat -> 128
    W1 = glorot(ks[2], (IN_CH, HEADS * HID))
    att_src1 = glorot(ks[3], (HEADS, HID))
    att_dst1 = glorot(ks[4], (HEADS, HID))
    b1 = jnp.zeros((HEADS * HID,), dtype=jnp.float32)
    # conv2: in=128 -> out=40, heads=1, mean (concat=False)
    W2 = glorot(ks[5], (HEADS * HID, 1 * OUT_CH))
    att_src2 = glorot(ks[6], (1, OUT_CH))
    att_dst2 = glorot(ks[7], (1, OUT_CH))
    b2 = jnp.zeros((OUT_CH,), dtype=jnp.float32)
    return {"x": x, "edge_index": edge_index, "W1": W1, "att_src1": att_src1,
            "att_dst1": att_dst1, "b1": b1, "W2": W2, "att_src2": att_src2,
            "att_dst2": att_dst2, "b2": b2}


def segment_softmax(alpha, dst, num_nodes):
    amax = jax.ops.segment_max(alpha, dst, num_segments=num_nodes)
    amax = jnp.where(jnp.isfinite(amax), amax, 0.0)
    ex = jnp.exp(alpha - amax[dst])
    denom = jax.ops.segment_sum(ex, dst, num_segments=num_nodes)
    return ex / (denom[dst] + 1e-16)


def gat_conv(x, src, dst, W, att_src, att_dst, bias, heads, out_ch, concat):
    n = x.shape[0]
    h = (x @ W).reshape(n, heads, out_ch)
    a_src = (h * att_src[None, :, :]).sum(-1)  # [N, H]
    a_dst = (h * att_dst[None, :, :]).sum(-1)  # [N, H]
    alpha = a_src[src] + a_dst[dst]            # [E, H]
    alpha = jax.nn.leaky_relu(alpha, 0.2)
    alpha = segment_softmax(alpha, dst, n)
    msg = h[src] * alpha[:, :, None]           # [E, H, C]
    out = jax.ops.segment_sum(msg, dst, num_segments=n)  # [N, H, C]
    if concat:
        out = out.reshape(n, heads * out_ch)
    else:
        out = out.mean(axis=1)
    return out + bias


def reference(x, edge_index, W1, att_src1, att_dst1, b1, W2, att_src2, att_dst2, b2):
    n = x.shape[0]
    loops = jnp.arange(n, dtype=edge_index.dtype)
    ei = jnp.concatenate([edge_index, jnp.stack([loops, loops])], axis=1)
    src, dst = ei[0], ei[1]
    # eval mode: dropout is identity
    h = gat_conv(x, src, dst, W1, att_src1, att_dst1, b1, HEADS, HID, True)
    h = jax.nn.elu(h)
    out = gat_conv(h, src, dst, W2, att_src2, att_dst2, b2, 1, OUT_CH, False)
    return out

if __name__ == "__main__":
    import jax
    _d = setup_inputs()
    print(jax.jit(kernel)(*tuple(_d.values())))

</pallas_src>

<mosaic_0001>
#map = affine_map<(d0, d1) -> (0, 0)>
#map1 = affine_map<(d0, d1) -> (0, 0, 0)>
module attributes {stable_mosaic.version = 14 : i64} {
  func.func @kfn(%arg0: i32, %arg1: i32, %arg2: memref<10000x144xf32, #tpu.memory_space<hbm>>, %arg3: memref<10000x32xf32, #tpu.memory_space<hbm>>, %arg4: memref<32x162x64xi32, #tpu.memory_space<hbm>>, %arg5: memref<2x10000x144xf32, #tpu.memory_space<hbm>>, %arg6: memref<162x64xi32, #tpu.memory_space<vmem>>, %arg7: memref<64xi32, #tpu.memory_space<vmem>>, %arg8: memref<64xi32, #tpu.memory_space<vmem>>, %arg9: memref<64xi32, #tpu.memory_space<vmem>>, %arg10: memref<64xi32, #tpu.memory_space<vmem>>, %arg11: memref<64x144xf32, #tpu.memory_space<vmem>>, %arg12: memref<64x144xf32, #tpu.memory_space<vmem>>, %arg13: memref<64x32xf32, #tpu.memory_space<vmem>>, %arg14: memref<64x32xf32, #tpu.memory_space<vmem>>, %arg15: memref<10000x144xf32, #tpu.memory_space<vmem_shared>>, %arg16: memref<!tpu.dma_semaphore, #tpu.memory_space<semaphore_mem>>, %arg17: memref<!tpu.dma_semaphore, #tpu.memory_space<semaphore_mem>>, %arg18: memref<!tpu.dma_semaphore, #tpu.memory_space<semaphore_mem>>, %arg19: memref<!tpu.dma_semaphore, #tpu.memory_space<semaphore_mem>>) attributes {dimension_semantics = [#tpu.dimension_semantics<core_parallel>, #tpu.dimension_semantics<subcore_parallel>], iteration_bounds = array<i64: 2, 16>, scalar_prefetch = 0 : i64, scratch_operands = 14 : i64, tpu.core_type = #tpu.core_type<sc_vector_subcore>, window_params = [{transform_indices = #map}, {transform_indices = #map}, {transform_indices = #map1}, {transform_indices = #map1}]} {
    %mul3A = arith.constant 16 : i32
    %mul3A_0 = arith.muli %arg0, %mul3A : i32
    %add3A = arith.addi %mul3A_0, %arg1 : i32
    %broadcast_in_dim3A = arith.constant 0.000000e+00 : f32
    %broadcast_in_dim3A_1 = vector.broadcast %broadcast_in_dim3A : f32 to vector<16xf32>
    %parallel_loop3A = arith.constant 0 : i32
    %parallel_loop3A_2 = arith.constant 64 : i32
    %parallel_loop3A_3 = arith.constant 1 : i32
    scf.for %parallel_loop3A_114 = %parallel_loop3A to %parallel_loop3A_2 step %parallel_loop3A_3  : i32 {
      %parallel_loop3A_115 = arith.index_cast %parallel_loop3A_114 : i32 to index
      %parallel_loop3A_116 = arith.constant 0 : index
      %parallel_loop3A_117 = tpu.vector_load %arg11[%parallel_loop3A_115, %parallel_loop3A_116] {strides = array<i32>} : memref<64x144xf32, #tpu.memory_space<vmem>>, vector<1x16xf32>,
      %parallel_loop3A_118 = vector.shape_cast %parallel_loop3A_117 : vector<1x16xf32> to vector<16xf32>
      %parallel_loop3A_119 = vector.shape_cast %broadcast_in_dim3A_1 : vector<16xf32> to vector<1x16xf32>
      tpu.vector_store %arg11[%parallel_loop3A_115, %parallel_loop3A_116], %parallel_loop3A_119 {strides = array<i32>} : memref<64x144xf32, #tpu.memory_space<vmem>>, vector<1x16xf32>,
      %parallel_loop3A_120 = arith.index_cast %parallel_loop3A_114 : i32 to index
      %parallel_loop3A_121 = arith.constant 16 : index
      %parallel_loop3A_122 = tpu.vector_load %arg11[%parallel_loop3A_120, %parallel_loop3A_121] {strides = array<i32>} : memref<64x144xf32, #tpu.memory_space<vmem>>, vector<1x16xf32>,
      %parallel_loop3A_123 = vector.shape_cast %parallel_loop3A_122 : vector<1x16xf32> to vector<16xf32>
      %parallel_loop3A_124 = vector.shape_cast %broadcast_in_dim3A_1 : vector<16xf32> to vector<1x16xf32>
      tpu.vector_store %arg11[%parallel_loop3A_120, %parallel_loop3A_121], %parallel_loop3A_124 {strides = array<i32>} : memref<64x144xf32, #tpu.memory_space<vmem>>, vector<1x16xf32>,
      %parallel_loop3A_125 = arith.index_cast %parallel_loop3A_114 : i32 to index
      %parallel_loop3A_126 = arith.constant 32 : index
      %parallel_loop3A_127 = tpu.vector_load %arg11[%parallel_loop3A_125, %parallel_loop3A_126] {strides = array<i32>} : memref<64x144xf32, #tpu.memory_space<vmem>>, vector<1x16xf32>,
      %parallel_loop3A_128 = vector.shape_cast %parallel_loop3A_127 : vector<1x16xf32> to vector<16xf32>
      %parallel_loop3A_129 = vector.shape_cast %broadcast_in_dim3A_1 : vector<16xf32> to vector<1x16xf32>
      tpu.vector_store %arg11[%parallel_loop3A_125, %parallel_loop3A_126], %parallel_loop3A_129 {strides = array<i32>} : memref<64x144xf32, #tpu.memory_space<vmem>>, vector<1x16xf32>,
      %parallel_loop3A_130 = arith.index_cast %parallel_loop3A_114 : i32 to index
      %parallel_loop3A_131 = arith.constant 48 : index
      %parallel_loop3A_132 = tpu.vector_load %arg11[%parallel_loop3A_130, %parallel_loop3A_131] {strides = array<i32>} : memref<64x144xf32, #tpu.memory_space<vmem>>, vector<1x16xf32>,
      %parallel_loop3A_133 = vector.shape_cast %parallel_loop3A_132 : vector<1x16xf32> to vector<16xf32>
      %parallel_loop3A_134 = vector.shape_cast %broadcast_in_dim3A_1 : vector<16xf32> to vector<1x16xf32>
      tpu.vector_store %arg11[%parallel_loop3A_130, %parallel_loop3A_131], %parallel_loop3A_134 {strides = array<i32>} : memref<64x144xf32, #tpu.memory_space<vmem>>, vector<1x16xf32>,
      %parallel_loop3A_135 = arith.index_cast %parallel_loop3A_114 : i32 to index
      %parallel_loop3A_136 = arith.constant 64 : index
      %parallel_loop3A_137 = tpu.vector_load %arg11[%parallel_loop3A_135, %parallel_loop3A_136] {strides = array<i32>} : memref<64x144xf32, #tpu.memory_space<vmem>>, vector<1x16xf32>,
      %parallel_loop3A_138 = vector.shape_cast %parallel_loop3A_137 : vector<1x16xf32> to vector<16xf32>
      %parallel_loop3A_139 = vector.shape_cast %broadcast_in_dim3A_1 : vector<16xf32> to vector<1x16xf32>
      tpu.vector_store %arg11[%parallel_loop3A_135, %parallel_loop3A_136], %parallel_loop3A_139 {strides = array<i32>} : memref<64x144xf32, #tpu.memory_space<vmem>>, vector<1x16xf32>,
      %parallel_loop3A_140 = arith.index_cast %parallel_loop3A_114 : i32 to index
      %parallel_loop3A_141 = arith.constant 80 : index
      %parallel_loop3A_142 = tpu.vector_load %arg11[%parallel_loop3A_140, %parallel_loop3A_141] {strides = array<i32>} : memref<64x144xf32, #tpu.memory_space<vmem>>, vector<1x16xf32>,
      %parallel_loop3A_143 = vector.shape_cast %parallel_loop3A_142 : vector<1x16xf32> to vector<16xf32>
      %parallel_loop3A_144 = vector.shape_cast %broadcast_in_dim3A_1 : vector<16xf32> to vector<1x16xf32>
      tpu.vector_store %arg11[%parallel_loop3A_140, %parallel_loop3A_141], %parallel_loop3A_144 {strides = array<i32>} : memref<64x144xf32, #tpu.memory_space<vmem>>, vector<1x16xf32>,
      %parallel_loop3A_145 = arith.index_cast %parallel_loop3A_114 : i32 to index
      %parallel_loop3A_146 = arith.constant 96 : index
      %parallel_loop3A_147 = tpu.vector_load %arg11[%parallel_loop3A_145, %parallel_loop3A_146] {strides = array<i32>} : memref<64x144xf32, #tpu.memory_space<vmem>>, vector<1x16xf32>,
      %parallel_loop3A_148 = vector.shape_cast %parallel_loop3A_147 : vector<1x16xf32> to vector<16xf32>
      %parallel_loop3A_149 = vector.shape_cast %broadcast_in_dim3A_1 : vector<16xf32> to vector<1x16xf32>
      tpu.vector_store %arg11[%parallel_loop3A_145, %parallel_loop3A_146], %parallel_loop3A_149 {strides = array<i32>} : memref<64x144xf32, #tpu.memory_space<vmem>>, vector<1x16xf32>,
      %parallel_loop3A_150 = arith.index_cast %parallel_loop3A_114 : i32 to index
      %parallel_loop3A_151 = arith.constant 112 : index
      %parallel_loop3A_152 = tpu.vector_load %arg11[%parallel_loop3A_150, %parallel_loop3A_151] {strides = array<i32>} : memref<64x144xf32, #tpu.memory_space<vmem>>, vector<1x16xf32>,
      %parallel_loop3A_153 = vector.shape_cast %parallel_loop3A_152 : vector<1x16xf32> to vector<16xf32>
      %parallel_loop3A_154 = vector.shape_cast %broadcast_in_dim3A_1 : vector<16xf32> to vector<1x16xf32>
      tpu.vector_store %arg11[%parallel_loop3A_150, %parallel_loop3A_151], %parallel_loop3A_154 {strides = array<i32>} : memref<64x144xf32, #tpu.memory_space<vmem>>, vector<1x16xf32>,
      %parallel_loop3A_155 = arith.index_cast %parallel_loop3A_114 : i32 to index
      %parallel_loop3A_156 = arith.constant 128 : index
      %parallel_loop3A_157 = tpu.vector_load %arg11[%parallel_loop3A_155, %parallel_loop3A_156] {strides = array<i32>} : memref<64x144xf32, #tpu.memory_space<vmem>>, vector<1x16xf32>,
      %parallel_loop3A_158 = vector.shape_cast %parallel_loop3A_157 : vector<1x16xf32> to vector<16xf32>
      %parallel_loop3A_159 = vector.shape_cast %broadcast_in_dim3A_1 : vector<16xf32> to vector<1x16xf32>
      tpu.vector_store %arg11[%parallel_loop3A_155, %parallel_loop3A_156], %parallel_loop3A_159 {strides = array<i32>} : memref<64x144xf32, #tpu.memory_space<vmem>>, vector<1x16xf32>,
    } {sc.loop_unroll_factor = 8 : i64, sc.parallel_access}
    %mul3A_4 = arith.constant 625 : i32
    %mul3A_5 = arith.muli %arg1, %mul3A_4 : i32
    %add3A_6 = arith.constant 0 : i32
    %add3A_7 = arith.addi %mul3A_5, %add3A_6 : i32
    "tpu.region"() ({
      %run_scoped3A = tpu.sem_alloc : memref<!tpu.dma_semaphore, #tpu.memory_space<semaphore_mem>>
      %dma_start3A_114 = arith.constant 0 : i32
      %dma_start3A_115 = tpu.memref_slice %arg15[%add3A_7, %dma_start3A_114] : memref<10000x144xf32, #tpu.memory_space<vmem_shared>> -> memref<64x144xf32, #tpu.memory_space<vmem_shared>>
      %dma_start3A_116 = arith.constant 0 : i32
      %dma_start3A_117 = tpu.memref_slice %arg15[%add3A_7, %dma_start3A_116] : memref<10000x144xf32, #tpu.memory_space<vmem_shared>> -> memref<64x144xf32, #tpu.memory_space<vmem_shared>>
      tpu.enqueue_dma source(%arg11 : memref<64x144xf32, #tpu.memory_space<vmem>>) target(%dma_start3A_117 : memref<64x144xf32, #tpu.memory_space<vmem_shared>>) target_semaphore(%run_scoped3A : memref<!tpu.dma_semaphore, #tpu.memory_space<semaphore_mem>>)
      %dma_wait3A_118 = arith.constant 0 : i32
      %dma_wait3A_119 = tpu.memref_slice %arg15[%add3A_7, %dma_wait3A_118] : memref<10000x144xf32, #tpu.memory_space<vmem_shared>> -> memref<64x144xf32, #tpu.memory_space<vmem_shared>>
      %dma_wait3A_120 = arith.constant 0 : i32
      %dma_wait3A_121 = tpu.memref_slice %arg15[%add3A_7, %dma_wait3A_120] : memref<10000x144xf32, #tpu.memory_space<vmem_shared>> -> memref<64x144xf32, #tpu.memory_space<vmem_shared>>
      tpu.wait_dma2 semaphore(%run_scoped3A : memref<!tpu.dma_semaphore, #tpu.memory_space<semaphore_mem>>) src(%arg11 : memref<64x144xf32, #tpu.memory_space<vmem>>) dst(%dma_wait3A_121 : memref<64x144xf32, #tpu.memory_space<vmem_shared>>)
      tpu.yield
    }) : () -> ()
    %add3A_8 = arith.constant 64 : i32
    %add3A_9 = arith.addi %mul3A_5, %add3A_8 : i32
    "tpu.region"() ({
      %run_scoped3A = tpu.sem_alloc : memref<!tpu.dma_semaphore, #tpu.memory_space<semaphore_mem>>
      %dma_start3A_114 = arith.constant 0 : i32
      %dma_start3A_115 = tpu.memref_slice %arg15[%add3A_9, %dma_start3A_114] : memref<10000x144xf32, #tpu.memory_space<vmem_shared>> -> memref<64x144xf32, #tpu.memory_space<vmem_shared>>
      %dma_start3A_116 = arith.constant 0 : i32
      %dma_start3A_117 = tpu.memref_slice %arg15[%add3A_9, %dma_start3A_116] : memref<10000x144xf32, #tpu.memory_space<vmem_shared>> -> memref<64x144xf32, #tpu.memory_space<vmem_shared>>
      tpu.enqueue_dma source(%arg11 : memref<64x144xf32, #tpu.memory_space<vmem>>) target(%dma_start3A_117 : memref<64x144xf32, #tpu.memory_space<vmem_shared>>) target_semaphore(%run_scoped3A : memref<!tpu.dma_semaphore, #tpu.memory_space<semaphore_mem>>)
      %dma_wait3A_118 = arith.constant 0 : i32
      %dma_wait3A_119 = tpu.memref_slice %arg15[%add3A_9, %dma_wait3A_118] : memref<10000x144xf32, #tpu.memory_space<vmem_shared>> -> memref<64x144xf32, #tpu.memory_space<vmem_shared>>
      %dma_wait3A_120 = arith.constant 0 : i32
      %dma_wait3A_121 = tpu.memref_slice %arg15[%add3A_9, %dma_wait3A_120] : memref<10000x144xf32, #tpu.memory_space<vmem_shared>> -> memref<64x144xf32, #tpu.memory_space<vmem_shared>>
      tpu.wait_dma2 semaphore(%run_scoped3A : memref<!tpu.dma_semaphore, #tpu.memory_space<semaphore_mem>>) src(%arg11 : memref<64x144xf32, #tpu.memory_space<vmem>>) dst(%dma_wait3A_121 : memref<64x144xf32, #tpu.memory_space<vmem_shared>>)
      tpu.yield
    }) : () -> ()
    %add3A_10 = arith.constant 128 : i32
    %add3A_11 = arith.addi %mul3A_5, %add3A_10 : i32
    "tpu.region"() ({
      %run_scoped3A = tpu.sem_alloc : memref<!tpu.dma_semaphore, #tpu.memory_space<semaphore_mem>>
      %dma_start3A_114 = arith.constant 0 : i32
      %dma_start3A_115 = tpu.memref_slice %arg15[%add3A_11, %dma_start3A_114] : memref<10000x144xf32, #tpu.memory_space<vmem_shared>> -> memref<64x144xf32, #tpu.memory_space<vmem_shared>>
      %dma_start3A_116 = arith.constant 0 : i32
      %dma_start3A_117 = tpu.memref_slice %arg15[%add3A_11, %dma_start3A_116] : memref<10000x144xf32, #tpu.memory_space<vmem_shared>> -> memref<64x144xf32, #tpu.memory_space<vmem_shared>>
      tpu.enqueue_dma source(%arg11 : memref<64x144xf32, #tpu.memory_space<vmem>>) target(%dma_start3A_117 : memref<64x144xf32, #tpu.memory_space<vmem_shared>>) target_semaphore(%run_scoped3A : memref<!tpu.dma_semaphore, #tpu.memory_space<semaphore_mem>>)
      %dma_wait3A_118 = arith.constant 0 : i32
      %dma_wait3A_119 = tpu.memref_slice %arg15[%add3A_11, %dma_wait3A_118] : memref<10000x144xf32, #tpu.memory_space<vmem_shared>> -> memref<64x144xf32, #tpu.memory_space<vmem_shared>>
      %dma_wait3A_120 = arith.constant 0 : i32
      %dma_wait3A_121 = tpu.memref_slice %arg15[%add3A_11, %dma_wait3A_120] : memref<10000x144xf32, #tpu.memory_space<vmem_shared>> -> memref<64x144xf32, #tpu.memory_space<vmem_shared>>
      tpu.wait_dma2 semaphore(%run_scoped3A : memref<!tpu.dma_semaphore, #tpu.memory_space<semaphore_mem>>) src(%arg11 : memref<64x144xf32, #tpu.memory_space<vmem>>) dst(%dma_wait3A_121 : memref<64x144xf32, #tpu.memory_space<vmem_shared>>)
      tpu.yield
    }) : () -> ()
    %add3A_12 = arith.constant 192 : i32
    %add3A_13 = arith.addi %mul3A_5, %add3A_12 : i32
    "tpu.region"() ({
      %run_scoped3A = tpu.sem_alloc : memref<!tpu.dma_semaphore, #tpu.memory_space<semaphore_mem>>
      %dma_start3A_114 = arith.constant 0 : i32
      %dma_start3A_115 = tpu.memref_slice %arg15[%add3A_13, %dma_start3A_114] : memref<10000x144xf32, #tpu.memory_space<vmem_shared>> -> memref<64x144xf32, #tpu.memory_space<vmem_shared>>
      %dma_start3A_116 = arith.constant 0 : i32
      %dma_start3A_117 = tpu.memref_slice %arg15[%add3A_13, %dma_start3A_116] : memref<10000x144xf32, #tpu.memory_space<vmem_shared>> -> memref<64x144xf32, #tpu.memory_space<vmem_shared>>
      tpu.enqueue_dma source(%arg11 : memref<64x144xf32, #tpu.memory_space<vmem>>) target(%dma_start3A_117 : memref<64x144xf32, #tpu.memory_space<vmem_shared>>) target_semaphore(%run_scoped3A : memref<!tpu.dma_semaphore, #tpu.memory_space<semaphore_mem>>)
      %dma_wait3A_118 = arith.constant 0 : i32
      %dma_wait3A_119 = tpu.memref_slice %arg15[%add3A_13, %dma_wait3A_118] : memref<10000x144xf32, #tpu.memory_space<vmem_shared>> -> memref<64x144xf32, #tpu.memory_space<vmem_shared>>
      %dma_wait3A_120 = arith.constant 0 : i32
      %dma_wait3A_121 = tpu.memref_slice %arg15[%add3A_13, %dma_wait3A_120] : memref<10000x144xf32, #tpu.memory_space<vmem_shared>> -> memref<64x144xf32, #tpu.memory_space<vmem_shared>>
      tpu.wait_dma2 semaphore(%run_scoped3A : memref<!tpu.dma_semaphore, #tpu.memory_space<semaphore_mem>>) src(%arg11 : memref<64x144xf32, #tpu.memory_space<vmem>>) dst(%dma_wait3A_121 : memref<64x144xf32, #tpu.memory_space<vmem_shared>>)
      tpu.yield
    }) : () -> ()
    %add3A_14 = arith.constant 256 : i32
    %add3A_15 = arith.addi %mul3A_5, %add3A_14 : i32
    "tpu.region"() ({
      %run_scoped3A = tpu.sem_alloc : memref<!tpu.dma_semaphore, #tpu.memory_space<semaphore_mem>>
      %dma_start3A_114 = arith.constant 0 : i32
      %dma_start3A_115 = tpu.memref_slice %arg15[%add3A_15, %dma_start3A_114] : memref<10000x144xf32, #tpu.memory_space<vmem_shared>> -> memref<64x144xf32, #tpu.memory_space<vmem_shared>>
      %dma_start3A_116 = arith.constant 0 : i32
      %dma_start3A_117 = tpu.memref_slice %arg15[%add3A_15, %dma_start3A_116] : memref<10000x144xf32, #tpu.memory_space<vmem_shared>> -> memref<64x144xf32, #tpu.memory_space<vmem_shared>>
      tpu.enqueue_dma source(%arg11 : memref<64x144xf32, #tpu.memory_space<vmem>>) target(%dma_start3A_117 : memref<64x144xf32, #tpu.memory_space<vmem_shared>>) target_semaphore(%run_scoped3A : memref<!tpu.dma_semaphore, #tpu.memory_space<semaphore_mem>>)
      %dma_wait3A_118 = arith.constant 0 : i32
      %dma_wait3A_119 = tpu.memref_slice %arg15[%add3A_15, %dma_wait3A_118] : memref<10000x144xf32, #tpu.memory_space<vmem_shared>> -> memref<64x144xf32, #tpu.memory_space<vmem_shared>>
      %dma_wait3A_120 = arith.constant 0 : i32
      %dma_wait3A_121 = tpu.memref_slice %arg15[%add3A_15, %dma_wait3A_120] : memref<10000x144xf32, #tpu.memory_space<vmem_shared>> -> memref<64x144xf32, #tpu.memory_space<vmem_shared>>
      tpu.wait_dma2 semaphore(%run_scoped3A : memref<!tpu.dma_semaphore, #tpu.memory_space<semaphore_mem>>) src(%arg11 : memref<64x144xf32, #tpu.memory_space<vmem>>) dst(%dma_wait3A_121 : memref<64x144xf32, #tpu.memory_space<vmem_shared>>)
      tpu.yield
    }) : () -> ()
    %add3A_16 = arith.constant 320 : i32
    %add3A_17 = arith.addi %mul3A_5, %add3A_16 : i32
    "tpu.region"() ({
      %run_scoped3A = tpu.sem_alloc : memref<!tpu.dma_semaphore, #tpu.memory_space<semaphore_mem>>
      %dma_start3A_114 = arith.constant 0 : i32
      %dma_start3A_115 = tpu.memref_slice %arg15[%add3A_17, %dma_start3A_114] : memref<10000x144xf32, #tpu.memory_space<vmem_shared>> -> memref<64x144xf32, #tpu.memory_space<vmem_shared>>
      %dma_start3A_116 = arith.constant 0 : i32
      %dma_start3A_117 = tpu.memref_slice %arg15[%add3A_17, %dma_start3A_116] : memref<10000x144xf32, #tpu.memory_space<vmem_shared>> -> memref<64x144xf32, #tpu.memory_space<vmem_shared>>
      tpu.enqueue_dma source(%arg11 : memref<64x144xf32, #tpu.memory_space<vmem>>) target(%dma_start3A_117 : memref<64x144xf32, #tpu.memory_space<vmem_shared>>) target_semaphore(%run_scoped3A : memref<!tpu.dma_semaphore, #tpu.memory_space<semaphore_mem>>)
      %dma_wait3A_118 = arith.constant 0 : i32
      %dma_wait3A_119 = tpu.memref_slice %arg15[%add3A_17, %dma_wait3A_118] : memref<10000x144xf32, #tpu.memory_space<vmem_shared>> -> memref<64x144xf32, #tpu.memory_space<vmem_shared>>
      %dma_wait3A_120 = arith.constant 0 : i32
      %dma_wait3A_121 = tpu.memref_slice %arg15[%add3A_17, %dma_wait3A_120] : memref<10000x144xf32, #tpu.memory_space<vmem_shared>> -> memref<64x144xf32, #tpu.memory_space<vmem_shared>>
      tpu.wait_dma2 semaphore(%run_scoped3A : memref<!tpu.dma_semaphore, #tpu.memory_space<semaphore_mem>>) src(%arg11 : memref<64x144xf32, #tpu.memory_space<vmem>>) dst(%dma_wait3A_121 : memref<64x144xf32, #tpu.memory_space<vmem_shared>>)
      tpu.yield
    }) : () -> ()
    %add3A_18 = arith.constant 384 : i32
    %add3A_19 = arith.addi %mul3A_5, %add3A_18 : i32
    "tpu.region"() ({
      %run_scoped3A = tpu.sem_alloc : memref<!tpu.dma_semaphore, #tpu.memory_space<semaphore_mem>>
      %dma_start3A_114 = arith.constant 0 : i32
      %dma_start3A_115 = tpu.memref_slice %arg15[%add3A_19, %dma_start3A_114] : memref<10000x144xf32, #tpu.memory_space<vmem_shared>> -> memref<64x144xf32, #tpu.memory_space<vmem_shared>>
      %dma_start3A_116 = arith.constant 0 : i32
      %dma_start3A_117 = tpu.memref_slice %arg15[%add3A_19, %dma_start3A_116] : memref<10000x144xf32, #tpu.memory_space<vmem_shared>> -> memref<64x144xf32, #tpu.memory_space<vmem_shared>>
      tpu.enqueue_dma source(%arg11 : memref<64x144xf32, #tpu.memory_space<vmem>>) target(%dma_start3A_117 : memref<64x144xf32, #tpu.memory_space<vmem_shared>>) target_semaphore(%run_scoped3A : memref<!tpu.dma_semaphore, #tpu.memory_space<semaphore_mem>>)
      %dma_wait3A_118 = arith.constant 0 : i32
      %dma_wait3A_119 = tpu.memref_slice %arg15[%add3A_19, %dma_wait3A_118] : memref<10000x144xf32, #tpu.memory_space<vmem_shared>> -> memref<64x144xf32, #tpu.memory_space<vmem_shared>>
      %dma_wait3A_120 = arith.constant 0 : i32
      %dma_wait3A_121 = tpu.memref_slice %arg15[%add3A_19, %dma_wait3A_120] : memref<10000x144xf32, #tpu.memory_space<vmem_shared>> -> memref<64x144xf32, #tpu.memory_space<vmem_shared>>
      tpu.wait_dma2 semaphore(%run_scoped3A : memref<!tpu.dma_semaphore, #tpu.memory_space<semaphore_mem>>) src(%arg11 : memref<64x144xf32, #tpu.memory_space<vmem>>) dst(%dma_wait3A_121 : memref<64x144xf32, #tpu.memory_space<vmem_shared>>)
      tpu.yield
    }) : () -> ()
    %add3A_20 = arith.constant 448 : i32
    %add3A_21 = arith.addi %mul3A_5, %add3A_20 : i32
    "tpu.region"() ({
      %run_scoped3A = tpu.sem_alloc : memref<!tpu.dma_semaphore, #tpu.memory_space<semaphore_mem>>
      %dma_start3A_114 = arith.constant 0 : i32
      %dma_start3A_115 = tpu.memref_slice %arg15[%add3A_21, %dma_start3A_114] : memref<10000x144xf32, #tpu.memory_space<vmem_shared>> -> memref<64x144xf32, #tpu.memory_space<vmem_shared>>
      %dma_start3A_116 = arith.constant 0 : i32
      %dma_start3A_117 = tpu.memref_slice %arg15[%add3A_21, %dma_start3A_116] : memref<10000x144xf32, #tpu.memory_space<vmem_shared>> -> memref<64x144xf32, #tpu.memory_space<vmem_shared>>
      tpu.enqueue_dma source(%arg11 : memref<64x144xf32, #tpu.memory_space<vmem>>) target(%dma_start3A_117 : memref<64x144xf32, #tpu.memory_space<vmem_shared>>) target_semaphore(%run_scoped3A : memref<!tpu.dma_semaphore, #tpu.memory_space<semaphore_mem>>)
      %dma_wait3A_118 = arith.constant 0 : i32
      %dma_wait3A_119 = tpu.memref_slice %arg15[%add3A_21, %dma_wait3A_118] : memref<10000x144xf32, #tpu.memory_space<vmem_shared>> -> memref<64x144xf32, #tpu.memory_space<vmem_shared>>
      %dma_wait3A_120 = arith.constant 0 : i32
      %dma_wait3A_121 = tpu.memref_slice %arg15[%add3A_21, %dma_wait3A_120] : memref<10000x144xf32, #tpu.memory_space<vmem_shared>> -> memref<64x144xf32, #tpu.memory_space<vmem_shared>>
      tpu.wait_dma2 semaphore(%run_scoped3A : memref<!tpu.dma_semaphore, #tpu.memory_space<semaphore_mem>>) src(%arg11 : memref<64x144xf32, #tpu.memory_space<vmem>>) dst(%dma_wait3A_121 : memref<64x144xf32, #tpu.memory_space<vmem_shared>>)
      tpu.yield
    }) : () -> ()
    %add3A_22 = arith.constant 512 : i32
    %add3A_23 = arith.addi %mul3A_5, %add3A_22 : i32
    "tpu.region"() ({
      %run_scoped3A = tpu.sem_alloc : memref<!tpu.dma_semaphore, #tpu.memory_space<semaphore_mem>>
      %dma_start3A_114 = arith.constant 0 : i32
      %dma_start3A_115 = tpu.memref_slice %arg15[%add3A_23, %dma_start3A_114] : memref<10000x144xf32, #tpu.memory_space<vmem_shared>> -> memref<64x144xf32, #tpu.memory_space<vmem_shared>>
      %dma_start3A_116 = arith.constant 0 : i32
      %dma_start3A_117 = tpu.memref_slice %arg15[%add3A_23, %dma_start3A_116] : memref<10000x144xf32, #tpu.memory_space<vmem_shared>> -> memref<64x144xf32, #tpu.memory_space<vmem_shared>>
      tpu.enqueue_dma source(%arg11 : memref<64x144xf32, #tpu.memory_space<vmem>>) target(%dma_start3A_117 : memref<64x144xf32, #tpu.memory_space<vmem_shared>>) target_semaphore(%run_scoped3A : memref<!tpu.dma_semaphore, #tpu.memory_space<semaphore_mem>>)
      %dma_wait3A_118 = arith.constant 0 : i32
      %dma_wait3A_119 = tpu.memref_slice %arg15[%add3A_23, %dma_wait3A_118] : memref<10000x144xf32, #tpu.memory_space<vmem_shared>> -> memref<64x144xf32, #tpu.memory_space<vmem_shared>>
      %dma_wait3A_120 = arith.constant 0 : i32
      %dma_wait3A_121 = tpu.memref_slice %arg15[%add3A_23, %dma_wait3A_120] : memref<10000x144xf32, #tpu.memory_space<vmem_shared>> -> memref<64x144xf32, #tpu.memory_space<vmem_shared>>
      tpu.wait_dma2 semaphore(%run_scoped3A : memref<!tpu.dma_semaphore, #tpu.memory_space<semaphore_mem>>) src(%arg11 : memref<64x144xf32, #tpu.memory_space<vmem>>) dst(%dma_wait3A_121 : memref<64x144xf32, #tpu.memory_space<vmem_shared>>)
      tpu.yield
    }) : () -> ()
    %add3A_24 = arith.constant 576 : i32
    %add3A_25 = arith.addi %mul3A_5, %add3A_24 : i32
    "tpu.region"() ({
      %run_scoped3A = tpu.sem_alloc : memref<!tpu.dma_semaphore, #tpu.memory_space<semaphore_mem>>
      %dma_start3A_114 = arith.constant 0 : i32
      %dma_start3A_115 = arith.constant 0 : i32
      %dma_start3A_116 = tpu.memref_slice %arg11[%dma_start3A_114, %dma_start3A_115] : memref<64x144xf32, #tpu.memory_space<vmem>> -> memref<49x144xf32, #tpu.memory_space<vmem>>
      %dma_start3A_117 = arith.constant 0 : i32
      %dma_start3A_118 = tpu.memref_slice %arg15[%add3A_25, %dma_start3A_117] : memref<10000x144xf32, #tpu.memory_space<vmem_shared>> -> memref<49x144xf32, #tpu.memory_space<vmem_shared>>
      %dma_start3A_119 = arith.constant 0 : i32
      %dma_start3A_120 = tpu.memref_slice %arg15[%add3A_25, %dma_start3A_119] : memref<10000x144xf32, #tpu.memory_space<vmem_shared>> -> memref<49x144xf32, #tpu.memory_space<vmem_shared>>
      %dma_start3A_121 = arith.constant 0 : i32
      %dma_start3A_122 = arith.constant 0 : i32
      %dma_start3A_123 = tpu.memref_slice %arg11[%dma_start3A_121, %dma_start3A_122] : memref<64x144xf32, #tpu.memory_space<vmem>> -> memref<49x144xf32, #tpu.memory_space<vmem>>
      tpu.enqueue_dma source(%dma_start3A_123 : memref<49x144xf32, #tpu.memory_space<vmem>>) target(%dma_start3A_120 : memref<49x144xf32, #tpu.memory_space<vmem_shared>>) target_semaphore(%run_scoped3A : memref<!tpu.dma_semaphore, #tpu.memory_space<semaphore_mem>>)
      %dma_wait3A_124 = arith.constant 0 : i32
      %dma_wait3A_125 = arith.constant 0 : i32
      %dma_wait3A_126 = tpu.memref_slice %arg11[%dma_wait3A_124, %dma_wait3A_125] : memref<64x144xf32, #tpu.memory_space<vmem>> -> memref<49x144xf32, #tpu.memory_space<vmem>>
      %dma_wait3A_127 = arith.constant 0 : i32
      %dma_wait3A_128 = tpu.memref_slice %arg15[%add3A_25, %dma_wait3A_127] : memref<10000x144xf32, #tpu.memory_space<vmem_shared>> -> memref<49x144xf32, #tpu.memory_space<vmem_shared>>
      %dma_wait3A_129 = arith.constant 0 : i32
      %dma_wait3A_130 = tpu.memref_slice %arg15[%add3A_25, %dma_wait3A_129] : memref<10000x144xf32, #tpu.memory_space<vmem_shared>> -> memref<49x144xf32, #tpu.memory_space<vmem_shared>>
      %dma_wait3A_131 = arith.constant 0 : i32
      %dma_wait3A_132 = arith.constant 0 : i32
      %dma_wait3A_133 = tpu.memref_slice %arg11[%dma_wait3A_131, %dma_wait3A_132] : memref<64x144xf32, #tpu.memory_space<vmem>> -> memref<49x144xf32, #tpu.memory_space<vmem>>
      tpu.wait_dma2 semaphore(%run_scoped3A : memref<!tpu.dma_semaphore, #tpu.memory_space<semaphore_mem>>) src(%dma_wait3A_133 : memref<49x144xf32, #tpu.memory_space<vmem>>) dst(%dma_wait3A_130 : memref<49x144xf32, #tpu.memory_space<vmem_shared>>)
      tpu.yield
    }) : () -> ()
    %barrier3A = arith.constant 0 : index
    tpu.barrier barrier_id(%barrier3A)
    "tpu.region"() ({
      %run_scoped3A = tpu.sem_alloc : memref<!tpu.dma_semaphore, #tpu.memory_space<semaphore_mem>>
      %dma_start3A_114 = arith.constant 0 : i32
      %dma_start3A_115 = arith.constant 0 : i32
      %dma_start3A_116 = tpu.memref_slice %arg4[%add3A, %dma_start3A_114, %dma_start3A_115] : memref<32x162x64xi32, #tpu.memory_space<hbm>> -> memref<1x162x64xi32, #tpu.memory_space<hbm>>
      %dma_start3A_117 = tpu.memref_squeeze %dma_start3A_116 : memref<1x162x64xi32, #tpu.memory_space<hbm>> -> memref<162x64xi32, #tpu.memory_space<hbm>>
      %dma_start3A_118 = arith.constant 0 : i32
      %dma_start3A_119 = arith.constant 0 : i32
      %dma_start3A_120 = tpu.memref_slice %arg4[%add3A, %dma_start3A_118, %dma_start3A_119] : memref<32x162x64xi32, #tpu.memory_space<hbm>> -> memref<1x162x64xi32, #tpu.memory_space<hbm>>
      %dma_start3A_121 = tpu.memref_squeeze %dma_start3A_120 : memref<1x162x64xi32, #tpu.memory_space<hbm>> -> memref<162x64xi32, #tpu.memory_space<hbm>>
      tpu.enqueue_dma source(%dma_start3A_121 : memref<162x64xi32, #tpu.memory_space<hbm>>) target(%arg6 : memref<162x64xi32, #tpu.memory_space<vmem>>) target_semaphore(%run_scoped3A : memref<!tpu.dma_semaphore, #tpu.memory_space<semaphore_mem>>)
      %dma_wait3A_122 = arith.constant 0 : i32
      %dma_wait3A_123 = arith.constant 0 : i32
      %dma_wait3A_124 = tpu.memref_slice %arg4[%add3A, %dma_wait3A_122, %dma_wait3A_123] : memref<32x162x64xi32, #tpu.memory_space<hbm>> -> memref<1x162x64xi32, #tpu.memory_space<hbm>>
      %dma_wait3A_125 = tpu.memref_squeeze %dma_wait3A_124 : memref<1x162x64xi32, #tpu.memory_space<hbm>> -> memref<162x64xi32, #tpu.memory_space<hbm>>
      %dma_wait3A_126 = arith.constant 0 : i32
      %dma_wait3A_127 = arith.constant 0 : i32
      %dma_wait3A_128 = tpu.memref_slice %arg4[%add3A, %dma_wait3A_126, %dma_wait3A_127] : memref<32x162x64xi32, #tpu.memory_space<hbm>> -> memref<1x162x64xi32, #tpu.memory_space<hbm>>
      %dma_wait3A_129 = tpu.memref_squeeze %dma_wait3A_128 : memref<1x162x64xi32, #tpu.memory_space<hbm>> -> memref<162x64xi32, #tpu.memory_space<hbm>>
      tpu.wait_dma2 semaphore(%run_scoped3A : memref<!tpu.dma_semaphore, #tpu.memory_space<semaphore_mem>>) src(%dma_wait3A_129 : memref<162x64xi32, #tpu.memory_space<hbm>>) dst(%arg6 : memref<162x64xi32, #tpu.memory_space<vmem>>)
      tpu.yield
    }) : () -> ()
    %get3A = arith.constant 0 : i32
    %get3A_26 = arith.index_cast %get3A : i32 to index
    %get3A_27 = arith.constant 0 : index
    %get3A_28 = tpu.vector_load %arg6[%get3A_26, %get3A_27] {strides = array<i32>} : memref<162x64xi32, #tpu.memory_space<vmem>>, vector<1x16xi32>,
    %get3A_29 = vector.shape_cast %get3A_28 : vector<1x16xi32> to vector<16xi32>
    %shift_right_logical3A = arith.constant 14 : i32
    %shift_right_logical3A_30 = vector.broadcast %shift_right_logical3A : i32 to vector<16xi32>
    %shift_right_logical3A_31 = arith.shrui %get3A_29, %shift_right_logical3A_30 : vector<16xi32>
    %swap3A = arith.constant 0 : index
    %swap3A_32 = tpu.vector_load %arg7[%swap3A] {strides = array<i32>} : memref<64xi32, #tpu.memory_space<vmem>>, vector<16xi32>,
    %swap3A_33 = vector.shape_cast %swap3A_32 : vector<16xi32> to vector<16xi32>
    %swap3A_34 = vector.shape_cast %shift_right_logical3A_31 : vector<16xi32> to vector<16xi32>
    tpu.vector_store %arg7[%swap3A], %swap3A_34 {strides = array<i32>} : memref<64xi32, #tpu.memory_space<vmem>>, vector<16xi32>,
    %and3A = arith.constant 16383 : i32
    %and3A_35 = vector.broadcast %and3A : i32 to vector<16xi32>
    %and3A_36 = arith.andi %get3A_29, %and3A_35 : vector<16xi32>
    %swap3A_37 = arith.constant 0 : index
    %swap3A_38 = tpu.vector_load %arg9[%swap3A_37] {strides = array<i32>} : memref<64xi32, #tpu.memory_space<vmem>>, vector<16xi32>,
    %swap3A_39 = vector.shape_cast %swap3A_38 : vector<16xi32> to vector<16xi32>
    %swap3A_40 = vector.shape_cast %and3A_36 : vector<16xi32> to vector<16xi32>
    tpu.vector_store %arg9[%swap3A_37], %swap3A_40 {strides = array<i32>} : memref<64xi32, #tpu.memory_space<vmem>>, vector<16xi32>,
    %get3A_41 = arith.constant 0 : i32
    %get3A_42 = arith.index_cast %get3A_41 : i32 to index
    %get3A_43 = arith.constant 16 : index
    %get3A_44 = tpu.vector_load %arg6[%get3A_42, %get3A_43] {strides = array<i32>} : memref<162x64xi32, #tpu.memory_space<vmem>>, vector<1x16xi32>,
    %get3A_45 = vector.shape_cast %get3A_44 : vector<1x16xi32> to vector<16xi32>
    %shift_right_logical3A_46 = arith.constant 14 : i32
    %shift_right_logical3A_47 = vector.broadcast %shift_right_logical3A_46 : i32 to vector<16xi32>
    %shift_right_logical3A_48 = arith.shrui %get3A_45, %shift_right_logical3A_47 : vector<16xi32>
    %swap3A_49 = arith.constant 16 : index
    %swap3A_50 = tpu.vector_load %arg7[%swap3A_49] {strides = array<i32>} : memref<64xi32, #tpu.memory_space<vmem>>, vector<16xi32>,
    %swap3A_51 = vector.shape_cast %swap3A_50 : vector<16xi32> to vector<16xi32>
    %swap3A_52 = vector.shape_cast %shift_right_logical3A_48 : vector<16xi32> to vector<16xi32>
    tpu.vector_store %arg7[%swap3A_49], %swap3A_52 {strides = array<i32>} : memref<64xi32, #tpu.memory_space<vmem>>, vector<16xi32>,
    %and3A_53 = arith.constant 16383 : i32
    %and3A_54 = vector.broadcast %and3A_53 : i32 to vector<16xi32>
    %and3A_55 = arith.andi %get3A_45, %and3A_54 : vector<16xi32>
    %swap3A_56 = arith.constant 16 : index
    %swap3A_57 = tpu.vector_load %arg9[%swap3A_56] {strides = array<i32>} : memref<64xi32, #tpu.memory_space<vmem>>, vector<16xi32>,
    %swap3A_58 = vector.shape_cast %swap3A_57 : vector<16xi32> to vector<16xi32>
    %swap3A_59 = vector.shape_cast %and3A_55 : vector<16xi32> to vector<16xi32>
    tpu.vector_store %arg9[%swap3A_56], %swap3A_59 {strides = array<i32>} : memref<64xi32, #tpu.memory_space<vmem>>, vector<16xi32>,
    %get3A_60 = arith.constant 0 : i32
    %get3A_61 = arith.index_cast %get3A_60 : i32 to index
    %get3A_62 = arith.constant 32 : index
    %get3A_63 = tpu.vector_load %arg6[%get3A_61, %get3A_62] {strides = array<i32>} : memref<162x64xi32, #tpu.memory_space<vmem>>, vector<1x16xi32>,
    %get3A_64 = vector.shape_cast %get3A_63 : vector<1x16xi32> to vector<16xi32>
    %shift_right_logical3A_65 = arith.constant 14 : i32
    %shift_right_logical3A_66 = vector.broadcast %shift_right_logical3A_65 : i32 to vector<16xi32>
    %shift_right_logical3A_67 = arith.shrui %get3A_64, %shift_right_logical3A_66 : vector<16xi32>
    %swap3A_68 = arith.constant 32 : index
    %swap3A_69 = tpu.vector_load %arg7[%swap3A_68] {strides = array<i32>} : memref<64xi32, #tpu.memory_space<vmem>>, vector<16xi32>,
    %swap3A_70 = vector.shape_cast %swap3A_69 : vector<16xi32> to vector<16xi32>
    %swap3A_71 = vector.shape_cast %shift_right_logical3A_67 : vector<16xi32> to vector<16xi32>
    tpu.vector_store %arg7[%swap3A_68], %swap3A_71 {strides = array<i32>} : memref<64xi32, #tpu.memory_space<vmem>>, vector<16xi32>,
    %and3A_72 = arith.constant 16383 : i32
    %and3A_73 = vector.broadcast %and3A_72 : i32 to vector<16xi32>
    %and3A_74 = arith.andi %get3A_64, %and3A_73 : vector<16xi32>
    %swap3A_75 = arith.constant 32 : index
    %swap3A_76 = tpu.vector_load %arg9[%swap3A_75] {strides = array<i32>} : memref<64xi32, #tpu.memory_space<vmem>>, vector<16xi32>,
    %swap3A_77 = vector.shape_cast %swap3A_76 : vector<16xi32> to vector<16xi32>
    %swap3A_78 = vector.shape_cast %and3A_74 : vector<16xi32> to vector<16xi32>
    tpu.vector_store %arg9[%swap3A_75], %swap3A_78 {strides = array<i32>} : memref<64xi32, #tpu.memory_space<vmem>>, vector<16xi32>,
    %get3A_79 = arith.constant 0 : i32
    %get3A_80 = arith.index_cast %get3A_79 : i32 to index
    %get3A_81 = arith.constant 48 : index
    %get3A_82 = tpu.vector_load %arg6[%get3A_80, %get3A_81] {strides = array<i32>} : memref<162x64xi32, #tpu.memory_space<vmem>>, vector<1x16xi32>,
    %get3A_83 = vector.shape_cast %get3A_82 : vector<1x16xi32> to vector<16xi32>
    %shift_right_logical3A_84 = arith.constant 14 : i32
    %shift_right_logical3A_85 = vector.broadcast %shift_right_logical3A_84 : i32 to vector<16xi32>
    %shift_right_logical3A_86 = arith.shrui %get3A_83, %shift_right_logical3A_85 : vector<16xi32>
    %swap3A_87 = arith.constant 48 : index
    %swap3A_88 = tpu.vector_load %arg7[%swap3A_87] {strides = array<i32>} : memref<64xi32, #tpu.memory_space<vmem>>, vector<16xi32>,
    %swap3A_89 = vector.shape_cast %swap3A_88 : vector<16xi32> to vector<16xi32>
    %swap3A_90 = vector.shape_cast %shift_right_logical3A_86 : vector<16xi32> to vector<16xi32>
    tpu.vector_store %arg7[%swap3A_87], %swap3A_90 {strides = array<i32>} : memref<64xi32, #tpu.memory_space<vmem>>, vector<16xi32>,
    %and3A_91 = arith.constant 16383 : i32
    %and3A_92 = vector.broadcast %and3A_91 : i32 to vector<16xi32>
    %and3A_93 = arith.andi %get3A_83, %and3A_92 : vector<16xi32>
    %swap3A_94 = arith.constant 48 : index
    %swap3A_95 = tpu.vector_load %arg9[%swap3A_94] {strides = array<i32>} : memref<64xi32, #tpu.memory_space<vmem>>, vector<16xi32>,
    %swap3A_96 = vector.shape_cast %swap3A_95 : vector<16xi32> to vector<16xi32>
    %swap3A_97 = vector.shape_cast %and3A_93 : vector<16xi32> to vector<16xi32>
    tpu.vector_store %arg9[%swap3A_94], %swap3A_97 {strides = array<i32>} : memref<64xi32, #tpu.memory_space<vmem>>, vector<16xi32>,
    %dma_start3A = arith.constant 0 : i32
    %dma_start3A_98 = arith.constant 0 : i32
    %dma_start3A_99 = tpu.memref_slice %arg2[%dma_start3A, %dma_start3A_98] : memref<10000x144xf32, #tpu.memory_space<hbm>> -> memref<10000x144xf32, #tpu.memory_space<hbm>>
    tpu.enqueue_indirect_dma source(%dma_start3A_99 : memref<10000x144xf32, #tpu.memory_space<hbm>>) target(%arg11 : memref<64x144xf32, #tpu.memory_space<vmem>>) offsets(%arg7 : memref<64xi32, #tpu.memory_space<vmem>>) semaphore(%arg16 : memref<!tpu.dma_semaphore, #tpu.memory_space<semaphore_mem>>)
    %dma_start3A_100 = arith.constant 0 : i32
    %dma_start3A_101 = arith.constant 0 : i32
    %dma_start3A_102 = tpu.memref_slice %arg3[%dma_start3A_100, %dma_start3A_101] : memref<10000x32xf32, #tpu.memory_space<hbm>> -> memref<10000x32xf32, #tpu.memory_space<hbm>>
    tpu.enqueue_indirect_dma source(%dma_start3A_102 : memref<10000x32xf32, #tpu.memory_space<hbm>>) target(%arg13 : memref<64x32xf32, #tpu.memory_space<vmem>>) offsets(%arg9 : memref<64xi32, #tpu.memory_space<vmem>>) semaphore(%arg18 : memref<!tpu.dma_semaphore, #tpu.memory_space<semaphore_mem>>)
    %scan3A = arith.constant 0 : i32
    %scan3A_103 = arith.constant 0 : i32
    %scan3A_104 = arith.constant 81 : i32
    %scan3A_105 = arith.addi %scan3A_103, %scan3A_104 : i32
    %scan3A_106 = arith.constant 1 : i32
    scf.for %scan3A_114 = %scan3A_103 to %scan3A_105 step %scan3A_106  : i32 {
      %mul3A_115 = arith.constant 2 : i32
      %mul3A_116 = arith.muli %mul3A_115, %scan3A_114 : i32
      %add3A_117 = arith.constant 1 : i32
      %add3A_118 = arith.addi %mul3A_116, %add3A_117 : i32
      %get3A_119 = arith.index_cast %add3A_118 : i32 to index
      %get3A_120 = arith.constant 0 : index
      %get3A_121 = tpu.vector_load %arg6[%get3A_119, %get3A_120] {strides = array<i32>} : memref<162x64xi32, #tpu.memory_space<vmem>>, vector<1x16xi32>,
      %get3A_122 = vector.shape_cast %get3A_121 : vector<1x16xi32> to vector<16xi32>
      %shift_right_logical3A_123 = arith.constant 14 : i32
      %shift_right_logical3A_124 = vector.broadcast %shift_right_logical3A_123 : i32 to vector<16xi32>
      %shift_right_logical3A_125 = arith.shrui %get3A_122, %shift_right_logical3A_124 : vector<16xi32>
      %swap3A_126 = arith.constant 0 : index
      %swap3A_127 = tpu.vector_load %arg8[%swap3A_126] {strides = array<i32>} : memref<64xi32, #tpu.memory_space<vmem>>, vector<16xi32>,
      %swap3A_128 = vector.shape_cast %swap3A_127 : vector<16xi32> to vector<16xi32>
      %swap3A_129 = vector.shape_cast %shift_right_logical3A_125 : vector<16xi32> to vector<16xi32>
      tpu.vector_store %arg8[%swap3A_126], %swap3A_129 {strides = array<i32>} : memref<64xi32, #tpu.memory_space<vmem>>, vector<16xi32>,
      %and3A_130 = arith.constant 16383 : i32
      %and3A_131 = vector.broadcast %and3A_130 : i32 to vector<16xi32>
      %and3A_132 = arith.andi %get3A_122, %and3A_131 : vector<16xi32>
      %swap3A_133 = arith.constant 0 : index
      %swap3A_134 = tpu.vector_load %arg10[%swap3A_133] {strides = array<i32>} : memref<64xi32, #tpu.memory_space<vmem>>, vector<16xi32>,
      %swap3A_135 = vector.shape_cast %swap3A_134 : vector<16xi32> to vector<16xi32>
      %swap3A_136 = vector.shape_cast %and3A_132 : vector<16xi32> to vector<16xi32>
      tpu.vector_store %arg10[%swap3A_133], %swap3A_136 {strides = array<i32>} : memref<64xi32, #tpu.memory_space<vmem>>, vector<16xi32>,
      %get3A_137 = arith.index_cast %add3A_118 : i32 to index
      %get3A_138 = arith.constant 16 : index
      %get3A_139 = tpu.vector_load %arg6[%get3A_137, %get3A_138] {strides = array<i32>} : memref<162x64xi32, #tpu.memory_space<vmem>>, vector<1x16xi32>,
      %get3A_140 = vector.shape_cast %get3A_139 : vector<1x16xi32> to vector<16xi32>
      %shift_right_logical3A_141 = arith.constant 14 : i32
      %shift_right_logical3A_142 = vector.broadcast %shift_right_logical3A_141 : i32 to vector<16xi32>
      %shift_right_logical3A_143 = arith.shrui %get3A_140, %shift_right_logical3A_142 : vector<16xi32>
      %swap3A_144 = arith.constant 16 : index
      %swap3A_145 = tpu.vector_load %arg8[%swap3A_144] {strides = array<i32>} : memref<64xi32, #tpu.memory_space<vmem>>, vector<16xi32>,
      %swap3A_146 = vector.shape_cast %swap3A_145 : vector<16xi32> to vector<16xi32>
      %swap3A_147 = vector.shape_cast %shift_right_logical3A_143 : vector<16xi32> to vector<16xi32>
      tpu.vector_store %arg8[%swap3A_144], %swap3A_147 {strides = array<i32>} : memref<64xi32, #tpu.memory_space<vmem>>, vector<16xi32>,
      %and3A_148 = arith.constant 16383 : i32
      %and3A_149 = vector.broadcast %and3A_148 : i32 to vector<16xi32>
      %and3A_150 = arith.andi %get3A_140, %and3A_149 : vector<16xi32>
      %swap3A_151 = arith.constant 16 : index
      %swap3A_152 = tpu.vector_load %arg10[%swap3A_151] {strides = array<i32>} : memref<64xi32, #tpu.memory_space<vmem>>, vector<16xi32>,
      %swap3A_153 = vector.shape_cast %swap3A_152 : vector<16xi32> to vector<16xi32>
      %swap3A_154 = vector.shape_cast %and3A_150 : vector<16xi32> to vector<16xi32>
      tpu.vector_store %arg10[%swap3A_151], %swap3A_154 {strides = array<i32>} : memref<64xi32, #tpu.memory_space<vmem>>, vector<16xi32>,
      %get3A_155 = arith.index_cast %add3A_118 : i32 to index
      %get3A_156 = arith.constant 32 : index
      %get3A_157 = tpu.vector_load %arg6[%get3A_155, %get3A_156] {strides = array<i32>} : memref<162x64xi32, #tpu.memory_space<vmem>>, vector<1x16xi32>,
      %get3A_158 = vector.shape_cast %get3A_157 : vector<1x16xi32> to vector<16xi32>
      %shift_right_logical3A_159 = arith.constant 14 : i32
      %shift_right_logical3A_160 = vector.broadcast %shift_right_logical3A_159 : i32 to vector<16xi32>
      %shift_right_logical3A_161 = arith.shrui %get3A_158, %shift_right_logical3A_160 : vector<16xi32>
      %swap3A_162 = arith.constant 32 : index
      %swap3A_163 = tpu.vector_load %arg8[%swap3A_162] {strides = array<i32>} : memref<64xi32, #tpu.memory_space<vmem>>, vector<16xi32>,
      %swap3A_164 = vector.shape_cast %swap3A_163 : vector<16xi32> to vector<16xi32>
      %swap3A_165 = vector.shape_cast %shift_right_logical3A_161 : vector<16xi32> to vector<16xi32>
      tpu.vector_store %arg8[%swap3A_162], %swap3A_165 {strides = array<i32>} : memref<64xi32, #tpu.memory_space<vmem>>, vector<16xi32>,
      %and3A_166 = arith.constant 16383 : i32
      %and3A_167 = vector.broadcast %and3A_166 : i32 to vector<16xi32>
      %and3A_168 = arith.andi %get3A_158, %and3A_167 : vector<16xi32>
      %swap3A_169 = arith.constant 32 : index
      %swap3A_170 = tpu.vector_load %arg10[%swap3A_169] {strides = array<i32>} : memref<64xi32, #tpu.memory_space<vmem>>, vector<16xi32>,
      %swap3A_171 = vector.shape_cast %swap3A_170 : vector<16xi32> to vector<16xi32>
      %swap3A_172 = vector.shape_cast %and3A_168 : vector<16xi32> to vector<16xi32>
      tpu.vector_store %arg10[%swap3A_169], %swap3A_172 {strides = array<i32>} : memref<64xi32, #tpu.memory_space<vmem>>, vector<16xi32>,
      %get3A_173 = arith.index_cast %add3A_118 : i32 to index
      %get3A_174 = arith.constant 48 : index
      %get3A_175 = tpu.vector_load %arg6[%get3A_173, %get3A_174] {strides = array<i32>} : memref<162x64xi32, #tpu.memory_space<vmem>>, vector<1x16xi32>,
      %get3A_176 = vector.shape_cast %get3A_175 : vector<1x16xi32> to vector<16xi32>
      %shift_right_logical3A_177 = arith.constant 14 : i32
      %shift_right_logical3A_178 = vector.broadcast %shift_right_logical3A_177 : i32 to vector<16xi32>
      %shift_right_logical3A_179 = arith.shrui %get3A_176, %shift_right_logical3A_178 : vector<16xi32>
      %swap3A_180 = arith.constant 48 : index
      %swap3A_181 = tpu.vector_load %arg8[%swap3A_180] {strides = array<i32>} : memref<64xi32, #tpu.memory_space<vmem>>, vector<16xi32>,
      %swap3A_182 = vector.shape_cast %swap3A_181 : vector<16xi32> to vector<16xi32>
      %swap3A_183 = vector.shape_cast %shift_right_logical3A_179 : vector<16xi32> to vector<16xi32>
      tpu.vector_store %arg8[%swap3A_180], %swap3A_183 {strides = array<i32>} : memref<64xi32, #tpu.memory_space<vmem>>, vector<16xi32>,
      %and3A_184 = arith.constant 16383 : i32
      %and3A_185 = vector.broadcast %and3A_184 : i32 to vector<16xi32>
      %and3A_186 = arith.andi %get3A_176, %and3A_185 : vector<16xi32>
      %swap3A_187 = arith.constant 48 : index
      %swap3A_188 = tpu.vector_load %arg10[%swap3A_187] {strides = array<i32>} : memref<64xi32, #tpu.memory_space<vmem>>, vector<16xi32>,
      %swap3A_189 = vector.shape_cast %swap3A_188 : vector<16xi32> to vector<16xi32>
      %swap3A_190 = vector.shape_cast %and3A_186 : vector<16xi32> to vector<16xi32>
      tpu.vector_store %arg10[%swap3A_187], %swap3A_190 {strides = array<i32>} : memref<64xi32, #tpu.memory_space<vmem>>, vector<16xi32>,
      %dma_start3A_191 = arith.constant 0 : i32
      %dma_start3A_192 = arith.constant 0 : i32
      %dma_start3A_193 = tpu.memref_slice %arg2[%dma_start3A_191, %dma_start3A_192] : memref<10000x144xf32, #tpu.memory_space<hbm>> -> memref<10000x144xf32, #tpu.memory_space<hbm>>
      tpu.enqueue_indirect_dma source(%dma_start3A_193 : memref<10000x144xf32, #tpu.memory_space<hbm>>) target(%arg12 : memref<64x144xf32, #tpu.memory_space<vmem>>) offsets(%arg8 : memref<64xi32, #tpu.memory_space<vmem>>) semaphore(%arg17 : memref<!tpu.dma_semaphore, #tpu.memory_space<semaphore_mem>>)
      %dma_start3A_194 = arith.constant 0 : i32
      %dma_start3A_195 = arith.constant 0 : i32
      %dma_start3A_196 = tpu.memref_slice %arg3[%dma_start3A_194, %dma_start3A_195] : memref<10000x32xf32, #tpu.memory_space<hbm>> -> memref<10000x32xf32, #tpu.memory_space<hbm>>
      tpu.enqueue_indirect_dma source(%dma_start3A_196 : memref<10000x32xf32, #tpu.memory_space<hbm>>) target(%arg14 : memref<64x32xf32, #tpu.memory_space<vmem>>) offsets(%arg10 : memref<64xi32, #tpu.memory_space<vmem>>) semaphore(%arg19 : memref<!tpu.dma_semaphore, #tpu.memory_space<semaphore_mem>>)
      %dma_wait3A_197 = arith.constant 0 : i32
      %dma_wait3A_198 = arith.constant 0 : i32
      %dma_wait3A_199 = tpu.memref_slice %arg2[%dma_wait3A_197, %dma_wait3A_198] : memref<10000x144xf32, #tpu.memory_space<hbm>> -> memref<10000x144xf32, #tpu.memory_space<hbm>>
      tpu.wait_indirect_dma semaphore(%arg16 : memref<!tpu.dma_semaphore, #tpu.memory_space<semaphore_mem>>) src(%dma_wait3A_199 : memref<10000x144xf32, #tpu.memory_space<hbm>>) dst(%arg11 : memref<64x144xf32, #tpu.memory_space<vmem>>)
      %dma_wait3A_200 = arith.constant 0 : i32
      %dma_wait3A_201 = arith.constant 0 : i32
      %dma_wait3A_202 = tpu.memref_slice %arg3[%dma_wait3A_200, %dma_wait3A_201] : memref<10000x32xf32, #tpu.memory_space<hbm>> -> memref<10000x32xf32, #tpu.memory_space<hbm>>
      tpu.wait_indirect_dma semaphore(%arg18 : memref<!tpu.dma_semaphore, #tpu.memory_space<semaphore_mem>>) src(%dma_wait3A_202 : memref<10000x32xf32, #tpu.memory_space<hbm>>) dst(%arg13 : memref<64x32xf32, #tpu.memory_space<vmem>>)
      %parallel_loop3A_203 = arith.constant 0 : i32
      %parallel_loop3A_204 = arith.constant 64 : i32
      %parallel_loop3A_205 = arith.constant 1 : i32
      scf.for %parallel_loop3A_298 = %parallel_loop3A_203 to %parallel_loop3A_204 step %parallel_loop3A_205  : i32 {
        %parallel_loop3A_299 = arith.index_cast %parallel_loop3A_298 : i32 to index
        %parallel_loop3A_300 = arith.constant 128 : index
        %parallel_loop3A_301 = tpu.vector_load %arg11[%parallel_loop3A_299, %parallel_loop3A_300] {strides = array<i32>} : memref<64x144xf32, #tpu.memory_space<vmem>>, vector<1x16xf32>,
        %parallel_loop3A_302 = vector.shape_cast %parallel_loop3A_301 : vector<1x16xf32> to vector<16xf32>
        %parallel_loop3A_303 = arith.index_cast %parallel_loop3A_298 : i32 to index
        %parallel_loop3A_304 = arith.constant 0 : index
        %parallel_loop3A_305 = tpu.vector_load %arg13[%parallel_loop3A_303, %parallel_loop3A_304] {strides = array<i32>} : memref<64x32xf32, #tpu.memory_space<vmem>>, vector<1x16xf32>,
        %parallel_loop3A_306 = vector.shape_cast %parallel_loop3A_305 : vector<1x16xf32> to vector<16xf32>
        %parallel_loop3A_307 = arith.index_cast %parallel_loop3A_298 : i32 to index
        %parallel_loop3A_308 = arith.constant 16 : index
        %parallel_loop3A_309 = tpu.vector_load %arg13[%parallel_loop3A_307, %parallel_loop3A_308] {strides = array<i32>} : memref<64x32xf32, #tpu.memory_space<vmem>>, vector<1x16xf32>,
        %parallel_loop3A_310 = vector.shape_cast %parallel_loop3A_309 : vector<1x16xf32> to vector<16xf32>
        %parallel_loop3A_311 = arith.addf %parallel_loop3A_302, %parallel_loop3A_306 : vector<16xf32>
        %parallel_loop3A_312 = arith.constant 0.000000e+00 : f32
        %parallel_loop3A_313 = vector.broadcast %parallel_loop3A_312 : f32 to vector<16xf32>
        %parallel_loop3A_314 = arith.cmpf ogt, %parallel_loop3A_311, %parallel_loop3A_313 : vector<16xf32>
        %parallel_loop3A_315 = arith.constant 2.000000e-01 : f32
        %parallel_loop3A_316 = vector.broadcast %parallel_loop3A_315 : f32 to vector<16xf32>
        %parallel_loop3A_317 = arith.mulf %parallel_loop3A_316, %parallel_loop3A_311 : vector<16xf32>
        %parallel_loop3A_318 = arith.select %parallel_loop3A_314, %parallel_loop3A_311, %parallel_loop3A_317 : vector<16xi1>, vector<16xf32>
        %parallel_loop3A_319 = arith.subf %parallel_loop3A_318, %parallel_loop3A_310 : vector<16xf32>
        %parallel_loop3A_320 = math.exp %parallel_loop3A_319 : vector<16xf32>
        %parallel_loop3A_321 = arith.index_cast %parallel_loop3A_298 : i32 to index
        %parallel_loop3A_322 = arith.constant 128 : index
        %parallel_loop3A_323 = tpu.vector_load %arg11[%parallel_loop3A_321, %parallel_loop3A_322] {strides = array<i32>} : memref<64x144xf32, #tpu.memory_space<vmem>>, vector<1x16xf32>,
        %parallel_loop3A_324 = vector.shape_cast %parallel_loop3A_323 : vector<1x16xf32> to vector<16xf32>
        %parallel_loop3A_325 = vector.shape_cast %parallel_loop3A_320 : vector<16xf32> to vector<1x16xf32>
        tpu.vector_store %arg11[%parallel_loop3A_321, %parallel_loop3A_322], %parallel_loop3A_325 {strides = array<i32>} : memref<64x144xf32, #tpu.memory_space<vmem>>, vector<1x16xf32>,
        %parallel_loop3A_326 = arith.constant 0 : i32
        %parallel_loop3A_327 = vector.broadcast %parallel_loop3A_326 : i32 to vector<16x1xi32>
        %parallel_loop3A_328 = vector.shape_cast %parallel_loop3A_327 : vector<16x1xi32> to vector<16xi32>
        %parallel_loop3A_329 = tpu.dynamic_gather %parallel_loop3A_320[%parallel_loop3A_328] in [0] : vector<16xf32>, vector<16xi32> -> vector<16xf32>
        %parallel_loop3A_330 = arith.index_cast %parallel_loop3A_298 : i32 to index
        %parallel_loop3A_331 = arith.constant 0 : index
        %parallel_loop3A_332 = tpu.vector_load %arg11[%parallel_loop3A_330, %parallel_loop3A_331] {strides = array<i32>} : memref<64x144xf32, #tpu.memory_space<vmem>>, vector<1x16xf32>,
        %parallel_loop3A_333 = vector.shape_cast %parallel_loop3A_332 : vector<1x16xf32> to vector<16xf32>
        %parallel_loop3A_334 = arith.mulf %parallel_loop3A_333, %parallel_loop3A_329 : vector<16xf32>
        %parallel_loop3A_335 = arith.index_cast %parallel_loop3A_298 : i32 to index
        %parallel_loop3A_336 = arith.constant 0 : index
        %parallel_loop3A_337 = tpu.vector_load %arg11[%parallel_loop3A_335, %parallel_loop3A_336] {strides = array<i32>} : memref<64x144xf32, #tpu.memory_space<vmem>>, vector<1x16xf32>,
        %parallel_loop3A_338 = vector.shape_cast %parallel_loop3A_337 : vector<1x16xf32> to vector<16xf32>
        %parallel_loop3A_339 = vector.shape_cast %parallel_loop3A_334 : vector<16xf32> to vector<1x16xf32>
        tpu.vector_store %arg11[%parallel_loop3A_335, %parallel_loop3A_336], %parallel_loop3A_339 {strides = array<i32>} : memref<64x144xf32, #tpu.memory_space<vmem>>, vector<1x16xf32>,
        %parallel_loop3A_340 = arith.constant 1 : i32
        %parallel_loop3A_341 = vector.broadcast %parallel_loop3A_340 : i32 to vector<16x1xi32>
        %parallel_loop3A_342 = vector.shape_cast %parallel_loop3A_341 : vector<16x1xi32> to vector<16xi32>
        %parallel_loop3A_343 = tpu.dynamic_gather %parallel_loop3A_320[%parallel_loop3A_342] in [0] : vector<16xf32>, vector<16xi32> -> vector<16xf32>
        %parallel_loop3A_344 = arith.index_cast %parallel_loop3A_298 : i32 to index
        %parallel_loop3A_345 = arith.constant 16 : index
        %parallel_loop3A_346 = tpu.vector_load %arg11[%parallel_loop3A_344, %parallel_loop3A_345] {strides = array<i32>} : memref<64x144xf32, #tpu.memory_space<vmem>>, vector<1x16xf32>,
        %parallel_loop3A_347 = vector.shape_cast %parallel_loop3A_346 : vector<1x16xf32> to vector<16xf32>
        %parallel_loop3A_348 = arith.mulf %parallel_loop3A_347, %parallel_loop3A_343 : vector<16xf32>
        %parallel_loop3A_349 = arith.index_cast %parallel_loop3A_298 : i32 to index
        %parallel_loop3A_350 = arith.constant 16 : index
        %parallel_loop3A_351 = tpu.vector_load %arg11[%parallel_loop3A_349, %parallel_loop3A_350] {strides = array<i32>} : memref<64x144xf32, #tpu.memory_space<vmem>>, vector<1x16xf32>,
        %parallel_loop3A_352 = vector.shape_cast %parallel_loop3A_351 : vector<1x16xf32> to vector<16xf32>
        %parallel_loop3A_353 = vector.shape_cast %parallel_loop3A_348 : vector<16xf32> to vector<1x16xf32>
        tpu.vector_store %arg11[%parallel_loop3A_349, %parallel_loop3A_350], %parallel_loop3A_353 {strides = array<i32>} : memref<64x144xf32, #tpu.memory_space<vmem>>, vector<1x16xf32>,
        %parallel_loop3A_354 = arith.constant 2 : i32
        %parallel_loop3A_355 = vector.broadcast %parallel_loop3A_354 : i32 to vector<16x1xi32>
        %parallel_loop3A_356 = vector.shape_cast %parallel_loop3A_355 : vector<16x1xi32> to vector<16xi32>
        %parallel_loop3A_357 = tpu.dynamic_gather %parallel_loop3A_320[%parallel_loop3A_356] in [0] : vector<16xf32>, vector<16xi32> -> vector<16xf32>
        %parallel_loop3A_358 = arith.index_cast %parallel_loop3A_298 : i32 to index
        %parallel_loop3A_359 = arith.constant 32 : index
        %parallel_loop3A_360 = tpu.vector_load %arg11[%parallel_loop3A_358, %parallel_loop3A_359] {strides = array<i32>} : memref<64x144xf32, #tpu.memory_space<vmem>>, vector<1x16xf32>,
        %parallel_loop3A_361 = vector.shape_cast %parallel_loop3A_360 : vector<1x16xf32> to vector<16xf32>
        %parallel_loop3A_362 = arith.mulf %parallel_loop3A_361, %parallel_loop3A_357 : vector<16xf32>
        %parallel_loop3A_363 = arith.index_cast %parallel_loop3A_298 : i32 to index
        %parallel_loop3A_364 = arith.constant 32 : index
        %parallel_loop3A_365 = tpu.vector_load %arg11[%parallel_loop3A_363, %parallel_loop3A_364] {strides = array<i32>} : memref<64x144xf32, #tpu.memory_space<vmem>>, vector<1x16xf32>,
        %parallel_loop3A_366 = vector.shape_cast %parallel_loop3A_365 : vector<1x16xf32> to vector<16xf32>
        %parallel_loop3A_367 = vector.shape_cast %parallel_loop3A_362 : vector<16xf32> to vector<1x16xf32>
        tpu.vector_store %arg11[%parallel_loop3A_363, %parallel_loop3A_364], %parallel_loop3A_367 {strides = array<i32>} : memref<64x144xf32, #tpu.memory_space<vmem>>, vector<1x16xf32>,
        %parallel_loop3A_368 = arith.constant 3 : i32
        %parallel_loop3A_369 = vector.broadcast %parallel_loop3A_368 : i32 to vector<16x1xi32>
        %parallel_loop3A_370 = vector.shape_cast %parallel_loop3A_369 : vector<16x1xi32> to vector<16xi32>
        %parallel_loop3A_371 = tpu.dynamic_gather %parallel_loop3A_320[%parallel_loop3A_370] in [0] : vector<16xf32>, vector<16xi32> -> vector<16xf32>
        %parallel_loop3A_372 = arith.index_cast %parallel_loop3A_298 : i32 to index
        %parallel_loop3A_373 = arith.constant 48 : index
        %parallel_loop3A_374 = tpu.vector_load %arg11[%parallel_loop3A_372, %parallel_loop3A_373] {strides = array<i32>} : memref<64x144xf32, #tpu.memory_space<vmem>>, vector<1x16xf32>,
        %parallel_loop3A_375 = vector.shape_cast %parallel_loop3A_374 : vector<1x16xf32> to vector<16xf32>
        %parallel_loop3A_376 = arith.mulf %parallel_loop3A_375, %parallel_loop3A_371 : vector<16xf32>
        %parallel_loop3A_377 = arith.index_cast %parallel_loop3A_298 : i32 to index
        %parallel_loop3A_378 = arith.constant 48 : index
        %parallel_loop3A_379 = tpu.vector_load %arg11[%parallel_loop3A_377, %parallel_loop3A_378] {strides = array<i32>} : memref<64x144xf32, #tpu.memory_space<vmem>>, vector<1x16xf32>,
        %parallel_loop3A_380 = vector.shape_cast %parallel_loop3A_379 : vector<1x16xf32> to vector<16xf32>
        %parallel_loop3A_381 = vector.shape_cast %parallel_loop3A_376 : vector<16xf32> to vector<1x16xf32>
        tpu.vector_store %arg11[%parallel_loop3A_377, %parallel_loop3A_378], %parallel_loop3A_381 {strides = array<i32>} : memref<64x144xf32, #tpu.memory_space<vmem>>, vector<1x16xf32>,
        %parallel_loop3A_382 = arith.constant 4 : i32
        %parallel_loop3A_383 = vector.broadcast %parallel_loop3A_382 : i32 to vector<16x1xi32>
        %parallel_loop3A_384 = vector.shape_cast %parallel_loop3A_383 : vector<16x1xi32> to vector<16xi32>
        %parallel_loop3A_385 = tpu.dynamic_gather %parallel_loop3A_320[%parallel_loop3A_384] in [0] : vector<16xf32>, vector<16xi32> -> vector<16xf32>
        %parallel_loop3A_386 = arith.index_cast %parallel_loop3A_298 : i32 to index
        %parallel_loop3A_387 = arith.constant 64 : index
        %parallel_loop3A_388 = tpu.vector_load %arg11[%parallel_loop3A_386, %parallel_loop3A_387] {strides = array<i32>} : memref<64x144xf32, #tpu.memory_space<vmem>>, vector<1x16xf32>,
        %parallel_loop3A_389 = vector.shape_cast %parallel_loop3A_388 : vector<1x16xf32> to vector<16xf32>
        %parallel_loop3A_390 = arith.mulf %parallel_loop3A_389, %parallel_loop3A_385 : vector<16xf32>
        %parallel_loop3A_391 = arith.index_cast %parallel_loop3A_298 : i32 to index
        %parallel_loop3A_392 = arith.constant 64 : index
        %parallel_loop3A_393 = tpu.vector_load %arg11[%parallel_loop3A_391, %parallel_loop3A_392] {strides = array<i32>} : memref<64x144xf32, #tpu.memory_space<vmem>>, vector<1x16xf32>,
        %parallel_loop3A_394 = vector.shape_cast %parallel_loop3A_393 : vector<1x16xf32> to vector<16xf32>
        %parallel_loop3A_395 = vector.shape_cast %parallel_loop3A_390 : vector<16xf32> to vector<1x16xf32>
        tpu.vector_store %arg11[%parallel_loop3A_391, %parallel_loop3A_392], %parallel_loop3A_395 {strides = array<i32>} : memref<64x144xf32, #tpu.memory_space<vmem>>, vector<1x16xf32>,
        %parallel_loop3A_396 = arith.constant 5 : i32
        %parallel_loop3A_397 = vector.broadcast %parallel_loop3A_396 : i32 to vector<16x1xi32>
        %parallel_loop3A_398 = vector.shape_cast %parallel_loop3A_397 : vector<16x1xi32> to vector<16xi32>
        %parallel_loop3A_399 = tpu.dynamic_gather %parallel_loop3A_320[%parallel_loop3A_398] in [0] : vector<16xf32>, vector<16xi32> -> vector<16xf32>
        %parallel_loop3A_400 = arith.index_cast %parallel_loop3A_298 : i32 to index
        %parallel_loop3A_401 = arith.constant 80 : index
        %parallel_loop3A_402 = tpu.vector_load %arg11[%parallel_loop3A_400, %parallel_loop3A_401] {strides = array<i32>} : memref<64x144xf32, #tpu.memory_space<vmem>>, vector<1x16xf32>,
        %parallel_loop3A_403 = vector.shape_cast %parallel_loop3A_402 : vector<1x16xf32> to vector<16xf32>
        %parallel_loop3A_404 = arith.mulf %parallel_loop3A_403, %parallel_loop3A_399 : vector<16xf32>
        %parallel_loop3A_405 = arith.index_cast %parallel_loop3A_298 : i32 to index
        %parallel_loop3A_406 = arith.constant 80 : index
        %parallel_loop3A_407 = tpu.vector_load %arg11[%parallel_loop3A_405, %parallel_loop3A_406] {strides = array<i32>} : memref<64x144xf32, #tpu.memory_space<vmem>>, vector<1x16xf32>,
        %parallel_loop3A_408 = vector.shape_cast %parallel_loop3A_407 : vector<1x16xf32> to vector<16xf32>
        %parallel_loop3A_409 = vector.shape_cast %parallel_loop3A_404 : vector<16xf32> to vector<1x16xf32>
        tpu.vector_store %arg11[%parallel_loop3A_405, %parallel_loop3A_406], %parallel_loop3A_409 {strides = array<i32>} : memref<64x144xf32, #tpu.memory_space<vmem>>, vector<1x16xf32>,
        %parallel_loop3A_410 = arith.constant 6 : i32
        %parallel_loop3A_411 = vector.broadcast %parallel_loop3A_410 : i32 to vector<16x1xi32>
        %parallel_loop3A_412 = vector.shape_cast %parallel_loop3A_411 : vector<16x1xi32> to vector<16xi32>
        %parallel_loop3A_413 = tpu.dynamic_gather %parallel_loop3A_320[%parallel_loop3A_412] in [0] : vector<16xf32>, vector<16xi32> -> vector<16xf32>
        %parallel_loop3A_414 = arith.index_cast %parallel_loop3A_298 : i32 to index
        %parallel_loop3A_415 = arith.constant 96 : index
        %parallel_loop3A_416 = tpu.vector_load %arg11[%parallel_loop3A_414, %parallel_loop3A_415] {strides = array<i32>} : memref<64x144xf32, #tpu.memory_space<vmem>>, vector<1x16xf32>,
        %parallel_loop3A_417 = vector.shape_cast %parallel_loop3A_416 : vector<1x16xf32> to vector<16xf32>
        %parallel_loop3A_418 = arith.mulf %parallel_loop3A_417, %parallel_loop3A_413 : vector<16xf32>
        %parallel_loop3A_419 = arith.index_cast %parallel_loop3A_298 : i32 to index
        %parallel_loop3A_420 = arith.constant 96 : index
        %parallel_loop3A_421 = tpu.vector_load %arg11[%parallel_loop3A_419, %parallel_loop3A_420] {strides = array<i32>} : memref<64x144xf32, #tpu.memory_space<vmem>>, vector<1x16xf32>,
        %parallel_loop3A_422 = vector.shape_cast %parallel_loop3A_421 : vector<1x16xf32> to vector<16xf32>
        %parallel_loop3A_423 = vector.shape_cast %parallel_loop3A_418 : vector<16xf32> to vector<1x16xf32>
        tpu.vector_store %arg11[%parallel_loop3A_419, %parallel_loop3A_420], %parallel_loop3A_423 {strides = array<i32>} : memref<64x144xf32, #tpu.memory_space<vmem>>, vector<1x16xf32>,
        %parallel_loop3A_424 = arith.constant 7 : i32
        %parallel_loop3A_425 = vector.broadcast %parallel_loop3A_424 : i32 to vector<16x1xi32>
        %parallel_loop3A_426 = vector.shape_cast %parallel_loop3A_425 : vector<16x1xi32> to vector<16xi32>
        %parallel_loop3A_427 = tpu.dynamic_gather %parallel_loop3A_320[%parallel_loop3A_426] in [0] : vector<16xf32>, vector<16xi32> -> vector<16xf32>
        %parallel_loop3A_428 = arith.index_cast %parallel_loop3A_298 : i32 to index
        %parallel_loop3A_429 = arith.constant 112 : index
        %parallel_loop3A_430 = tpu.vector_load %arg11[%parallel_loop3A_428, %parallel_loop3A_429] {strides = array<i32>} : memref<64x144xf32, #tpu.memory_space<vmem>>, vector<1x16xf32>,
        %parallel_loop3A_431 = vector.shape_cast %parallel_loop3A_430 : vector<1x16xf32> to vector<16xf32>
        %parallel_loop3A_432 = arith.mulf %parallel_loop3A_431, %parallel_loop3A_427 : vector<16xf32>
        %parallel_loop3A_433 = arith.index_cast %parallel_loop3A_298 : i32 to index
        %parallel_loop3A_434 = arith.constant 112 : index
        %parallel_loop3A_435 = tpu.vector_load %arg11[%parallel_loop3A_433, %parallel_loop3A_434] {strides = array<i32>} : memref<64x144xf32, #tpu.memory_space<vmem>>, vector<1x16xf32>,
        %parallel_loop3A_436 = vector.shape_cast %parallel_loop3A_435 : vector<1x16xf32> to vector<16xf32>
        %parallel_loop3A_437 = vector.shape_cast %parallel_loop3A_432 : vector<16xf32> to vector<1x16xf32>
        tpu.vector_store %arg11[%parallel_loop3A_433, %parallel_loop3A_434], %parallel_loop3A_437 {strides = array<i32>} : memref<64x144xf32, #tpu.memory_space<vmem>>, vector<1x16xf32>,
      } {sc.loop_unroll_factor = 4 : i64, sc.parallel_access}
      "tpu.region"() ({
        %run_scoped3A = tpu.sem_alloc : memref<!tpu.dma_semaphore, #tpu.memory_space<semaphore_mem>>
        %dma_start3A_298 = arith.constant 0 : i32
        %dma_start3A_299 = arith.constant 0 : i32
        %dma_start3A_300 = tpu.memref_slice %arg15[%dma_start3A_298, %dma_start3A_299] : memref<10000x144xf32, #tpu.memory_space<vmem_shared>> -> memref<10000x144xf32, #tpu.memory_space<vmem_shared>>
        tpu.enqueue_indirect_dma source(%arg11 : memref<64x144xf32, #tpu.memory_space<vmem>>) target(%dma_start3A_300 : memref<10000x144xf32, #tpu.memory_space<vmem_shared>>) offsets(%arg9 : memref<64xi32, #tpu.memory_space<vmem>>) semaphore(%run_scoped3A : memref<!tpu.dma_semaphore, #tpu.memory_space<semaphore_mem>>) {add = true}
        %dma_wait3A_301 = arith.constant 0 : i32
        %dma_wait3A_302 = arith.constant 0 : i32
        %dma_wait3A_303 = tpu.memref_slice %arg15[%dma_wait3A_301, %dma_wait3A_302] : memref<10000x144xf32, #tpu.memory_space<vmem_shared>> -> memref<10000x144xf32, #tpu.memory_space<vmem_shared>>
        tpu.wait_indirect_dma semaphore(%run_scoped3A : memref<!tpu.dma_semaphore, #tpu.memory_space<semaphore_mem>>) src(%arg11 : memref<64x144xf32, #tpu.memory_space<vmem>>) dst(%dma_wait3A_303 : memref<10000x144xf32, #tpu.memory_space<vmem_shared>>)
        tpu.yield
      }) : () -> ()
      %mul3A_206 = arith.constant 2 : i32
      %mul3A_207 = arith.muli %mul3A_206, %scan3A_114 : i32
      %add3A_208 = arith.constant 2 : i32
      %add3A_209 = arith.addi %mul3A_207, %add3A_208 : i32
      %rem3A = arith.constant 162 : i32
      %rem3A_210 = arith.remsi %add3A_209, %rem3A : i32
      %get3A_211 = arith.index_cast %rem3A_210 : i32 to index
      %get3A_212 = arith.constant 0 : index
      %get3A_213 = tpu.vector_load %arg6[%get3A_211, %get3A_212] {strides = array<i32>} : memref<162x64xi32, #tpu.memory_space<vmem>>, vector<1x16xi32>,
      %get3A_214 = vector.shape_cast %get3A_213 : vector<1x16xi32> to vector<16xi32>
      %shift_right_logical3A_215 = arith.constant 14 : i32
      %shift_right_logical3A_216 = vector.broadcast %shift_right_logical3A_215 : i32 to vector<16xi32>
      %shift_right_logical3A_217 = arith.shrui %get3A_214, %shift_right_logical3A_216 : vector<16xi32>
      %swap3A_218 = arith.constant 0 : index
      %swap3A_219 = tpu.vector_load %arg7[%swap3A_218] {strides = array<i32>} : memref<64xi32, #tpu.memory_space<vmem>>, vector<16xi32>,
      %swap3A_220 = vector.shape_cast %swap3A_219 : vector<16xi32> to vector<16xi32>
      %swap3A_221 = vector.shape_cast %shift_right_logical3A_217 : vector<16xi32> to vector<16xi32>
      tpu.vector_store %arg7[%swap3A_218], %swap3A_221 {strides = array<i32>} : memref<64xi32, #tpu.memory_space<vmem>>, vector<16xi32>,
      %and3A_222 = arith.constant 16383 : i32
      %and3A_223 = vector.broadcast %and3A_222 : i32 to vector<16xi32>
      %and3A_224 = arith.andi %get3A_214, %and3A_223 : vector<16xi32>
      %swap3A_225 = arith.constant 0 : index
      %swap3A_226 = tpu.vector_load %arg9[%swap3A_225] {strides = array<i32>} : memref<64xi32, #tpu.memory_space<vmem>>, vector<16xi32>,
      %swap3A_227 = vector.shape_cast %swap3A_226 : vector<16xi32> to vector<16xi32>
      %swap3A_228 = vector.shape_cast %and3A_224 : vector<16xi32> to vector<16xi32>
      tpu.vector_store %arg9[%swap3A_225], %swap3A_228 {strides = array<i32>} : memref<64xi32, #tpu.memory_space<vmem>>, vector<16xi32>,
      %get3A_229 = arith.index_cast %rem3A_210 : i32 to index
      %get3A_230 = arith.constant 16 : index
      %get3A_231 = tpu.vector_load %arg6[%get3A_229, %get3A_230] {strides = array<i32>} : memref<162x64xi32, #tpu.memory_space<vmem>>, vector<1x16xi32>,
      %get3A_232 = vector.shape_cast %get3A_231 : vector<1x16xi32> to vector<16xi32>
      %shift_right_logical3A_233 = arith.constant 14 : i32
      %shift_right_logical3A_234 = vector.broadcast %shift_right_logical3A_233 : i32 to vector<16xi32>
      %shift_right_logical3A_235 = arith.shrui %get3A_232, %shift_right_logical3A_234 : vector<16xi32>
      %swap3A_236 = arith.constant 16 : index
      %swap3A_237 = tpu.vector_load %arg7[%swap3A_236] {strides = array<i32>} : memref<64xi32, #tpu.memory_space<vmem>>, vector<16xi32>,
      %swap3A_238 = vector.shape_cast %swap3A_237 : vector<16xi32> to vector<16xi32>
      %swap3A_239 = vector.shape_cast %shift_right_logical3A_235 : vector<16xi32> to vector<16xi32>
      tpu.vector_store %arg7[%swap3A_236], %swap3A_239 {strides = array<i32>} : memref<64xi32, #tpu.memory_space<vmem>>, vector<16xi32>,
      %and3A_240 = arith.constant 16383 : i32
      %and3A_241 = vector.broadcast %and3A_240 : i32 to vector<16xi32>
      %and3A_242 = arith.andi %get3A_232, %and3A_241 : vector<16xi32>
      %swap3A_243 = arith.constant 16 : index
      %swap3A_244 = tpu.vector_load %arg9[%swap3A_243] {strides = array<i32>} : memref<64xi32, #tpu.memory_space<vmem>>, vector<16xi32>,
      %swap3A_245 = vector.shape_cast %swap3A_244 : vector<16xi32> to vector<16xi32>
      %swap3A_246 = vector.shape_cast %and3A_242 : vector<16xi32> to vector<16xi32>
      tpu.vector_store %arg9[%swap3A_243], %swap3A_246 {strides = array<i32>} : memref<64xi32, #tpu.memory_space<vmem>>, vector<16xi32>,
      %get3A_247 = arith.index_cast %rem3A_210 : i32 to index
      %get3A_248 = arith.constant 32 : index
      %get3A_249 = tpu.vector_load %arg6[%get3A_247, %get3A_248] {strides = array<i32>} : memref<162x64xi32, #tpu.memory_space<vmem>>, vector<1x16xi32>,
      %get3A_250 = vector.shape_cast %get3A_249 : vector<1x16xi32> to vector<16xi32>
      %shift_right_logical3A_251 = arith.constant 14 : i32
      %shift_right_logical3A_252 = vector.broadcast %shift_right_logical3A_251 : i32 to vector<16xi32>
      %shift_right_logical3A_253 = arith.shrui %get3A_250, %shift_right_logical3A_252 : vector<16xi32>
      %swap3A_254 = arith.constant 32 : index
      %swap3A_255 = tpu.vector_load %arg7[%swap3A_254] {strides = array<i32>} : memref<64xi32, #tpu.memory_space<vmem>>, vector<16xi32>,
      %swap3A_256 = vector.shape_cast %swap3A_255 : vector<16xi32> to vector<16xi32>
      %swap3A_257 = vector.shape_cast %shift_right_logical3A_253 : vector<16xi32> to vector<16xi32>
      tpu.vector_store %arg7[%swap3A_254], %swap3A_257 {strides = array<i32>} : memref<64xi32, #tpu.memory_space<vmem>>, vector<16xi32>,
      %and3A_258 = arith.constant 16383 : i32
      %and3A_259 = vector.broadcast %and3A_258 : i32 to vector<16xi32>
      %and3A_260 = arith.andi %get3A_250, %and3A_259 : vector<16xi32>
      %swap3A_261 = arith.constant 32 : index
      %swap3A_262 = tpu.vector_load %arg9[%swap3A_261] {strides = array<i32>} : memref<64xi32, #tpu.memory_space<vmem>>, vector<16xi32>,
      %swap3A_263 = vector.shape_cast %swap3A_262 : vector<16xi32> to vector<16xi32>
      %swap3A_264 = vector.shape_cast %and3A_260 : vector<16xi32> to vector<16xi32>
      tpu.vector_store %arg9[%swap3A_261], %swap3A_264 {strides = array<i32>} : memref<64xi32, #tpu.memory_space<vmem>>, vector<16xi32>,
      %get3A_265 = arith.index_cast %rem3A_210 : i32 to index
      %get3A_266 = arith.constant 48 : index
      %get3A_267 = tpu.vector_load %arg6[%get3A_265, %get3A_266] {strides = array<i32>} : memref<162x64xi32, #tpu.memory_space<vmem>>, vector<1x16xi32>,
      %get3A_268 = vector.shape_cast %get3A_267 : vector<1x16xi32> to vector<16xi32>
      %shift_right_logical3A_269 = arith.constant 14 : i32
      %shift_right_logical3A_270 = vector.broadcast %shift_right_logical3A_269 : i32 to vector<16xi32>
      %shift_right_logical3A_271 = arith.shrui %get3A_268, %shift_right_logical3A_270 : vector<16xi32>
      %swap3A_272 = arith.constant 48 : index
      %swap3A_273 = tpu.vector_load %arg7[%swap3A_272] {strides = array<i32>} : memref<64xi32, #tpu.memory_space<vmem>>, vector<16xi32>,
      %swap3A_274 = vector.shape_cast %swap3A_273 : vector<16xi32> to vector<16xi32>
      %swap3A_275 = vector.shape_cast %shift_right_logical3A_271 : vector<16xi32> to vector<16xi32>
      tpu.vector_store %arg7[%swap3A_272], %swap3A_275 {strides = array<i32>} : memref<64xi32, #tpu.memory_space<vmem>>, vector<16xi32>,
      %and3A_276 = arith.constant 16383 : i32
      %and3A_277 = vector.broadcast %and3A_276 : i32 to vector<16xi32>
      %and3A_278 = arith.andi %get3A_268, %and3A_277 : vector<16xi32>
      %swap3A_279 = arith.constant 48 : index
      %swap3A_280 = tpu.vector_load %arg9[%swap3A_279] {strides = array<i32>} : memref<64xi32, #tpu.memory_space<vmem>>, vector<16xi32>,
      %swap3A_281 = vector.shape_cast %swap3A_280 : vector<16xi32> to vector<16xi32>
      %swap3A_282 = vector.shape_cast %and3A_278 : vector<16xi32> to vector<16xi32>
      tpu.vector_store %arg9[%swap3A_279], %swap3A_282 {strides = array<i32>} : memref<64xi32, #tpu.memory_space<vmem>>, vector<16xi32>,
      %dma_start3A_283 = arith.constant 0 : i32
      %dma_start3A_284 = arith.constant 0 : i32
      %dma_start3A_285 = tpu.memref_slice %arg2[%dma_start3A_283, %dma_start3A_284] : memref<10000x144xf32, #tpu.memory_space<hbm>> -> memref<10000x144xf32, #tpu.memory_space<hbm>>
      tpu.enqueue_indirect_dma source(%dma_start3A_285 : memref<10000x144xf32, #tpu.memory_space<hbm>>) target(%arg11 : memref<64x144xf32, #tpu.memory_space<vmem>>) offsets(%arg7 : memref<64xi32, #tpu.memory_space<vmem>>) semaphore(%arg16 : memref<!tpu.dma_semaphore, #tpu.memory_space<semaphore_mem>>)
      %dma_start3A_286 = arith.constant 0 : i32
      %dma_start3A_287 = arith.constant 0 : i32
      %dma_start3A_288 = tpu.memref_slice %arg3[%dma_start3A_286, %dma_start3A_287] : memref<10000x32xf32, #tpu.memory_space<hbm>> -> memref<10000x32xf32, #tpu.memory_space<hbm>>
      tpu.enqueue_indirect_dma source(%dma_start3A_288 : memref<10000x32xf32, #tpu.memory_space<hbm>>) target(%arg13 : memref<64x32xf32, #tpu.memory_space<vmem>>) offsets(%arg9 : memref<64xi32, #tpu.memory_space<vmem>>) semaphore(%arg18 : memref<!tpu.dma_semaphore, #tpu.memory_space<semaphore_mem>>)
      %dma_wait3A_289 = arith.constant 0 : i32
      %dma_wait3A_290 = arith.constant 0 : i32
      %dma_wait3A_291 = tpu.memref_slice %arg2[%dma_wait3A_289, %dma_wait3A_290] : memref<10000x144xf32, #tpu.memory_space<hbm>> -> memref<10000x144xf32, #tpu.memory_space<hbm>>
      tpu.wait_indirect_dma semaphore(%arg17 : memref<!tpu.dma_semaphore, #tpu.memory_space<semaphore_mem>>) src(%dma_wait3A_291 : memref<10000x144xf32, #tpu.memory_space<hbm>>) dst(%arg12 : memref<64x144xf32, #tpu.memory_space<vmem>>)
      %dma_wait3A_292 = arith.constant 0 : i32
      %dma_wait3A_293 = arith.constant 0 : i32
      %dma_wait3A_294 = tpu.memref_slice %arg3[%dma_wait3A_292, %dma_wait3A_293] : memref<10000x32xf32, #tpu.memory_space<hbm>> -> memref<10000x32xf32, #tpu.memory_space<hbm>>
      tpu.wait_indirect_dma semaphore(%arg19 : memref<!tpu.dma_semaphore, #tpu.memory_space<semaphore_mem>>) src(%dma_wait3A_294 : memref<10000x32xf32, #tpu.memory_space<hbm>>) dst(%arg14 : memref<64x32xf32, #tpu.memory_space<vmem>>)
      %parallel_loop3A_295 = arith.constant 0 : i32
      %parallel_loop3A_296 = arith.constant 64 : i32
      %parallel_loop3A_297 = arith.constant 1 : i32
      scf.for %parallel_loop3A_298 = %parallel_loop3A_295 to %parallel_loop3A_296 step %parallel_loop3A_297  : i32 {
        %parallel_loop3A_299 = arith.index_cast %parallel_loop3A_298 : i32 to index
        %parallel_loop3A_300 = arith.constant 128 : index
        %parallel_loop3A_301 = tpu.vector_load %arg12[%parallel_loop3A_299, %parallel_loop3A_300] {strides = array<i32>} : memref<64x144xf32, #tpu.memory_space<vmem>>, vector<1x16xf32>,
        %parallel_loop3A_302 = vector.shape_cast %parallel_loop3A_301 : vector<1x16xf32> to vector<16xf32>
        %parallel_loop3A_303 = arith.index_cast %parallel_loop3A_298 : i32 to index
        %parallel_loop3A_304 = arith.constant 0 : index
        %parallel_loop3A_305 = tpu.vector_load %arg14[%parallel_loop3A_303, %parallel_loop3A_304] {strides = array<i32>} : memref<64x32xf32, #tpu.memory_space<vmem>>, vector<1x16xf32>,
        %parallel_loop3A_306 = vector.shape_cast %parallel_loop3A_305 : vector<1x16xf32> to vector<16xf32>
        %parallel_loop3A_307 = arith.index_cast %parallel_loop3A_298 : i32 to index
        %parallel_loop3A_308 = arith.constant 16 : index
        %parallel_loop3A_309 = tpu.vector_load %arg14[%parallel_loop3A_307, %parallel_loop3A_308] {strides = array<i32>} : memref<64x32xf32, #tpu.memory_space<vmem>>, vector<1x16xf32>,
        %parallel_loop3A_310 = vector.shape_cast %parallel_loop3A_309 : vector<1x16xf32> to vector<16xf32>
        %parallel_loop3A_311 = arith.addf %parallel_loop3A_302, %parallel_loop3A_306 : vector<16xf32>
        %parallel_loop3A_312 = arith.constant 0.000000e+00 : f32
        %parallel_loop3A_313 = vector.broadcast %parallel_loop3A_312 : f32 to vector<16xf32>
        %parallel_loop3A_314 = arith.cmpf ogt, %parallel_loop3A_311, %parallel_loop3A_313 : vector<16xf32>
        %parallel_loop3A_315 = arith.constant 2.000000e-01 : f32
        %parallel_loop3A_316 = vector.broadcast %parallel_loop3A_315 : f32 to vector<16xf32>
        %parallel_loop3A_317 = arith.mulf %parallel_loop3A_316, %parallel_loop3A_311 : vector<16xf32>
        %parallel_loop3A_318 = arith.select %parallel_loop3A_314, %parallel_loop3A_311, %parallel_loop3A_317 : vector<16xi1>, vector<16xf32>
        %parallel_loop3A_319 = arith.subf %parallel_loop3A_318, %parallel_loop3A_310 : vector<16xf32>
        %parallel_loop3A_320 = math.exp %parallel_loop3A_319 : vector<16xf32>
        %parallel_loop3A_321 = arith.index_cast %parallel_loop3A_298 : i32 to index
        %parallel_loop3A_322 = arith.constant 128 : index
        %parallel_loop3A_323 = tpu.vector_load %arg12[%parallel_loop3A_321, %parallel_loop3A_322] {strides = array<i32>} : memref<64x144xf32, #tpu.memory_space<vmem>>, vector<1x16xf32>,
        %parallel_loop3A_324 = vector.shape_cast %parallel_loop3A_323 : vector<1x16xf32> to vector<16xf32>
        %parallel_loop3A_325 = vector.shape_cast %parallel_loop3A_320 : vector<16xf32> to vector<1x16xf32>
        tpu.vector_store %arg12[%parallel_loop3A_321, %parallel_loop3A_322], %parallel_loop3A_325 {strides = array<i32>} : memref<64x144xf32, #tpu.memory_space<vmem>>, vector<1x16xf32>,
        %parallel_loop3A_326 = arith.constant 0 : i32
        %parallel_loop3A_327 = vector.broadcast %parallel_loop3A_326 : i32 to vector<16x1xi32>
        %parallel_loop3A_328 = vector.shape_cast %parallel_loop3A_327 : vector<16x1xi32> to vector<16xi32>
        %parallel_loop3A_329 = tpu.dynamic_gather %parallel_loop3A_320[%parallel_loop3A_328] in [0] : vector<16xf32>, vector<16xi32> -> vector<16xf32>
        %parallel_loop3A_330 = arith.index_cast %parallel_loop3A_298 : i32 to index
        %parallel_loop3A_331 = arith.constant 0 : index
        %parallel_loop3A_332 = tpu.vector_load %arg12[%parallel_loop3A_330, %parallel_loop3A_331] {strides = array<i32>} : memref<64x144xf32, #tpu.memory_space<vmem>>, vector<1x16xf32>,
        %parallel_loop3A_333 = vector.shape_cast %parallel_loop3A_332 : vector<1x16xf32> to vector<16xf32>
        %parallel_loop3A_334 = arith.mulf %parallel_loop3A_333, %parallel_loop3A_329 : vector<16xf32>
        %parallel_loop3A_335 = arith.index_cast %parallel_loop3A_298 : i32 to index
        %parallel_loop3A_336 = arith.constant 0 : index
        %parallel_loop3A_337 = tpu.vector_load %arg12[%parallel_loop3A_335, %parallel_loop3A_336] {strides = array<i32>} : memref<64x144xf32, #tpu.memory_space<vmem>>, vector<1x16xf32>,
        %parallel_loop3A_338 = vector.shape_cast %parallel_loop3A_337 : vector<1x16xf32> to vector<16xf32>
        %parallel_loop3A_339 = vector.shape_cast %parallel_loop3A_334 : vector<16xf32> to vector<1x16xf32>
        tpu.vector_store %arg12[%parallel_loop3A_335, %parallel_loop3A_336], %parallel_loop3A_339 {strides = array<i32>} : memref<64x144xf32, #tpu.memory_space<vmem>>, vector<1x16xf32>,
        %parallel_loop3A_340 = arith.constant 1 : i32
        %parallel_loop3A_341 = vector.broadcast %parallel_loop3A_340 : i32 to vector<16x1xi32>
        %parallel_loop3A_342 = vector.shape_cast %parallel_loop3A_341 : vector<16x1xi32> to vector<16xi32>
        %parallel_loop3A_343 = tpu.dynamic_gather %parallel_loop3A_320[%parallel_loop3A_342] in [0] : vector<16xf32>, vector<16xi32> -> vector<16xf32>
        %parallel_loop3A_344 = arith.index_cast %parallel_loop3A_298 : i32 to index
        %parallel_loop3A_345 = arith.constant 16 : index
        %parallel_loop3A_346 = tpu.vector_load %arg12[%parallel_loop3A_344, %parallel_loop3A_345] {strides = array<i32>} : memref<64x144xf32, #tpu.memory_space<vmem>>, vector<1x16xf32>,
        %parallel_loop3A_347 = vector.shape_cast %parallel_loop3A_346 : vector<1x16xf32> to vector<16xf32>
        %parallel_loop3A_348 = arith.mulf %parallel_loop3A_347, %parallel_loop3A_343 : vector<16xf32>
        %parallel_loop3A_349 = arith.index_cast %parallel_loop3A_298 : i32 to index
        %parallel_loop3A_350 = arith.constant 16 : index
        %parallel_loop3A_351 = tpu.vector_load %arg12[%parallel_loop3A_349, %parallel_loop3A_350] {strides = array<i32>} : memref<64x144xf32, #tpu.memory_space<vmem>>, vector<1x16xf32>,
        %parallel_loop3A_352 = vector.shape_cast %parallel_loop3A_351 : vector<1x16xf32> to vector<16xf32>
        %parallel_loop3A_353 = vector.shape_cast %parallel_loop3A_348 : vector<16xf32> to vector<1x16xf32>
        tpu.vector_store %arg12[%parallel_loop3A_349, %parallel_loop3A_350], %parallel_loop3A_353 {strides = array<i32>} : memref<64x144xf32, #tpu.memory_space<vmem>>, vector<1x16xf32>,
        %parallel_loop3A_354 = arith.constant 2 : i32
        %parallel_loop3A_355 = vector.broadcast %parallel_loop3A_354 : i32 to vector<16x1xi32>
        %parallel_loop3A_356 = vector.shape_cast %parallel_loop3A_355 : vector<16x1xi32> to vector<16xi32>
        %parallel_loop3A_357 = tpu.dynamic_gather %parallel_loop3A_320[%parallel_loop3A_356] in [0] : vector<16xf32>, vector<16xi32> -> vector<16xf32>
        %parallel_loop3A_358 = arith.index_cast %parallel_loop3A_298 : i32 to index
        %parallel_loop3A_359 = arith.constant 32 : index
        %parallel_loop3A_360 = tpu.vector_load %arg12[%parallel_loop3A_358, %parallel_loop3A_359] {strides = array<i32>} : memref<64x144xf32, #tpu.memory_space<vmem>>, vector<1x16xf32>,
        %parallel_loop3A_361 = vector.shape_cast %parallel_loop3A_360 : vector<1x16xf32> to vector<16xf32>
        %parallel_loop3A_362 = arith.mulf %parallel_loop3A_361, %parallel_loop3A_357 : vector<16xf32>
        %parallel_loop3A_363 = arith.index_cast %parallel_loop3A_298 : i32 to index
        %parallel_loop3A_364 = arith.constant 32 : index
        %parallel_loop3A_365 = tpu.vector_load %arg12[%parallel_loop3A_363, %parallel_loop3A_364] {strides = array<i32>} : memref<64x144xf32, #tpu.memory_space<vmem>>, vector<1x16xf32>,
        %parallel_loop3A_366 = vector.shape_cast %parallel_loop3A_365 : vector<1x16xf32> to vector<16xf32>
        %parallel_loop3A_367 = vector.shape_cast %parallel_loop3A_362 : vector<16xf32> to vector<1x16xf32>
        tpu.vector_store %arg12[%parallel_loop3A_363, %parallel_loop3A_364], %parallel_loop3A_367 {strides = array<i32>} : memref<64x144xf32, #tpu.memory_space<vmem>>, vector<1x16xf32>,
        %parallel_loop3A_368 = arith.constant 3 : i32
        %parallel_loop3A_369 = vector.broadcast %parallel_loop3A_368 : i32 to vector<16x1xi32>
        %parallel_loop3A_370 = vector.shape_cast %parallel_loop3A_369 : vector<16x1xi32> to vector<16xi32>
        %parallel_loop3A_371 = tpu.dynamic_gather %parallel_loop3A_320[%parallel_loop3A_370] in [0] : vector<16xf32>, vector<16xi32> -> vector<16xf32>
        %parallel_loop3A_372 = arith.index_cast %parallel_loop3A_298 : i32 to index
        %parallel_loop3A_373 = arith.constant 48 : index
        %parallel_loop3A_374 = tpu.vector_load %arg12[%parallel_loop3A_372, %parallel_loop3A_373] {strides = array<i32>} : memref<64x144xf32, #tpu.memory_space<vmem>>, vector<1x16xf32>,
        %parallel_loop3A_375 = vector.shape_cast %parallel_loop3A_374 : vector<1x16xf32> to vector<16xf32>
        %parallel_loop3A_376 = arith.mulf %parallel_loop3A_375, %parallel_loop3A_371 : vector<16xf32>
        %parallel_loop3A_377 = arith.index_cast %parallel_loop3A_298 : i32 to index
        %parallel_loop3A_378 = arith.constant 48 : index
        %parallel_loop3A_379 = tpu.vector_load %arg12[%parallel_loop3A_377, %parallel_loop3A_378] {strides = array<i32>} : memref<64x144xf32, #tpu.memory_space<vmem>>, vector<1x16xf32>,
        %parallel_loop3A_380 = vector.shape_cast %parallel_loop3A_379 : vector<1x16xf32> to vector<16xf32>
        %parallel_loop3A_381 = vector.shape_cast %parallel_loop3A_376 : vector<16xf32> to vector<1x16xf32>
        tpu.vector_store %arg12[%parallel_loop3A_377, %parallel_loop3A_378], %parallel_loop3A_381 {strides = array<i32>} : memref<64x144xf32, #tpu.memory_space<vmem>>, vector<1x16xf32>,
        %parallel_loop3A_382 = arith.constant 4 : i32
        %parallel_loop3A_383 = vector.broadcast %parallel_loop3A_382 : i32 to vector<16x1xi32>
        %parallel_loop3A_384 = vector.shape_cast %parallel_loop3A_383 : vector<16x1xi32> to vector<16xi32>
        %parallel_loop3A_385 = tpu.dynamic_gather %parallel_loop3A_320[%parallel_loop3A_384] in [0] : vector<16xf32>, vector<16xi32> -> vector<16xf32>
        %parallel_loop3A_386 = arith.index_cast %parallel_loop3A_298 : i32 to index
        %parallel_loop3A_387 = arith.constant 64 : index
        %parallel_loop3A_388 = tpu.vector_load %arg12[%parallel_loop3A_386, %parallel_loop3A_387] {strides = array<i32>} : memref<64x144xf32, #tpu.memory_space<vmem>>, vector<1x16xf32>,
        %parallel_loop3A_389 = vector.shape_cast %parallel_loop3A_388 : vector<1x16xf32> to vector<16xf32>
        %parallel_loop3A_390 = arith.mulf %parallel_loop3A_389, %parallel_loop3A_385 : vector<16xf32>
        %parallel_loop3A_391 = arith.index_cast %parallel_loop3A_298 : i32 to index
        %parallel_loop3A_392 = arith.constant 64 : index
        %parallel_loop3A_393 = tpu.vector_load %arg12[%parallel_loop3A_391, %parallel_loop3A_392] {strides = array<i32>} : memref<64x144xf32, #tpu.memory_space<vmem>>, vector<1x16xf32>,
        %parallel_loop3A_394 = vector.shape_cast %parallel_loop3A_393 : vector<1x16xf32> to vector<16xf32>
        %parallel_loop3A_395 = vector.shape_cast %parallel_loop3A_390 : vector<16xf32> to vector<1x16xf32>
        tpu.vector_store %arg12[%parallel_loop3A_391, %parallel_loop3A_392], %parallel_loop3A_395 {strides = array<i32>} : memref<64x144xf32, #tpu.memory_space<vmem>>, vector<1x16xf32>,
        %parallel_loop3A_396 = arith.constant 5 : i32
        %parallel_loop3A_397 = vector.broadcast %parallel_loop3A_396 : i32 to vector<16x1xi32>
        %parallel_loop3A_398 = vector.shape_cast %parallel_loop3A_397 : vector<16x1xi32> to vector<16xi32>
        %parallel_loop3A_399 = tpu.dynamic_gather %parallel_loop3A_320[%parallel_loop3A_398] in [0] : vector<16xf32>, vector<16xi32> -> vector<16xf32>
        %parallel_loop3A_400 = arith.index_cast %parallel_loop3A_298 : i32 to index
        %parallel_loop3A_401 = arith.constant 80 : index
        %parallel_loop3A_402 = tpu.vector_load %arg12[%parallel_loop3A_400, %parallel_loop3A_401] {strides = array<i32>} : memref<64x144xf32, #tpu.memory_space<vmem>>, vector<1x16xf32>,
        %parallel_loop3A_403 = vector.shape_cast %parallel_loop3A_402 : vector<1x16xf32> to vector<16xf32>
        %parallel_loop3A_404 = arith.mulf %parallel_loop3A_403, %parallel_loop3A_399 : vector<16xf32>
        %parallel_loop3A_405 = arith.index_cast %parallel_loop3A_298 : i32 to index
        %parallel_loop3A_406 = arith.constant 80 : index
        %parallel_loop3A_407 = tpu.vector_load %arg12[%parallel_loop3A_405, %parallel_loop3A_406] {strides = array<i32>} : memref<64x144xf32, #tpu.memory_space<vmem>>, vector<1x16xf32>,
        %parallel_loop3A_408 = vector.shape_cast %parallel_loop3A_407 : vector<1x16xf32> to vector<16xf32>
        %parallel_loop3A_409 = vector.shape_cast %parallel_loop3A_404 : vector<16xf32> to vector<1x16xf32>
        tpu.vector_store %arg12[%parallel_loop3A_405, %parallel_loop3A_406], %parallel_loop3A_409 {strides = array<i32>} : memref<64x144xf32, #tpu.memory_space<vmem>>, vector<1x16xf32>,
        %parallel_loop3A_410 = arith.constant 6 : i32
        %parallel_loop3A_411 = vector.broadcast %parallel_loop3A_410 : i32 to vector<16x1xi32>
        %parallel_loop3A_412 = vector.shape_cast %parallel_loop3A_411 : vector<16x1xi32> to vector<16xi32>
        %parallel_loop3A_413 = tpu.dynamic_gather %parallel_loop3A_320[%parallel_loop3A_412] in [0] : vector<16xf32>, vector<16xi32> -> vector<16xf32>
        %parallel_loop3A_414 = arith.index_cast %parallel_loop3A_298 : i32 to index
        %parallel_loop3A_415 = arith.constant 96 : index
        %parallel_loop3A_416 = tpu.vector_load %arg12[%parallel_loop3A_414, %parallel_loop3A_415] {strides = array<i32>} : memref<64x144xf32, #tpu.memory_space<vmem>>, vector<1x16xf32>,
        %parallel_loop3A_417 = vector.shape_cast %parallel_loop3A_416 : vector<1x16xf32> to vector<16xf32>
        %parallel_loop3A_418 = arith.mulf %parallel_loop3A_417, %parallel_loop3A_413 : vector<16xf32>
        %parallel_loop3A_419 = arith.index_cast %parallel_loop3A_298 : i32 to index
        %parallel_loop3A_420 = arith.constant 96 : index
        %parallel_loop3A_421 = tpu.vector_load %arg12[%parallel_loop3A_419, %parallel_loop3A_420] {strides = array<i32>} : memref<64x144xf32, #tpu.memory_space<vmem>>, vector<1x16xf32>,
        %parallel_loop3A_422 = vector.shape_cast %parallel_loop3A_421 : vector<1x16xf32> to vector<16xf32>
        %parallel_loop3A_423 = vector.shape_cast %parallel_loop3A_418 : vector<16xf32> to vector<1x16xf32>
        tpu.vector_store %arg12[%parallel_loop3A_419, %parallel_loop3A_420], %parallel_loop3A_423 {strides = array<i32>} : memref<64x144xf32, #tpu.memory_space<vmem>>, vector<1x16xf32>,
        %parallel_loop3A_424 = arith.constant 7 : i32
        %parallel_loop3A_425 = vector.broadcast %parallel_loop3A_424 : i32 to vector<16x1xi32>
        %parallel_loop3A_426 = vector.shape_cast %parallel_loop3A_425 : vector<16x1xi32> to vector<16xi32>
        %parallel_loop3A_427 = tpu.dynamic_gather %parallel_loop3A_320[%parallel_loop3A_426] in [0] : vector<16xf32>, vector<16xi32> -> vector<16xf32>
        %parallel_loop3A_428 = arith.index_cast %parallel_loop3A_298 : i32 to index
        %parallel_loop3A_429 = arith.constant 112 : index
        %parallel_loop3A_430 = tpu.vector_load %arg12[%parallel_loop3A_428, %parallel_loop3A_429] {strides = array<i32>} : memref<64x144xf32, #tpu.memory_space<vmem>>, vector<1x16xf32>,
        %parallel_loop3A_431 = vector.shape_cast %parallel_loop3A_430 : vector<1x16xf32> to vector<16xf32>
        %parallel_loop3A_432 = arith.mulf %parallel_loop3A_431, %parallel_loop3A_427 : vector<16xf32>
        %parallel_loop3A_433 = arith.index_cast %parallel_loop3A_298 : i32 to index
        %parallel_loop3A_434 = arith.constant 112 : index
        %parallel_loop3A_435 = tpu.vector_load %arg12[%parallel_loop3A_433, %parallel_loop3A_434] {strides = array<i32>} : memref<64x144xf32, #tpu.memory_space<vmem>>, vector<1x16xf32>,
        %parallel_loop3A_436 = vector.shape_cast %parallel_loop3A_435 : vector<1x16xf32> to vector<16xf32>
        %parallel_loop3A_437 = vector.shape_cast %parallel_loop3A_432 : vector<16xf32> to vector<1x16xf32>
        tpu.vector_store %arg12[%parallel_loop3A_433, %parallel_loop3A_434], %parallel_loop3A_437 {strides = array<i32>} : memref<64x144xf32, #tpu.memory_space<vmem>>, vector<1x16xf32>,
      } {sc.loop_unroll_factor = 4 : i64, sc.parallel_access}
      "tpu.region"() ({
        %run_scoped3A = tpu.sem_alloc : memref<!tpu.dma_semaphore, #tpu.memory_space<semaphore_mem>>
        %dma_start3A_298 = arith.constant 0 : i32
        %dma_start3A_299 = arith.constant 0 : i32
        %dma_start3A_300 = tpu.memref_slice %arg15[%dma_start3A_298, %dma_start3A_299] : memref<10000x144xf32, #tpu.memory_space<vmem_shared>> -> memref<10000x144xf32, #tpu.memory_space<vmem_shared>>
        tpu.enqueue_indirect_dma source(%arg12 : memref<64x144xf32, #tpu.memory_space<vmem>>) target(%dma_start3A_300 : memref<10000x144xf32, #tpu.memory_space<vmem_shared>>) offsets(%arg10 : memref<64xi32, #tpu.memory_space<vmem>>) semaphore(%run_scoped3A : memref<!tpu.dma_semaphore, #tpu.memory_space<semaphore_mem>>) {add = true}
        %dma_wait3A_301 = arith.constant 0 : i32
        %dma_wait3A_302 = arith.constant 0 : i32
        %dma_wait3A_303 = tpu.memref_slice %arg15[%dma_wait3A_301, %dma_wait3A_302] : memref<10000x144xf32, #tpu.memory_space<vmem_shared>> -> memref<10000x144xf32, #tpu.memory_space<vmem_shared>>
        tpu.wait_indirect_dma semaphore(%run_scoped3A : memref<!tpu.dma_semaphore, #tpu.memory_space<semaphore_mem>>) src(%arg12 : memref<64x144xf32, #tpu.memory_space<vmem>>) dst(%dma_wait3A_303 : memref<10000x144xf32, #tpu.memory_space<vmem_shared>>)
        tpu.yield
      }) : () -> ()
    }
    %scan3A_107 = arith.constant 81 : i32
    %dma_wait3A = arith.constant 0 : i32
    %dma_wait3A_108 = arith.constant 0 : i32
    %dma_wait3A_109 = tpu.memref_slice %arg2[%dma_wait3A, %dma_wait3A_108] : memref<10000x144xf32, #tpu.memory_space<hbm>> -> memref<10000x144xf32, #tpu.memory_space<hbm>>
    tpu.wait_indirect_dma semaphore(%arg16 : memref<!tpu.dma_semaphore, #tpu.memory_space<semaphore_mem>>) src(%dma_wait3A_109 : memref<10000x144xf32, #tpu.memory_space<hbm>>) dst(%arg11 : memref<64x144xf32, #tpu.memory_space<vmem>>)
    %dma_wait3A_110 = arith.constant 0 : i32
    %dma_wait3A_111 = arith.constant 0 : i32
    %dma_wait3A_112 = tpu.memref_slice %arg3[%dma_wait3A_110, %dma_wait3A_111] : memref<10000x32xf32, #tpu.memory_space<hbm>> -> memref<10000x32xf32, #tpu.memory_space<hbm>>
    tpu.wait_indirect_dma semaphore(%arg18 : memref<!tpu.dma_semaphore, #tpu.memory_space<semaphore_mem>>) src(%dma_wait3A_112 : memref<10000x32xf32, #tpu.memory_space<hbm>>) dst(%arg13 : memref<64x32xf32, #tpu.memory_space<vmem>>)
    %barrier3A_113 = arith.constant 0 : index
    tpu.barrier barrier_id(%barrier3A_113)
    "tpu.region"() ({
      %run_scoped3A = tpu.sem_alloc : memref<!tpu.dma_semaphore, #tpu.memory_space<semaphore_mem>>
      %dma_start3A_114 = arith.constant 0 : i32
      %dma_start3A_115 = tpu.memref_slice %arg5[%arg0, %mul3A_5, %dma_start3A_114] : memref<2x10000x144xf32, #tpu.memory_space<hbm>> -> memref<1x625x144xf32, #tpu.memory_space<hbm>>
      %dma_start3A_116 = tpu.memref_squeeze %dma_start3A_115 : memref<1x625x144xf32, #tpu.memory_space<hbm>> -> memref<625x144xf32, #tpu.memory_space<hbm>>
      %dma_start3A_117 = arith.constant 0 : i32
      %dma_start3A_118 = tpu.memref_slice %arg15[%mul3A_5, %dma_start3A_117] : memref<10000x144xf32, #tpu.memory_space<vmem_shared>> -> memref<625x144xf32, #tpu.memory_space<vmem_shared>>
      tpu.enqueue_dma source(%dma_start3A_118 : memref<625x144xf32, #tpu.memory_space<vmem_shared>>) target(%dma_start3A_116 : memref<625x144xf32, #tpu.memory_space<hbm>>) target_semaphore(%run_scoped3A : memref<!tpu.dma_semaphore, #tpu.memory_space<semaphore_mem>>)
      %dma_wait3A_119 = arith.constant 0 : i32
      %dma_wait3A_120 = tpu.memref_slice %arg5[%arg0, %mul3A_5, %dma_wait3A_119] : memref<2x10000x144xf32, #tpu.memory_space<hbm>> -> memref<1x625x144xf32, #tpu.memory_space<hbm>>
      %dma_wait3A_121 = tpu.memref_squeeze %dma_wait3A_120 : memref<1x625x144xf32, #tpu.memory_space<hbm>> -> memref<625x144xf32, #tpu.memory_space<hbm>>
      %dma_wait3A_122 = arith.constant 0 : i32
      %dma_wait3A_123 = tpu.memref_slice %arg15[%mul3A_5, %dma_wait3A_122] : memref<10000x144xf32, #tpu.memory_space<vmem_shared>> -> memref<625x144xf32, #tpu.memory_space<vmem_shared>>
      tpu.wait_dma2 semaphore(%run_scoped3A : memref<!tpu.dma_semaphore, #tpu.memory_space<semaphore_mem>>) src(%dma_wait3A_123 : memref<625x144xf32, #tpu.memory_space<vmem_shared>>) dst(%dma_wait3A_121 : memref<625x144xf32, #tpu.memory_space<hbm>>)
      tpu.yield
    }) : () -> ()
    return
  }
}

#map = affine_map<(d0, d1) -> (0, 0)>
#map1 = affine_map<(d0, d1) -> (0, 0, 0)>
module attributes {stable_mosaic.version = 14 : i64} {
  func.func @kfn(%arg0: i32, %arg1: i32, %arg2: memref<10000x48xf32, #tpu.memory_space<hbm>>, %arg3: memref<10000x32xf32, #tpu.memory_space<hbm>>, %arg4: memref<32x162x64xi32, #tpu.memory_space<hbm>>, %arg5: memref<2x10000x48xf32, #tpu.memory_space<hbm>>, %arg6: memref<162x64xi32, #tpu.memory_space<vmem>>, %arg7: memref<64xi32, #tpu.memory_space<vmem>>, %arg8: memref<64xi32, #tpu.memory_space<vmem>>, %arg9: memref<64xi32, #tpu.memory_space<vmem>>, %arg10: memref<64xi32, #tpu.memory_space<vmem>>, %arg11: memref<64x48xf32, #tpu.memory_space<vmem>>, %arg12: memref<64x48xf32, #tpu.memory_space<vmem>>, %arg13: memref<64x32xf32, #tpu.memory_space<vmem>>, %arg14: memref<64x32xf32, #tpu.memory_space<vmem>>, %arg15: memref<10000x48xf32, #tpu.memory_space<vmem_shared>>, %arg16: memref<!tpu.dma_semaphore, #tpu.memory_space<semaphore_mem>>, %arg17: memref<!tpu.dma_semaphore, #tpu.memory_space<semaphore_mem>>, %arg18: memref<!tpu.dma_semaphore, #tpu.memory_space<semaphore_mem>>, %arg19: memref<!tpu.dma_semaphore, #tpu.memory_space<semaphore_mem>>) attributes {dimension_semantics = [#tpu.dimension_semantics<core_parallel>, #tpu.dimension_semantics<subcore_parallel>], iteration_bounds = array<i64: 2, 16>, scalar_prefetch = 0 : i64, scratch_operands = 14 : i64, tpu.core_type = #tpu.core_type<sc_vector_subcore>, window_params = [{transform_indices = #map}, {transform_indices = #map}, {transform_indices = #map1}, {transform_indices = #map1}]} {
    %mul3A = arith.constant 16 : i32
    %mul3A_0 = arith.muli %arg0, %mul3A : i32
    %add3A = arith.addi %mul3A_0, %arg1 : i32
    %broadcast_in_dim3A = arith.constant 0.000000e+00 : f32
    %broadcast_in_dim3A_1 = vector.broadcast %broadcast_in_dim3A : f32 to vector<16xf32>
    %parallel_loop3A = arith.constant 0 : i32
    %parallel_loop3A_2 = arith.constant 64 : i32
    %parallel_loop3A_3 = arith.constant 1 : i32
    scf.for %parallel_loop3A_114 = %parallel_loop3A to %parallel_loop3A_2 step %parallel_loop3A_3  : i32 {
      %parallel_loop3A_115 = arith.index_cast %parallel_loop3A_114 : i32 to index
      %parallel_loop3A_116 = arith.constant 0 : index
      %parallel_loop3A_117 = tpu.vector_load %arg11[%parallel_loop3A_115, %parallel_loop3A_116] {strides = array<i32>} : memref<64x48xf32, #tpu.memory_space<vmem>>, vector<1x16xf32>,
      %parallel_loop3A_118 = vector.shape_cast %parallel_loop3A_117 : vector<1x16xf32> to vector<16xf32>
      %parallel_loop3A_119 = vector.shape_cast %broadcast_in_dim3A_1 : vector<16xf32> to vector<1x16xf32>
      tpu.vector_store %arg11[%parallel_loop3A_115, %parallel_loop3A_116], %parallel_loop3A_119 {strides = array<i32>} : memref<64x48xf32, #tpu.memory_space<vmem>>, vector<1x16xf32>,
      %parallel_loop3A_120 = arith.index_cast %parallel_loop3A_114 : i32 to index
      %parallel_loop3A_121 = arith.constant 16 : index
      %parallel_loop3A_122 = tpu.vector_load %arg11[%parallel_loop3A_120, %parallel_loop3A_121] {strides = array<i32>} : memref<64x48xf32, #tpu.memory_space<vmem>>, vector<1x16xf32>,
      %parallel_loop3A_123 = vector.shape_cast %parallel_loop3A_122 : vector<1x16xf32> to vector<16xf32>
      %parallel_loop3A_124 = vector.shape_cast %broadcast_in_dim3A_1 : vector<16xf32> to vector<1x16xf32>
      tpu.vector_store %arg11[%parallel_loop3A_120, %parallel_loop3A_121], %parallel_loop3A_124 {strides = array<i32>} : memref<64x48xf32, #tpu.memory_space<vmem>>, vector<1x16xf32>,
      %parallel_loop3A_125 = arith.index_cast %parallel_loop3A_114 : i32 to index
      %parallel_loop3A_126 = arith.constant 32 : index
      %parallel_loop3A_127 = tpu.vector_load %arg11[%parallel_loop3A_125, %parallel_loop3A_126] {strides = array<i32>} : memref<64x48xf32, #tpu.memory_space<vmem>>, vector<1x16xf32>,
      %parallel_loop3A_128 = vector.shape_cast %parallel_loop3A_127 : vector<1x16xf32> to vector<16xf32>
      %parallel_loop3A_129 = vector.shape_cast %broadcast_in_dim3A_1 : vector<16xf32> to vector<1x16xf32>
      tpu.vector_store %arg11[%parallel_loop3A_125, %parallel_loop3A_126], %parallel_loop3A_129 {strides = array<i32>} : memref<64x48xf32, #tpu.memory_space<vmem>>, vector<1x16xf32>,
    } {sc.loop_unroll_factor = 8 : i64, sc.parallel_access}
    %mul3A_4 = arith.constant 625 : i32
    %mul3A_5 = arith.muli %arg1, %mul3A_4 : i32
    %add3A_6 = arith.constant 0 : i32
    %add3A_7 = arith.addi %mul3A_5, %add3A_6 : i32
    "tpu.region"() ({
      %run_scoped3A = tpu.sem_alloc : memref<!tpu.dma_semaphore, #tpu.memory_space<semaphore_mem>>
      %dma_start3A_114 = arith.constant 0 : i32
      %dma_start3A_115 = tpu.memref_slice %arg15[%add3A_7, %dma_start3A_114] : memref<10000x48xf32, #tpu.memory_space<vmem_shared>> -> memref<64x48xf32, #tpu.memory_space<vmem_shared>>
      %dma_start3A_116 = arith.constant 0 : i32
      %dma_start3A_117 = tpu.memref_slice %arg15[%add3A_7, %dma_start3A_116] : memref<10000x48xf32, #tpu.memory_space<vmem_shared>> -> memref<64x48xf32, #tpu.memory_space<vmem_shared>>
      tpu.enqueue_dma source(%arg11 : memref<64x48xf32, #tpu.memory_space<vmem>>) target(%dma_start3A_117 : memref<64x48xf32, #tpu.memory_space<vmem_shared>>) target_semaphore(%run_scoped3A : memref<!tpu.dma_semaphore, #tpu.memory_space<semaphore_mem>>)
      %dma_wait3A_118 = arith.constant 0 : i32
      %dma_wait3A_119 = tpu.memref_slice %arg15[%add3A_7, %dma_wait3A_118] : memref<10000x48xf32, #tpu.memory_space<vmem_shared>> -> memref<64x48xf32, #tpu.memory_space<vmem_shared>>
      %dma_wait3A_120 = arith.constant 0 : i32
      %dma_wait3A_121 = tpu.memref_slice %arg15[%add3A_7, %dma_wait3A_120] : memref<10000x48xf32, #tpu.memory_space<vmem_shared>> -> memref<64x48xf32, #tpu.memory_space<vmem_shared>>
      tpu.wait_dma2 semaphore(%run_scoped3A : memref<!tpu.dma_semaphore, #tpu.memory_space<semaphore_mem>>) src(%arg11 : memref<64x48xf32, #tpu.memory_space<vmem>>) dst(%dma_wait3A_121 : memref<64x48xf32, #tpu.memory_space<vmem_shared>>)
      tpu.yield
    }) : () -> ()
    %add3A_8 = arith.constant 64 : i32
    %add3A_9 = arith.addi %mul3A_5, %add3A_8 : i32
    "tpu.region"() ({
      %run_scoped3A = tpu.sem_alloc : memref<!tpu.dma_semaphore, #tpu.memory_space<semaphore_mem>>
      %dma_start3A_114 = arith.constant 0 : i32
      %dma_start3A_115 = tpu.memref_slice %arg15[%add3A_9, %dma_start3A_114] : memref<10000x48xf32, #tpu.memory_space<vmem_shared>> -> memref<64x48xf32, #tpu.memory_space<vmem_shared>>
      %dma_start3A_116 = arith.constant 0 : i32
      %dma_start3A_117 = tpu.memref_slice %arg15[%add3A_9, %dma_start3A_116] : memref<10000x48xf32, #tpu.memory_space<vmem_shared>> -> memref<64x48xf32, #tpu.memory_space<vmem_shared>>
      tpu.enqueue_dma source(%arg11 : memref<64x48xf32, #tpu.memory_space<vmem>>) target(%dma_start3A_117 : memref<64x48xf32, #tpu.memory_space<vmem_shared>>) target_semaphore(%run_scoped3A : memref<!tpu.dma_semaphore, #tpu.memory_space<semaphore_mem>>)
      %dma_wait3A_118 = arith.constant 0 : i32
      %dma_wait3A_119 = tpu.memref_slice %arg15[%add3A_9, %dma_wait3A_118] : memref<10000x48xf32, #tpu.memory_space<vmem_shared>> -> memref<64x48xf32, #tpu.memory_space<vmem_shared>>
      %dma_wait3A_120 = arith.constant 0 : i32
      %dma_wait3A_121 = tpu.memref_slice %arg15[%add3A_9, %dma_wait3A_120] : memref<10000x48xf32, #tpu.memory_space<vmem_shared>> -> memref<64x48xf32, #tpu.memory_space<vmem_shared>>
      tpu.wait_dma2 semaphore(%run_scoped3A : memref<!tpu.dma_semaphore, #tpu.memory_space<semaphore_mem>>) src(%arg11 : memref<64x48xf32, #tpu.memory_space<vmem>>) dst(%dma_wait3A_121 : memref<64x48xf32, #tpu.memory_space<vmem_shared>>)
      tpu.yield
    }) : () -> ()
    %add3A_10 = arith.constant 128 : i32
    %add3A_11 = arith.addi %mul3A_5, %add3A_10 : i32
    "tpu.region"() ({
      %run_scoped3A = tpu.sem_alloc : memref<!tpu.dma_semaphore, #tpu.memory_space<semaphore_mem>>
      %dma_start3A_114 = arith.constant 0 : i32
      %dma_start3A_115 = tpu.memref_slice %arg15[%add3A_11, %dma_start3A_114] : memref<10000x48xf32, #tpu.memory_space<vmem_shared>> -> memref<64x48xf32, #tpu.memory_space<vmem_shared>>
      %dma_start3A_116 = arith.constant 0 : i32
      %dma_start3A_117 = tpu.memref_slice %arg15[%add3A_11, %dma_start3A_116] : memref<10000x48xf32, #tpu.memory_space<vmem_shared>> -> memref<64x48xf32, #tpu.memory_space<vmem_shared>>
      tpu.enqueue_dma source(%arg11 : memref<64x48xf32, #tpu.memory_space<vmem>>) target(%dma_start3A_117 : memref<64x48xf32, #tpu.memory_space<vmem_shared>>) target_semaphore(%run_scoped3A : memref<!tpu.dma_semaphore, #tpu.memory_space<semaphore_mem>>)
      %dma_wait3A_118 = arith.constant 0 : i32
      %dma_wait3A_119 = tpu.memref_slice %arg15[%add3A_11, %dma_wait3A_118] : memref<10000x48xf32, #tpu.memory_space<vmem_shared>> -> memref<64x48xf32, #tpu.memory_space<vmem_shared>>
      %dma_wait3A_120 = arith.constant 0 : i32
      %dma_wait3A_121 = tpu.memref_slice %arg15[%add3A_11, %dma_wait3A_120] : memref<10000x48xf32, #tpu.memory_space<vmem_shared>> -> memref<64x48xf32, #tpu.memory_space<vmem_shared>>
      tpu.wait_dma2 semaphore(%run_scoped3A : memref<!tpu.dma_semaphore, #tpu.memory_space<semaphore_mem>>) src(%arg11 : memref<64x48xf32, #tpu.memory_space<vmem>>) dst(%dma_wait3A_121 : memref<64x48xf32, #tpu.memory_space<vmem_shared>>)
      tpu.yield
    }) : () -> ()
    %add3A_12 = arith.constant 192 : i32
    %add3A_13 = arith.addi %mul3A_5, %add3A_12 : i32
    "tpu.region"() ({
      %run_scoped3A = tpu.sem_alloc : memref<!tpu.dma_semaphore, #tpu.memory_space<semaphore_mem>>
      %dma_start3A_114 = arith.constant 0 : i32
      %dma_start3A_115 = tpu.memref_slice %arg15[%add3A_13, %dma_start3A_114] : memref<10000x48xf32, #tpu.memory_space<vmem_shared>> -> memref<64x48xf32, #tpu.memory_space<vmem_shared>>
      %dma_start3A_116 = arith.constant 0 : i32
      %dma_start3A_117 = tpu.memref_slice %arg15[%add3A_13, %dma_start3A_116] : memref<10000x48xf32, #tpu.memory_space<vmem_shared>> -> memref<64x48xf32, #tpu.memory_space<vmem_shared>>
      tpu.enqueue_dma source(%arg11 : memref<64x48xf32, #tpu.memory_space<vmem>>) target(%dma_start3A_117 : memref<64x48xf32, #tpu.memory_space<vmem_shared>>) target_semaphore(%run_scoped3A : memref<!tpu.dma_semaphore, #tpu.memory_space<semaphore_mem>>)
      %dma_wait3A_118 = arith.constant 0 : i32
      %dma_wait3A_119 = tpu.memref_slice %arg15[%add3A_13, %dma_wait3A_118] : memref<10000x48xf32, #tpu.memory_space<vmem_shared>> -> memref<64x48xf32, #tpu.memory_space<vmem_shared>>
      %dma_wait3A_120 = arith.constant 0 : i32
      %dma_wait3A_121 = tpu.memref_slice %arg15[%add3A_13, %dma_wait3A_120] : memref<10000x48xf32, #tpu.memory_space<vmem_shared>> -> memref<64x48xf32, #tpu.memory_space<vmem_shared>>
      tpu.wait_dma2 semaphore(%run_scoped3A : memref<!tpu.dma_semaphore, #tpu.memory_space<semaphore_mem>>) src(%arg11 : memref<64x48xf32, #tpu.memory_space<vmem>>) dst(%dma_wait3A_121 : memref<64x48xf32, #tpu.memory_space<vmem_shared>>)
      tpu.yield
    }) : () -> ()
    %add3A_14 = arith.constant 256 : i32
    %add3A_15 = arith.addi %mul3A_5, %add3A_14 : i32
    "tpu.region"() ({
      %run_scoped3A = tpu.sem_alloc : memref<!tpu.dma_semaphore, #tpu.memory_space<semaphore_mem>>
      %dma_start3A_114 = arith.constant 0 : i32
      %dma_start3A_115 = tpu.memref_slice %arg15[%add3A_15, %dma_start3A_114] : memref<10000x48xf32, #tpu.memory_space<vmem_shared>> -> memref<64x48xf32, #tpu.memory_space<vmem_shared>>
      %dma_start3A_116 = arith.constant 0 : i32
      %dma_start3A_117 = tpu.memref_slice %arg15[%add3A_15, %dma_start3A_116] : memref<10000x48xf32, #tpu.memory_space<vmem_shared>> -> memref<64x48xf32, #tpu.memory_space<vmem_shared>>
      tpu.enqueue_dma source(%arg11 : memref<64x48xf32, #tpu.memory_space<vmem>>) target(%dma_start3A_117 : memref<64x48xf32, #tpu.memory_space<vmem_shared>>) target_semaphore(%run_scoped3A : memref<!tpu.dma_semaphore, #tpu.memory_space<semaphore_mem>>)
      %dma_wait3A_118 = arith.constant 0 : i32
      %dma_wait3A_119 = tpu.memref_slice %arg15[%add3A_15, %dma_wait3A_118] : memref<10000x48xf32, #tpu.memory_space<vmem_shared>> -> memref<64x48xf32, #tpu.memory_space<vmem_shared>>
      %dma_wait3A_120 = arith.constant 0 : i32
      %dma_wait3A_121 = tpu.memref_slice %arg15[%add3A_15, %dma_wait3A_120] : memref<10000x48xf32, #tpu.memory_space<vmem_shared>> -> memref<64x48xf32, #tpu.memory_space<vmem_shared>>
      tpu.wait_dma2 semaphore(%run_scoped3A : memref<!tpu.dma_semaphore, #tpu.memory_space<semaphore_mem>>) src(%arg11 : memref<64x48xf32, #tpu.memory_space<vmem>>) dst(%dma_wait3A_121 : memref<64x48xf32, #tpu.memory_space<vmem_shared>>)
      tpu.yield
    }) : () -> ()
    %add3A_16 = arith.constant 320 : i32
    %add3A_17 = arith.addi %mul3A_5, %add3A_16 : i32
    "tpu.region"() ({
      %run_scoped3A = tpu.sem_alloc : memref<!tpu.dma_semaphore, #tpu.memory_space<semaphore_mem>>
      %dma_start3A_114 = arith.constant 0 : i32
      %dma_start3A_115 = tpu.memref_slice %arg15[%add3A_17, %dma_start3A_114] : memref<10000x48xf32, #tpu.memory_space<vmem_shared>> -> memref<64x48xf32, #tpu.memory_space<vmem_shared>>
      %dma_start3A_116 = arith.constant 0 : i32
      %dma_start3A_117 = tpu.memref_slice %arg15[%add3A_17, %dma_start3A_116] : memref<10000x48xf32, #tpu.memory_space<vmem_shared>> -> memref<64x48xf32, #tpu.memory_space<vmem_shared>>
      tpu.enqueue_dma source(%arg11 : memref<64x48xf32, #tpu.memory_space<vmem>>) target(%dma_start3A_117 : memref<64x48xf32, #tpu.memory_space<vmem_shared>>) target_semaphore(%run_scoped3A : memref<!tpu.dma_semaphore, #tpu.memory_space<semaphore_mem>>)
      %dma_wait3A_118 = arith.constant 0 : i32
      %dma_wait3A_119 = tpu.memref_slice %arg15[%add3A_17, %dma_wait3A_118] : memref<10000x48xf32, #tpu.memory_space<vmem_shared>> -> memref<64x48xf32, #tpu.memory_space<vmem_shared>>
      %dma_wait3A_120 = arith.constant 0 : i32
      %dma_wait3A_121 = tpu.memref_slice %arg15[%add3A_17, %dma_wait3A_120] : memref<10000x48xf32, #tpu.memory_space<vmem_shared>> -> memref<64x48xf32, #tpu.memory_space<vmem_shared>>
      tpu.wait_dma2 semaphore(%run_scoped3A : memref<!tpu.dma_semaphore, #tpu.memory_space<semaphore_mem>>) src(%arg11 : memref<64x48xf32, #tpu.memory_space<vmem>>) dst(%dma_wait3A_121 : memref<64x48xf32, #tpu.memory_space<vmem_shared>>)
      tpu.yield
    }) : () -> ()
    %add3A_18 = arith.constant 384 : i32
    %add3A_19 = arith.addi %mul3A_5, %add3A_18 : i32
    "tpu.region"() ({
      %run_scoped3A = tpu.sem_alloc : memref<!tpu.dma_semaphore, #tpu.memory_space<semaphore_mem>>
      %dma_start3A_114 = arith.constant 0 : i32
      %dma_start3A_115 = tpu.memref_slice %arg15[%add3A_19, %dma_start3A_114] : memref<10000x48xf32, #tpu.memory_space<vmem_shared>> -> memref<64x48xf32, #tpu.memory_space<vmem_shared>>
      %dma_start3A_116 = arith.constant 0 : i32
      %dma_start3A_117 = tpu.memref_slice %arg15[%add3A_19, %dma_start3A_116] : memref<10000x48xf32, #tpu.memory_space<vmem_shared>> -> memref<64x48xf32, #tpu.memory_space<vmem_shared>>
      tpu.enqueue_dma source(%arg11 : memref<64x48xf32, #tpu.memory_space<vmem>>) target(%dma_start3A_117 : memref<64x48xf32, #tpu.memory_space<vmem_shared>>) target_semaphore(%run_scoped3A : memref<!tpu.dma_semaphore, #tpu.memory_space<semaphore_mem>>)
      %dma_wait3A_118 = arith.constant 0 : i32
      %dma_wait3A_119 = tpu.memref_slice %arg15[%add3A_19, %dma_wait3A_118] : memref<10000x48xf32, #tpu.memory_space<vmem_shared>> -> memref<64x48xf32, #tpu.memory_space<vmem_shared>>
      %dma_wait3A_120 = arith.constant 0 : i32
      %dma_wait3A_121 = tpu.memref_slice %arg15[%add3A_19, %dma_wait3A_120] : memref<10000x48xf32, #tpu.memory_space<vmem_shared>> -> memref<64x48xf32, #tpu.memory_space<vmem_shared>>
      tpu.wait_dma2 semaphore(%run_scoped3A : memref<!tpu.dma_semaphore, #tpu.memory_space<semaphore_mem>>) src(%arg11 : memref<64x48xf32, #tpu.memory_space<vmem>>) dst(%dma_wait3A_121 : memref<64x48xf32, #tpu.memory_space<vmem_shared>>)
      tpu.yield
    }) : () -> ()
    %add3A_20 = arith.constant 448 : i32
    %add3A_21 = arith.addi %mul3A_5, %add3A_20 : i32
    "tpu.region"() ({
      %run_scoped3A = tpu.sem_alloc : memref<!tpu.dma_semaphore, #tpu.memory_space<semaphore_mem>>
      %dma_start3A_114 = arith.constant 0 : i32
      %dma_start3A_115 = tpu.memref_slice %arg15[%add3A_21, %dma_start3A_114] : memref<10000x48xf32, #tpu.memory_space<vmem_shared>> -> memref<64x48xf32, #tpu.memory_space<vmem_shared>>
      %dma_start3A_116 = arith.constant 0 : i32
      %dma_start3A_117 = tpu.memref_slice %arg15[%add3A_21, %dma_start3A_116] : memref<10000x48xf32, #tpu.memory_space<vmem_shared>> -> memref<64x48xf32, #tpu.memory_space<vmem_shared>>
      tpu.enqueue_dma source(%arg11 : memref<64x48xf32, #tpu.memory_space<vmem>>) target(%dma_start3A_117 : memref<64x48xf32, #tpu.memory_space<vmem_shared>>) target_semaphore(%run_scoped3A : memref<!tpu.dma_semaphore, #tpu.memory_space<semaphore_mem>>)
      %dma_wait3A_118 = arith.constant 0 : i32
      %dma_wait3A_119 = tpu.memref_slice %arg15[%add3A_21, %dma_wait3A_118] : memref<10000x48xf32, #tpu.memory_space<vmem_shared>> -> memref<64x48xf32, #tpu.memory_space<vmem_shared>>
      %dma_wait3A_120 = arith.constant 0 : i32
      %dma_wait3A_121 = tpu.memref_slice %arg15[%add3A_21, %dma_wait3A_120] : memref<10000x48xf32, #tpu.memory_space<vmem_shared>> -> memref<64x48xf32, #tpu.memory_space<vmem_shared>>
      tpu.wait_dma2 semaphore(%run_scoped3A : memref<!tpu.dma_semaphore, #tpu.memory_space<semaphore_mem>>) src(%arg11 : memref<64x48xf32, #tpu.memory_space<vmem>>) dst(%dma_wait3A_121 : memref<64x48xf32, #tpu.memory_space<vmem_shared>>)
      tpu.yield
    }) : () -> ()
    %add3A_22 = arith.constant 512 : i32
    %add3A_23 = arith.addi %mul3A_5, %add3A_22 : i32
    "tpu.region"() ({
      %run_scoped3A = tpu.sem_alloc : memref<!tpu.dma_semaphore, #tpu.memory_space<semaphore_mem>>
      %dma_start3A_114 = arith.constant 0 : i32
      %dma_start3A_115 = tpu.memref_slice %arg15[%add3A_23, %dma_start3A_114] : memref<10000x48xf32, #tpu.memory_space<vmem_shared>> -> memref<64x48xf32, #tpu.memory_space<vmem_shared>>
      %dma_start3A_116 = arith.constant 0 : i32
      %dma_start3A_117 = tpu.memref_slice %arg15[%add3A_23, %dma_start3A_116] : memref<10000x48xf32, #tpu.memory_space<vmem_shared>> -> memref<64x48xf32, #tpu.memory_space<vmem_shared>>
      tpu.enqueue_dma source(%arg11 : memref<64x48xf32, #tpu.memory_space<vmem>>) target(%dma_start3A_117 : memref<64x48xf32, #tpu.memory_space<vmem_shared>>) target_semaphore(%run_scoped3A : memref<!tpu.dma_semaphore, #tpu.memory_space<semaphore_mem>>)
      %dma_wait3A_118 = arith.constant 0 : i32
      %dma_wait3A_119 = tpu.memref_slice %arg15[%add3A_23, %dma_wait3A_118] : memref<10000x48xf32, #tpu.memory_space<vmem_shared>> -> memref<64x48xf32, #tpu.memory_space<vmem_shared>>
      %dma_wait3A_120 = arith.constant 0 : i32
      %dma_wait3A_121 = tpu.memref_slice %arg15[%add3A_23, %dma_wait3A_120] : memref<10000x48xf32, #tpu.memory_space<vmem_shared>> -> memref<64x48xf32, #tpu.memory_space<vmem_shared>>
      tpu.wait_dma2 semaphore(%run_scoped3A : memref<!tpu.dma_semaphore, #tpu.memory_space<semaphore_mem>>) src(%arg11 : memref<64x48xf32, #tpu.memory_space<vmem>>) dst(%dma_wait3A_121 : memref<64x48xf32, #tpu.memory_space<vmem_shared>>)
      tpu.yield
    }) : () -> ()
    %add3A_24 = arith.constant 576 : i32
    %add3A_25 = arith.addi %mul3A_5, %add3A_24 : i32
    "tpu.region"() ({
      %run_scoped3A = tpu.sem_alloc : memref<!tpu.dma_semaphore, #tpu.memory_space<semaphore_mem>>
      %dma_start3A_114 = arith.constant 0 : i32
      %dma_start3A_115 = arith.constant 0 : i32
      %dma_start3A_116 = tpu.memref_slice %arg11[%dma_start3A_114, %dma_start3A_115] : memref<64x48xf32, #tpu.memory_space<vmem>> -> memref<49x48xf32, #tpu.memory_space<vmem>>
      %dma_start3A_117 = arith.constant 0 : i32
      %dma_start3A_118 = tpu.memref_slice %arg15[%add3A_25, %dma_start3A_117] : memref<10000x48xf32, #tpu.memory_space<vmem_shared>> -> memref<49x48xf32, #tpu.memory_space<vmem_shared>>
      %dma_start3A_119 = arith.constant 0 : i32
      %dma_start3A_120 = tpu.memref_slice %arg15[%add3A_25, %dma_start3A_119] : memref<10000x48xf32, #tpu.memory_space<vmem_shared>> -> memref<49x48xf32, #tpu.memory_space<vmem_shared>>
      %dma_start3A_121 = arith.constant 0 : i32
      %dma_start3A_122 = arith.constant 0 : i32
      %dma_start3A_123 = tpu.memref_slice %arg11[%dma_start3A_121, %dma_start3A_122] : memref<64x48xf32, #tpu.memory_space<vmem>> -> memref<49x48xf32, #tpu.memory_space<vmem>>
      tpu.enqueue_dma source(%dma_start3A_123 : memref<49x48xf32, #tpu.memory_space<vmem>>) target(%dma_start3A_120 : memref<49x48xf32, #tpu.memory_space<vmem_shared>>) target_semaphore(%run_scoped3A : memref<!tpu.dma_semaphore, #tpu.memory_space<semaphore_mem>>)
      %dma_wait3A_124 = arith.constant 0 : i32
      %dma_wait3A_125 = arith.constant 0 : i32
      %dma_wait3A_126 = tpu.memref_slice %arg11[%dma_wait3A_124, %dma_wait3A_125] : memref<64x48xf32, #tpu.memory_space<vmem>> -> memref<49x48xf32, #tpu.memory_space<vmem>>
      %dma_wait3A_127 = arith.constant 0 : i32
      %dma_wait3A_128 = tpu.memref_slice %arg15[%add3A_25, %dma_wait3A_127] : memref<10000x48xf32, #tpu.memory_space<vmem_shared>> -> memref<49x48xf32, #tpu.memory_space<vmem_shared>>
      %dma_wait3A_129 = arith.constant 0 : i32
      %dma_wait3A_130 = tpu.memref_slice %arg15[%add3A_25, %dma_wait3A_129] : memref<10000x48xf32, #tpu.memory_space<vmem_shared>> -> memref<49x48xf32, #tpu.memory_space<vmem_shared>>
      %dma_wait3A_131 = arith.constant 0 : i32
      %dma_wait3A_132 = arith.constant 0 : i32
      %dma_wait3A_133 = tpu.memref_slice %arg11[%dma_wait3A_131, %dma_wait3A_132] : memref<64x48xf32, #tpu.memory_space<vmem>> -> memref<49x48xf32, #tpu.memory_space<vmem>>
      tpu.wait_dma2 semaphore(%run_scoped3A : memref<!tpu.dma_semaphore, #tpu.memory_space<semaphore_mem>>) src(%dma_wait3A_133 : memref<49x48xf32, #tpu.memory_space<vmem>>) dst(%dma_wait3A_130 : memref<49x48xf32, #tpu.memory_space<vmem_shared>>)
      tpu.yield
    }) : () -> ()
    %barrier3A = arith.constant 0 : index
    tpu.barrier barrier_id(%barrier3A)
    "tpu.region"() ({
      %run_scoped3A = tpu.sem_alloc : memref<!tpu.dma_semaphore, #tpu.memory_space<semaphore_mem>>
      %dma_start3A_114 = arith.constant 0 : i32
      %dma_start3A_115 = arith.constant 0 : i32
      %dma_start3A_116 = tpu.memref_slice %arg4[%add3A, %dma_start3A_114, %dma_start3A_115] : memref<32x162x64xi32, #tpu.memory_space<hbm>> -> memref<1x162x64xi32, #tpu.memory_space<hbm>>
      %dma_start3A_117 = tpu.memref_squeeze %dma_start3A_116 : memref<1x162x64xi32, #tpu.memory_space<hbm>> -> memref<162x64xi32, #tpu.memory_space<hbm>>
      %dma_start3A_118 = arith.constant 0 : i32
      %dma_start3A_119 = arith.constant 0 : i32
      %dma_start3A_120 = tpu.memref_slice %arg4[%add3A, %dma_start3A_118, %dma_start3A_119] : memref<32x162x64xi32, #tpu.memory_space<hbm>> -> memref<1x162x64xi32, #tpu.memory_space<hbm>>
      %dma_start3A_121 = tpu.memref_squeeze %dma_start3A_120 : memref<1x162x64xi32, #tpu.memory_space<hbm>> -> memref<162x64xi32, #tpu.memory_space<hbm>>
      tpu.enqueue_dma source(%dma_start3A_121 : memref<162x64xi32, #tpu.memory_space<hbm>>) target(%arg6 : memref<162x64xi32, #tpu.memory_space<vmem>>) target_semaphore(%run_scoped3A : memref<!tpu.dma_semaphore, #tpu.memory_space<semaphore_mem>>)
      %dma_wait3A_122 = arith.constant 0 : i32
      %dma_wait3A_123 = arith.constant 0 : i32
      %dma_wait3A_124 = tpu.memref_slice %arg4[%add3A, %dma_wait3A_122, %dma_wait3A_123] : memref<32x162x64xi32, #tpu.memory_space<hbm>> -> memref<1x162x64xi32, #tpu.memory_space<hbm>>
      %dma_wait3A_125 = tpu.memref_squeeze %dma_wait3A_124 : memref<1x162x64xi32, #tpu.memory_space<hbm>> -> memref<162x64xi32, #tpu.memory_space<hbm>>
      %dma_wait3A_126 = arith.constant 0 : i32
      %dma_wait3A_127 = arith.constant 0 : i32
      %dma_wait3A_128 = tpu.memref_slice %arg4[%add3A, %dma_wait3A_126, %dma_wait3A_127] : memref<32x162x64xi32, #tpu.memory_space<hbm>> -> memref<1x162x64xi32, #tpu.memory_space<hbm>>
      %dma_wait3A_129 = tpu.memref_squeeze %dma_wait3A_128 : memref<1x162x64xi32, #tpu.memory_space<hbm>> -> memref<162x64xi32, #tpu.memory_space<hbm>>
      tpu.wait_dma2 semaphore(%run_scoped3A : memref<!tpu.dma_semaphore, #tpu.memory_space<semaphore_mem>>) src(%dma_wait3A_129 : memref<162x64xi32, #tpu.memory_space<hbm>>) dst(%arg6 : memref<162x64xi32, #tpu.memory_space<vmem>>)
      tpu.yield
    }) : () -> ()
    %get3A = arith.constant 0 : i32
    %get3A_26 = arith.index_cast %get3A : i32 to index
    %get3A_27 = arith.constant 0 : index
    %get3A_28 = tpu.vector_load %arg6[%get3A_26, %get3A_27] {strides = array<i32>} : memref<162x64xi32, #tpu.memory_space<vmem>>, vector<1x16xi32>,
    %get3A_29 = vector.shape_cast %get3A_28 : vector<1x16xi32> to vector<16xi32>
    %shift_right_logical3A = arith.constant 14 : i32
    %shift_right_logical3A_30 = vector.broadcast %shift_right_logical3A : i32 to vector<16xi32>
    %shift_right_logical3A_31 = arith.shrui %get3A_29, %shift_right_logical3A_30 : vector<16xi32>
    %swap3A = arith.constant 0 : index
    %swap3A_32 = tpu.vector_load %arg7[%swap3A] {strides = array<i32>} : memref<64xi32, #tpu.memory_space<vmem>>, vector<16xi32>,
    %swap3A_33 = vector.shape_cast %swap3A_32 : vector<16xi32> to vector<16xi32>
    %swap3A_34 = vector.shape_cast %shift_right_logical3A_31 : vector<16xi32> to vector<16xi32>
    tpu.vector_store %arg7[%swap3A], %swap3A_34 {strides = array<i32>} : memref<64xi32, #tpu.memory_space<vmem>>, vector<16xi32>,
    %and3A = arith.constant 16383 : i32
    %and3A_35 = vector.broadcast %and3A : i32 to vector<16xi32>
    %and3A_36 = arith.andi %get3A_29, %and3A_35 : vector<16xi32>
    %swap3A_37 = arith.constant 0 : index
    %swap3A_38 = tpu.vector_load %arg9[%swap3A_37] {strides = array<i32>} : memref<64xi32, #tpu.memory_space<vmem>>, vector<16xi32>,
    %swap3A_39 = vector.shape_cast %swap3A_38 : vector<16xi32> to vector<16xi32>
    %swap3A_40 = vector.shape_cast %and3A_36 : vector<16xi32> to vector<16xi32>
    tpu.vector_store %arg9[%swap3A_37], %swap3A_40 {strides = array<i32>} : memref<64xi32, #tpu.memory_space<vmem>>, vector<16xi32>,
    %get3A_41 = arith.constant 0 : i32
    %get3A_42 = arith.index_cast %get3A_41 : i32 to index
    %get3A_43 = arith.constant 16 : index
    %get3A_44 = tpu.vector_load %arg6[%get3A_42, %get3A_43] {strides = array<i32>} : memref<162x64xi32, #tpu.memory_space<vmem>>, vector<1x16xi32>,
    %get3A_45 = vector.shape_cast %get3A_44 : vector<1x16xi32> to vector<16xi32>
    %shift_right_logical3A_46 = arith.constant 14 : i32
    %shift_right_logical3A_47 = vector.broadcast %shift_right_logical3A_46 : i32 to vector<16xi32>
    %shift_right_logical3A_48 = arith.shrui %get3A_45, %shift_right_logical3A_47 : vector<16xi32>
    %swap3A_49 = arith.constant 16 : index
    %swap3A_50 = tpu.vector_load %arg7[%swap3A_49] {strides = array<i32>} : memref<64xi32, #tpu.memory_space<vmem>>, vector<16xi32>,
    %swap3A_51 = vector.shape_cast %swap3A_50 : vector<16xi32> to vector<16xi32>
    %swap3A_52 = vector.shape_cast %shift_right_logical3A_48 : vector<16xi32> to vector<16xi32>
    tpu.vector_store %arg7[%swap3A_49], %swap3A_52 {strides = array<i32>} : memref<64xi32, #tpu.memory_space<vmem>>, vector<16xi32>,
    %and3A_53 = arith.constant 16383 : i32
    %and3A_54 = vector.broadcast %and3A_53 : i32 to vector<16xi32>
    %and3A_55 = arith.andi %get3A_45, %and3A_54 : vector<16xi32>
    %swap3A_56 = arith.constant 16 : index
    %swap3A_57 = tpu.vector_load %arg9[%swap3A_56] {strides = array<i32>} : memref<64xi32, #tpu.memory_space<vmem>>, vector<16xi32>,
    %swap3A_58 = vector.shape_cast %swap3A_57 : vector<16xi32> to vector<16xi32>
    %swap3A_59 = vector.shape_cast %and3A_55 : vector<16xi32> to vector<16xi32>
    tpu.vector_store %arg9[%swap3A_56], %swap3A_59 {strides = array<i32>} : memref<64xi32, #tpu.memory_space<vmem>>, vector<16xi32>,
    %get3A_60 = arith.constant 0 : i32
    %get3A_61 = arith.index_cast %get3A_60 : i32 to index
    %get3A_62 = arith.constant 32 : index
    %get3A_63 = tpu.vector_load %arg6[%get3A_61, %get3A_62] {strides = array<i32>} : memref<162x64xi32, #tpu.memory_space<vmem>>, vector<1x16xi32>,
    %get3A_64 = vector.shape_cast %get3A_63 : vector<1x16xi32> to vector<16xi32>
    %shift_right_logical3A_65 = arith.constant 14 : i32
    %shift_right_logical3A_66 = vector.broadcast %shift_right_logical3A_65 : i32 to vector<16xi32>
    %shift_right_logical3A_67 = arith.shrui %get3A_64, %shift_right_logical3A_66 : vector<16xi32>
    %swap3A_68 = arith.constant 32 : index
    %swap3A_69 = tpu.vector_load %arg7[%swap3A_68] {strides = array<i32>} : memref<64xi32, #tpu.memory_space<vmem>>, vector<16xi32>,
    %swap3A_70 = vector.shape_cast %swap3A_69 : vector<16xi32> to vector<16xi32>
    %swap3A_71 = vector.shape_cast %shift_right_logical3A_67 : vector<16xi32> to vector<16xi32>
    tpu.vector_store %arg7[%swap3A_68], %swap3A_71 {strides = array<i32>} : memref<64xi32, #tpu.memory_space<vmem>>, vector<16xi32>,
    %and3A_72 = arith.constant 16383 : i32
    %and3A_73 = vector.broadcast %and3A_72 : i32 to vector<16xi32>
    %and3A_74 = arith.andi %get3A_64, %and3A_73 : vector<16xi32>
    %swap3A_75 = arith.constant 32 : index
    %swap3A_76 = tpu.vector_load %arg9[%swap3A_75] {strides = array<i32>} : memref<64xi32, #tpu.memory_space<vmem>>, vector<16xi32>,
    %swap3A_77 = vector.shape_cast %swap3A_76 : vector<16xi32> to vector<16xi32>
    %swap3A_78 = vector.shape_cast %and3A_74 : vector<16xi32> to vector<16xi32>
    tpu.vector_store %arg9[%swap3A_75], %swap3A_78 {strides = array<i32>} : memref<64xi32, #tpu.memory_space<vmem>>, vector<16xi32>,
    %get3A_79 = arith.constant 0 : i32
    %get3A_80 = arith.index_cast %get3A_79 : i32 to index
    %get3A_81 = arith.constant 48 : index
    %get3A_82 = tpu.vector_load %arg6[%get3A_80, %get3A_81] {strides = array<i32>} : memref<162x64xi32, #tpu.memory_space<vmem>>, vector<1x16xi32>,
    %get3A_83 = vector.shape_cast %get3A_82 : vector<1x16xi32> to vector<16xi32>
    %shift_right_logical3A_84 = arith.constant 14 : i32
    %shift_right_logical3A_85 = vector.broadcast %shift_right_logical3A_84 : i32 to vector<16xi32>
    %shift_right_logical3A_86 = arith.shrui %get3A_83, %shift_right_logical3A_85 : vector<16xi32>
    %swap3A_87 = arith.constant 48 : index
    %swap3A_88 = tpu.vector_load %arg7[%swap3A_87] {strides = array<i32>} : memref<64xi32, #tpu.memory_space<vmem>>, vector<16xi32>,
    %swap3A_89 = vector.shape_cast %swap3A_88 : vector<16xi32> to vector<16xi32>
    %swap3A_90 = vector.shape_cast %shift_right_logical3A_86 : vector<16xi32> to vector<16xi32>
    tpu.vector_store %arg7[%swap3A_87], %swap3A_90 {strides = array<i32>} : memref<64xi32, #tpu.memory_space<vmem>>, vector<16xi32>,
    %and3A_91 = arith.constant 16383 : i32
    %and3A_92 = vector.broadcast %and3A_91 : i32 to vector<16xi32>
    %and3A_93 = arith.andi %get3A_83, %and3A_92 : vector<16xi32>
    %swap3A_94 = arith.constant 48 : index
    %swap3A_95 = tpu.vector_load %arg9[%swap3A_94] {strides = array<i32>} : memref<64xi32, #tpu.memory_space<vmem>>, vector<16xi32>,
    %swap3A_96 = vector.shape_cast %swap3A_95 : vector<16xi32> to vector<16xi32>
    %swap3A_97 = vector.shape_cast %and3A_93 : vector<16xi32> to vector<16xi32>
    tpu.vector_store %arg9[%swap3A_94], %swap3A_97 {strides = array<i32>} : memref<64xi32, #tpu.memory_space<vmem>>, vector<16xi32>,
    %dma_start3A = arith.constant 0 : i32
    %dma_start3A_98 = arith.constant 0 : i32
    %dma_start3A_99 = tpu.memref_slice %arg2[%dma_start3A, %dma_start3A_98] : memref<10000x48xf32, #tpu.memory_space<hbm>> -> memref<10000x48xf32, #tpu.memory_space<hbm>>
    tpu.enqueue_indirect_dma source(%dma_start3A_99 : memref<10000x48xf32, #tpu.memory_space<hbm>>) target(%arg11 : memref<64x48xf32, #tpu.memory_space<vmem>>) offsets(%arg7 : memref<64xi32, #tpu.memory_space<vmem>>) semaphore(%arg16 : memref<!tpu.dma_semaphore, #tpu.memory_space<semaphore_mem>>)
    %dma_start3A_100 = arith.constant 0 : i32
    %dma_start3A_101 = arith.constant 0 : i32
    %dma_start3A_102 = tpu.memref_slice %arg3[%dma_start3A_100, %dma_start3A_101] : memref<10000x32xf32, #tpu.memory_space<hbm>> -> memref<10000x32xf32, #tpu.memory_space<hbm>>
    tpu.enqueue_indirect_dma source(%dma_start3A_102 : memref<10000x32xf32, #tpu.memory_space<hbm>>) target(%arg13 : memref<64x32xf32, #tpu.memory_space<vmem>>) offsets(%arg9 : memref<64xi32, #tpu.memory_space<vmem>>) semaphore(%arg18 : memref<!tpu.dma_semaphore, #tpu.memory_space<semaphore_mem>>)
    %scan3A = arith.constant 0 : i32
    %scan3A_103 = arith.constant 0 : i32
    %scan3A_104 = arith.constant 81 : i32
    %scan3A_105 = arith.addi %scan3A_103, %scan3A_104 : i32
    %scan3A_106 = arith.constant 1 : i32
    scf.for %scan3A_114 = %scan3A_103 to %scan3A_105 step %scan3A_106  : i32 {
      %mul3A_115 = arith.constant 2 : i32
      %mul3A_116 = arith.muli %mul3A_115, %scan3A_114 : i32
      %add3A_117 = arith.constant 1 : i32
      %add3A_118 = arith.addi %mul3A_116, %add3A_117 : i32
      %get3A_119 = arith.index_cast %add3A_118 : i32 to index
      %get3A_120 = arith.constant 0 : index
      %get3A_121 = tpu.vector_load %arg6[%get3A_119, %get3A_120] {strides = array<i32>} : memref<162x64xi32, #tpu.memory_space<vmem>>, vector<1x16xi32>,
      %get3A_122 = vector.shape_cast %get3A_121 : vector<1x16xi32> to vector<16xi32>
      %shift_right_logical3A_123 = arith.constant 14 : i32
      %shift_right_logical3A_124 = vector.broadcast %shift_right_logical3A_123 : i32 to vector<16xi32>
      %shift_right_logical3A_125 = arith.shrui %get3A_122, %shift_right_logical3A_124 : vector<16xi32>
      %swap3A_126 = arith.constant 0 : index
      %swap3A_127 = tpu.vector_load %arg8[%swap3A_126] {strides = array<i32>} : memref<64xi32, #tpu.memory_space<vmem>>, vector<16xi32>,
      %swap3A_128 = vector.shape_cast %swap3A_127 : vector<16xi32> to vector<16xi32>
      %swap3A_129 = vector.shape_cast %shift_right_logical3A_125 : vector<16xi32> to vector<16xi32>
      tpu.vector_store %arg8[%swap3A_126], %swap3A_129 {strides = array<i32>} : memref<64xi32, #tpu.memory_space<vmem>>, vector<16xi32>,
      %and3A_130 = arith.constant 16383 : i32
      %and3A_131 = vector.broadcast %and3A_130 : i32 to vector<16xi32>
      %and3A_132 = arith.andi %get3A_122, %and3A_131 : vector<16xi32>
      %swap3A_133 = arith.constant 0 : index
      %swap3A_134 = tpu.vector_load %arg10[%swap3A_133] {strides = array<i32>} : memref<64xi32, #tpu.memory_space<vmem>>, vector<16xi32>,
      %swap3A_135 = vector.shape_cast %swap3A_134 : vector<16xi32> to vector<16xi32>
      %swap3A_136 = vector.shape_cast %and3A_132 : vector<16xi32> to vector<16xi32>
      tpu.vector_store %arg10[%swap3A_133], %swap3A_136 {strides = array<i32>} : memref<64xi32, #tpu.memory_space<vmem>>, vector<16xi32>,
      %get3A_137 = arith.index_cast %add3A_118 : i32 to index
      %get3A_138 = arith.constant 16 : index
      %get3A_139 = tpu.vector_load %arg6[%get3A_137, %get3A_138] {strides = array<i32>} : memref<162x64xi32, #tpu.memory_space<vmem>>, vector<1x16xi32>,
      %get3A_140 = vector.shape_cast %get3A_139 : vector<1x16xi32> to vector<16xi32>
      %shift_right_logical3A_141 = arith.constant 14 : i32
      %shift_right_logical3A_142 = vector.broadcast %shift_right_logical3A_141 : i32 to vector<16xi32>
      %shift_right_logical3A_143 = arith.shrui %get3A_140, %shift_right_logical3A_142 : vector<16xi32>
      %swap3A_144 = arith.constant 16 : index
      %swap3A_145 = tpu.vector_load %arg8[%swap3A_144] {strides = array<i32>} : memref<64xi32, #tpu.memory_space<vmem>>, vector<16xi32>,
      %swap3A_146 = vector.shape_cast %swap3A_145 : vector<16xi32> to vector<16xi32>
      %swap3A_147 = vector.shape_cast %shift_right_logical3A_143 : vector<16xi32> to vector<16xi32>
      tpu.vector_store %arg8[%swap3A_144], %swap3A_147 {strides = array<i32>} : memref<64xi32, #tpu.memory_space<vmem>>, vector<16xi32>,
      %and3A_148 = arith.constant 16383 : i32
      %and3A_149 = vector.broadcast %and3A_148 : i32 to vector<16xi32>
      %and3A_150 = arith.andi %get3A_140, %and3A_149 : vector<16xi32>
      %swap3A_151 = arith.constant 16 : index
      %swap3A_152 = tpu.vector_load %arg10[%swap3A_151] {strides = array<i32>} : memref<64xi32, #tpu.memory_space<vmem>>, vector<16xi32>,
      %swap3A_153 = vector.shape_cast %swap3A_152 : vector<16xi32> to vector<16xi32>
      %swap3A_154 = vector.shape_cast %and3A_150 : vector<16xi32> to vector<16xi32>
      tpu.vector_store %arg10[%swap3A_151], %swap3A_154 {strides = array<i32>} : memref<64xi32, #tpu.memory_space<vmem>>, vector<16xi32>,
      %get3A_155 = arith.index_cast %add3A_118 : i32 to index
      %get3A_156 = arith.constant 32 : index
      %get3A_157 = tpu.vector_load %arg6[%get3A_155, %get3A_156] {strides = array<i32>} : memref<162x64xi32, #tpu.memory_space<vmem>>, vector<1x16xi32>,
      %get3A_158 = vector.shape_cast %get3A_157 : vector<1x16xi32> to vector<16xi32>
      %shift_right_logical3A_159 = arith.constant 14 : i32
      %shift_right_logical3A_160 = vector.broadcast %shift_right_logical3A_159 : i32 to vector<16xi32>
      %shift_right_logical3A_161 = arith.shrui %get3A_158, %shift_right_logical3A_160 : vector<16xi32>
      %swap3A_162 = arith.constant 32 : index
      %swap3A_163 = tpu.vector_load %arg8[%swap3A_162] {strides = array<i32>} : memref<64xi32, #tpu.memory_space<vmem>>, vector<16xi32>,
      %swap3A_164 = vector.shape_cast %swap3A_163 : vector<16xi32> to vector<16xi32>
      %swap3A_165 = vector.shape_cast %shift_right_logical3A_161 : vector<16xi32> to vector<16xi32>
      tpu.vector_store %arg8[%swap3A_162], %swap3A_165 {strides = array<i32>} : memref<64xi32, #tpu.memory_space<vmem>>, vector<16xi32>,
      %and3A_166 = arith.constant 16383 : i32
      %and3A_167 = vector.broadcast %and3A_166 : i32 to vector<16xi32>
      %and3A_168 = arith.andi %get3A_158, %and3A_167 : vector<16xi32>
      %swap3A_169 = arith.constant 32 : index
      %swap3A_170 = tpu.vector_load %arg10[%swap3A_169] {strides = array<i32>} : memref<64xi32, #tpu.memory_space<vmem>>, vector<16xi32>,
      %swap3A_171 = vector.shape_cast %swap3A_170 : vector<16xi32> to vector<16xi32>
      %swap3A_172 = vector.shape_cast %and3A_168 : vector<16xi32> to vector<16xi32>
      tpu.vector_store %arg10[%swap3A_169], %swap3A_172 {strides = array<i32>} : memref<64xi32, #tpu.memory_space<vmem>>, vector<16xi32>,
      %get3A_173 = arith.index_cast %add3A_118 : i32 to index
      %get3A_174 = arith.constant 48 : index
      %get3A_175 = tpu.vector_load %arg6[%get3A_173, %get3A_174] {strides = array<i32>} : memref<162x64xi32, #tpu.memory_space<vmem>>, vector<1x16xi32>,
      %get3A_176 = vector.shape_cast %get3A_175 : vector<1x16xi32> to vector<16xi32>
      %shift_right_logical3A_177 = arith.constant 14 : i32
      %shift_right_logical3A_178 = vector.broadcast %shift_right_logical3A_177 : i32 to vector<16xi32>
      %shift_right_logical3A_179 = arith.shrui %get3A_176, %shift_right_logical3A_178 : vector<16xi32>
      %swap3A_180 = arith.constant 48 : index
      %swap3A_181 = tpu.vector_load %arg8[%swap3A_180] {strides = array<i32>} : memref<64xi32, #tpu.memory_space<vmem>>, vector<16xi32>,
      %swap3A_182 = vector.shape_cast %swap3A_181 : vector<16xi32> to vector<16xi32>
      %swap3A_183 = vector.shape_cast %shift_right_logical3A_179 : vector<16xi32> to vector<16xi32>
      tpu.vector_store %arg8[%swap3A_180], %swap3A_183 {strides = array<i32>} : memref<64xi32, #tpu.memory_space<vmem>>, vector<16xi32>,
      %and3A_184 = arith.constant 16383 : i32
      %and3A_185 = vector.broadcast %and3A_184 : i32 to vector<16xi32>
      %and3A_186 = arith.andi %get3A_176, %and3A_185 : vector<16xi32>
      %swap3A_187 = arith.constant 48 : index
      %swap3A_188 = tpu.vector_load %arg10[%swap3A_187] {strides = array<i32>} : memref<64xi32, #tpu.memory_space<vmem>>, vector<16xi32>,
      %swap3A_189 = vector.shape_cast %swap3A_188 : vector<16xi32> to vector<16xi32>
      %swap3A_190 = vector.shape_cast %and3A_186 : vector<16xi32> to vector<16xi32>
      tpu.vector_store %arg10[%swap3A_187], %swap3A_190 {strides = array<i32>} : memref<64xi32, #tpu.memory_space<vmem>>, vector<16xi32>,
      %dma_start3A_191 = arith.constant 0 : i32
      %dma_start3A_192 = arith.constant 0 : i32
      %dma_start3A_193 = tpu.memref_slice %arg2[%dma_start3A_191, %dma_start3A_192] : memref<10000x48xf32, #tpu.memory_space<hbm>> -> memref<10000x48xf32, #tpu.memory_space<hbm>>
      tpu.enqueue_indirect_dma source(%dma_start3A_193 : memref<10000x48xf32, #tpu.memory_space<hbm>>) target(%arg12 : memref<64x48xf32, #tpu.memory_space<vmem>>) offsets(%arg8 : memref<64xi32, #tpu.memory_space<vmem>>) semaphore(%arg17 : memref<!tpu.dma_semaphore, #tpu.memory_space<semaphore_mem>>)
      %dma_start3A_194 = arith.constant 0 : i32
      %dma_start3A_195 = arith.constant 0 : i32
      %dma_start3A_196 = tpu.memref_slice %arg3[%dma_start3A_194, %dma_start3A_195] : memref<10000x32xf32, #tpu.memory_space<hbm>> -> memref<10000x32xf32, #tpu.memory_space<hbm>>
      tpu.enqueue_indirect_dma source(%dma_start3A_196 : memref<10000x32xf32, #tpu.memory_space<hbm>>) target(%arg14 : memref<64x32xf32, #tpu.memory_space<vmem>>) offsets(%arg10 : memref<64xi32, #tpu.memory_space<vmem>>) semaphore(%arg19 : memref<!tpu.dma_semaphore, #tpu.memory_space<semaphore_mem>>)
      %dma_wait3A_197 = arith.constant 0 : i32
      %dma_wait3A_198 = arith.constant 0 : i32
      %dma_wait3A_199 = tpu.memref_slice %arg2[%dma_wait3A_197, %dma_wait3A_198] : memref<10000x48xf32, #tpu.memory_space<hbm>> -> memref<10000x48xf32, #tpu.memory_space<hbm>>
      tpu.wait_indirect_dma semaphore(%arg16 : memref<!tpu.dma_semaphore, #tpu.memory_space<semaphore_mem>>) src(%dma_wait3A_199 : memref<10000x48xf32, #tpu.memory_space<hbm>>) dst(%arg11 : memref<64x48xf32, #tpu.memory_space<vmem>>)
      %dma_wait3A_200 = arith.constant 0 : i32
      %dma_wait3A_201 = arith.constant 0 : i32
      %dma_wait3A_202 = tpu.memref_slice %arg3[%dma_wait3A_200, %dma_wait3A_201] : memref<10000x32xf32, #tpu.memory_space<hbm>> -> memref<10000x32xf32, #tpu.memory_space<hbm>>
      tpu.wait_indirect_dma semaphore(%arg18 : memref<!tpu.dma_semaphore, #tpu.memory_space<semaphore_mem>>) src(%dma_wait3A_202 : memref<10000x32xf32, #tpu.memory_space<hbm>>) dst(%arg13 : memref<64x32xf32, #tpu.memory_space<vmem>>)
      %iota3A = tpu.iota {dimensions = array<i32: 0>} : vector<16xi32>
      %parallel_loop3A_203 = arith.constant 0 : i32
      %parallel_loop3A_204 = arith.constant 64 : i32
      %parallel_loop3A_205 = arith.constant 1 : i32
      scf.for %parallel_loop3A_299 = %parallel_loop3A_203 to %parallel_loop3A_204 step %parallel_loop3A_205  : i32 {
        %parallel_loop3A_300 = arith.index_cast %parallel_loop3A_299 : i32 to index
        %parallel_loop3A_301 = arith.constant 32 : index
        %parallel_loop3A_302 = tpu.vector_load %arg11[%parallel_loop3A_300, %parallel_loop3A_301] {strides = array<i32>} : memref<64x48xf32, #tpu.memory_space<vmem>>, vector<1x16xf32>,
        %parallel_loop3A_303 = vector.shape_cast %parallel_loop3A_302 : vector<1x16xf32> to vector<16xf32>
        %parallel_loop3A_304 = arith.index_cast %parallel_loop3A_299 : i32 to index
        %parallel_loop3A_305 = arith.constant 0 : index
        %parallel_loop3A_306 = tpu.vector_load %arg13[%parallel_loop3A_304, %parallel_loop3A_305] {strides = array<i32>} : memref<64x32xf32, #tpu.memory_space<vmem>>, vector<1x16xf32>,
        %parallel_loop3A_307 = vector.shape_cast %parallel_loop3A_306 : vector<1x16xf32> to vector<16xf32>
        %parallel_loop3A_308 = arith.index_cast %parallel_loop3A_299 : i32 to index
        %parallel_loop3A_309 = arith.constant 16 : index
        %parallel_loop3A_310 = tpu.vector_load %arg13[%parallel_loop3A_308, %parallel_loop3A_309] {strides = array<i32>} : memref<64x32xf32, #tpu.memory_space<vmem>>, vector<1x16xf32>,
        %parallel_loop3A_311 = vector.shape_cast %parallel_loop3A_310 : vector<1x16xf32> to vector<16xf32>
        %parallel_loop3A_312 = arith.addf %parallel_loop3A_303, %parallel_loop3A_307 : vector<16xf32>
        %parallel_loop3A_313 = arith.constant 0.000000e+00 : f32
        %parallel_loop3A_314 = vector.broadcast %parallel_loop3A_313 : f32 to vector<16xf32>
        %parallel_loop3A_315 = arith.cmpf ogt, %parallel_loop3A_312, %parallel_loop3A_314 : vector<16xf32>
        %parallel_loop3A_316 = arith.constant 2.000000e-01 : f32
        %parallel_loop3A_317 = vector.broadcast %parallel_loop3A_316 : f32 to vector<16xf32>
        %parallel_loop3A_318 = arith.mulf %parallel_loop3A_317, %parallel_loop3A_312 : vector<16xf32>
        %parallel_loop3A_319 = arith.select %parallel_loop3A_315, %parallel_loop3A_312, %parallel_loop3A_318 : vector<16xi1>, vector<16xf32>
        %parallel_loop3A_320 = arith.subf %parallel_loop3A_319, %parallel_loop3A_311 : vector<16xf32>
        %parallel_loop3A_321 = math.exp %parallel_loop3A_320 : vector<16xf32>
        %parallel_loop3A_322 = arith.constant 8 : i32
        %parallel_loop3A_323 = vector.broadcast %parallel_loop3A_322 : i32 to vector<16x1xi32>
        %parallel_loop3A_324 = vector.shape_cast %parallel_loop3A_323 : vector<16x1xi32> to vector<16xi32>
        %parallel_loop3A_325 = tpu.dynamic_gather %parallel_loop3A_321[%parallel_loop3A_324] in [0] : vector<16xf32>, vector<16xi32> -> vector<16xf32>
        %parallel_loop3A_326 = arith.index_cast %parallel_loop3A_299 : i32 to index
        %parallel_loop3A_327 = arith.constant 0 : index
        %parallel_loop3A_328 = tpu.vector_load %arg11[%parallel_loop3A_326, %parallel_loop3A_327] {strides = array<i32>} : memref<64x48xf32, #tpu.memory_space<vmem>>, vector<1x16xf32>,
        %parallel_loop3A_329 = vector.shape_cast %parallel_loop3A_328 : vector<1x16xf32> to vector<16xf32>
        %parallel_loop3A_330 = arith.mulf %parallel_loop3A_329, %parallel_loop3A_325 : vector<16xf32>
        %parallel_loop3A_331 = arith.index_cast %parallel_loop3A_299 : i32 to index
        %parallel_loop3A_332 = arith.constant 0 : index
        %parallel_loop3A_333 = tpu.vector_load %arg11[%parallel_loop3A_331, %parallel_loop3A_332] {strides = array<i32>} : memref<64x48xf32, #tpu.memory_space<vmem>>, vector<1x16xf32>,
        %parallel_loop3A_334 = vector.shape_cast %parallel_loop3A_333 : vector<1x16xf32> to vector<16xf32>
        %parallel_loop3A_335 = vector.shape_cast %parallel_loop3A_330 : vector<16xf32> to vector<1x16xf32>
        tpu.vector_store %arg11[%parallel_loop3A_331, %parallel_loop3A_332], %parallel_loop3A_335 {strides = array<i32>} : memref<64x48xf32, #tpu.memory_space<vmem>>, vector<1x16xf32>,
        %parallel_loop3A_336 = arith.index_cast %parallel_loop3A_299 : i32 to index
        %parallel_loop3A_337 = arith.constant 16 : index
        %parallel_loop3A_338 = tpu.vector_load %arg11[%parallel_loop3A_336, %parallel_loop3A_337] {strides = array<i32>} : memref<64x48xf32, #tpu.memory_space<vmem>>, vector<1x16xf32>,
        %parallel_loop3A_339 = vector.shape_cast %parallel_loop3A_338 : vector<1x16xf32> to vector<16xf32>
        %parallel_loop3A_340 = arith.mulf %parallel_loop3A_339, %parallel_loop3A_325 : vector<16xf32>
        %parallel_loop3A_341 = arith.index_cast %parallel_loop3A_299 : i32 to index
        %parallel_loop3A_342 = arith.constant 16 : index
        %parallel_loop3A_343 = tpu.vector_load %arg11[%parallel_loop3A_341, %parallel_loop3A_342] {strides = array<i32>} : memref<64x48xf32, #tpu.memory_space<vmem>>, vector<1x16xf32>,
        %parallel_loop3A_344 = vector.shape_cast %parallel_loop3A_343 : vector<1x16xf32> to vector<16xf32>
        %parallel_loop3A_345 = vector.shape_cast %parallel_loop3A_340 : vector<16xf32> to vector<1x16xf32>
        tpu.vector_store %arg11[%parallel_loop3A_341, %parallel_loop3A_342], %parallel_loop3A_345 {strides = array<i32>} : memref<64x48xf32, #tpu.memory_space<vmem>>, vector<1x16xf32>,
        %parallel_loop3A_346 = arith.constant 8 : i32
        %parallel_loop3A_347 = vector.broadcast %parallel_loop3A_346 : i32 to vector<16xi32>
        %parallel_loop3A_348 = arith.cmpi slt, %iota3A, %parallel_loop3A_347 : vector<16xi32>
        %parallel_loop3A_349 = arith.mulf %parallel_loop3A_303, %parallel_loop3A_325 : vector<16xf32>
        %parallel_loop3A_350 = arith.select %parallel_loop3A_348, %parallel_loop3A_349, %parallel_loop3A_325 : vector<16xi1>, vector<16xf32>
        %parallel_loop3A_351 = arith.index_cast %parallel_loop3A_299 : i32 to index
        %parallel_loop3A_352 = arith.constant 32 : index
        %parallel_loop3A_353 = tpu.vector_load %arg11[%parallel_loop3A_351, %parallel_loop3A_352] {strides = array<i32>} : memref<64x48xf32, #tpu.memory_space<vmem>>, vector<1x16xf32>,
        %parallel_loop3A_354 = vector.shape_cast %parallel_loop3A_353 : vector<1x16xf32> to vector<16xf32>
        %parallel_loop3A_355 = vector.shape_cast %parallel_loop3A_350 : vector<16xf32> to vector<1x16xf32>
        tpu.vector_store %arg11[%parallel_loop3A_351, %parallel_loop3A_352], %parallel_loop3A_355 {strides = array<i32>} : memref<64x48xf32, #tpu.memory_space<vmem>>, vector<1x16xf32>,
      } {sc.loop_unroll_factor = 4 : i64, sc.parallel_access}
      "tpu.region"() ({
        %run_scoped3A = tpu.sem_alloc : memref<!tpu.dma_semaphore, #tpu.memory_space<semaphore_mem>>
        %dma_start3A_299 = arith.constant 0 : i32
        %dma_start3A_300 = arith.constant 0 : i32
        %dma_start3A_301 = tpu.memref_slice %arg15[%dma_start3A_299, %dma_start3A_300] : memref<10000x48xf32, #tpu.memory_space<vmem_shared>> -> memref<10000x48xf32, #tpu.memory_space<vmem_shared>>
        tpu.enqueue_indirect_dma source(%arg11 : memref<64x48xf32, #tpu.memory_space<vmem>>) target(%dma_start3A_301 : memref<10000x48xf32, #tpu.memory_space<vmem_shared>>) offsets(%arg9 : memref<64xi32, #tpu.memory_space<vmem>>) semaphore(%run_scoped3A : memref<!tpu.dma_semaphore, #tpu.memory_space<semaphore_mem>>) {add = true}
        %dma_wait3A_302 = arith.constant 0 : i32
        %dma_wait3A_303 = arith.constant 0 : i32
        %dma_wait3A_304 = tpu.memref_slice %arg15[%dma_wait3A_302, %dma_wait3A_303] : memref<10000x48xf32, #tpu.memory_space<vmem_shared>> -> memref<10000x48xf32, #tpu.memory_space<vmem_shared>>
        tpu.wait_indirect_dma semaphore(%run_scoped3A : memref<!tpu.dma_semaphore, #tpu.memory_space<semaphore_mem>>) src(%arg11 : memref<64x48xf32, #tpu.memory_space<vmem>>) dst(%dma_wait3A_304 : memref<10000x48xf32, #tpu.memory_space<vmem_shared>>)
        tpu.yield
      }) : () -> ()
      %mul3A_206 = arith.constant 2 : i32
      %mul3A_207 = arith.muli %mul3A_206, %scan3A_114 : i32
      %add3A_208 = arith.constant 2 : i32
      %add3A_209 = arith.addi %mul3A_207, %add3A_208 : i32
      %rem3A = arith.constant 162 : i32
      %rem3A_210 = arith.remsi %add3A_209, %rem3A : i32
      %get3A_211 = arith.index_cast %rem3A_210 : i32 to index
      %get3A_212 = arith.constant 0 : index
      %get3A_213 = tpu.vector_load %arg6[%get3A_211, %get3A_212] {strides = array<i32>} : memref<162x64xi32, #tpu.memory_space<vmem>>, vector<1x16xi32>,
      %get3A_214 = vector.shape_cast %get3A_213 : vector<1x16xi32> to vector<16xi32>
      %shift_right_logical3A_215 = arith.constant 14 : i32
      %shift_right_logical3A_216 = vector.broadcast %shift_right_logical3A_215 : i32 to vector<16xi32>
      %shift_right_logical3A_217 = arith.shrui %get3A_214, %shift_right_logical3A_216 : vector<16xi32>
      %swap3A_218 = arith.constant 0 : index
      %swap3A_219 = tpu.vector_load %arg7[%swap3A_218] {strides = array<i32>} : memref<64xi32, #tpu.memory_space<vmem>>, vector<16xi32>,
      %swap3A_220 = vector.shape_cast %swap3A_219 : vector<16xi32> to vector<16xi32>
      %swap3A_221 = vector.shape_cast %shift_right_logical3A_217 : vector<16xi32> to vector<16xi32>
      tpu.vector_store %arg7[%swap3A_218], %swap3A_221 {strides = array<i32>} : memref<64xi32, #tpu.memory_space<vmem>>, vector<16xi32>,
      %and3A_222 = arith.constant 16383 : i32
      %and3A_223 = vector.broadcast %and3A_222 : i32 to vector<16xi32>
      %and3A_224 = arith.andi %get3A_214, %and3A_223 : vector<16xi32>
      %swap3A_225 = arith.constant 0 : index
      %swap3A_226 = tpu.vector_load %arg9[%swap3A_225] {strides = array<i32>} : memref<64xi32, #tpu.memory_space<vmem>>, vector<16xi32>,
      %swap3A_227 = vector.shape_cast %swap3A_226 : vector<16xi32> to vector<16xi32>
      %swap3A_228 = vector.shape_cast %and3A_224 : vector<16xi32> to vector<16xi32>
      tpu.vector_store %arg9[%swap3A_225], %swap3A_228 {strides = array<i32>} : memref<64xi32, #tpu.memory_space<vmem>>, vector<16xi32>,
      %get3A_229 = arith.index_cast %rem3A_210 : i32 to index
      %get3A_230 = arith.constant 16 : index
      %get3A_231 = tpu.vector_load %arg6[%get3A_229, %get3A_230] {strides = array<i32>} : memref<162x64xi32, #tpu.memory_space<vmem>>, vector<1x16xi32>,
      %get3A_232 = vector.shape_cast %get3A_231 : vector<1x16xi32> to vector<16xi32>
      %shift_right_logical3A_233 = arith.constant 14 : i32
      %shift_right_logical3A_234 = vector.broadcast %shift_right_logical3A_233 : i32 to vector<16xi32>
      %shift_right_logical3A_235 = arith.shrui %get3A_232, %shift_right_logical3A_234 : vector<16xi32>
      %swap3A_236 = arith.constant 16 : index
      %swap3A_237 = tpu.vector_load %arg7[%swap3A_236] {strides = array<i32>} : memref<64xi32, #tpu.memory_space<vmem>>, vector<16xi32>,
      %swap3A_238 = vector.shape_cast %swap3A_237 : vector<16xi32> to vector<16xi32>
      %swap3A_239 = vector.shape_cast %shift_right_logical3A_235 : vector<16xi32> to vector<16xi32>
      tpu.vector_store %arg7[%swap3A_236], %swap3A_239 {strides = array<i32>} : memref<64xi32, #tpu.memory_space<vmem>>, vector<16xi32>,
      %and3A_240 = arith.constant 16383 : i32
      %and3A_241 = vector.broadcast %and3A_240 : i32 to vector<16xi32>
      %and3A_242 = arith.andi %get3A_232, %and3A_241 : vector<16xi32>
      %swap3A_243 = arith.constant 16 : index
      %swap3A_244 = tpu.vector_load %arg9[%swap3A_243] {strides = array<i32>} : memref<64xi32, #tpu.memory_space<vmem>>, vector<16xi32>,
      %swap3A_245 = vector.shape_cast %swap3A_244 : vector<16xi32> to vector<16xi32>
      %swap3A_246 = vector.shape_cast %and3A_242 : vector<16xi32> to vector<16xi32>
      tpu.vector_store %arg9[%swap3A_243], %swap3A_246 {strides = array<i32>} : memref<64xi32, #tpu.memory_space<vmem>>, vector<16xi32>,
      %get3A_247 = arith.index_cast %rem3A_210 : i32 to index
      %get3A_248 = arith.constant 32 : index
      %get3A_249 = tpu.vector_load %arg6[%get3A_247, %get3A_248] {strides = array<i32>} : memref<162x64xi32, #tpu.memory_space<vmem>>, vector<1x16xi32>,
      %get3A_250 = vector.shape_cast %get3A_249 : vector<1x16xi32> to vector<16xi32>
      %shift_right_logical3A_251 = arith.constant 14 : i32
      %shift_right_logical3A_252 = vector.broadcast %shift_right_logical3A_251 : i32 to vector<16xi32>
      %shift_right_logical3A_253 = arith.shrui %get3A_250, %shift_right_logical3A_252 : vector<16xi32>
      %swap3A_254 = arith.constant 32 : index
      %swap3A_255 = tpu.vector_load %arg7[%swap3A_254] {strides = array<i32>} : memref<64xi32, #tpu.memory_space<vmem>>, vector<16xi32>,
      %swap3A_256 = vector.shape_cast %swap3A_255 : vector<16xi32> to vector<16xi32>
      %swap3A_257 = vector.shape_cast %shift_right_logical3A_253 : vector<16xi32> to vector<16xi32>
      tpu.vector_store %arg7[%swap3A_254], %swap3A_257 {strides = array<i32>} : memref<64xi32, #tpu.memory_space<vmem>>, vector<16xi32>,
      %and3A_258 = arith.constant 16383 : i32
      %and3A_259 = vector.broadcast %and3A_258 : i32 to vector<16xi32>
      %and3A_260 = arith.andi %get3A_250, %and3A_259 : vector<16xi32>
      %swap3A_261 = arith.constant 32 : index
      %swap3A_262 = tpu.vector_load %arg9[%swap3A_261] {strides = array<i32>} : memref<64xi32, #tpu.memory_space<vmem>>, vector<16xi32>,
      %swap3A_263 = vector.shape_cast %swap3A_262 : vector<16xi32> to vector<16xi32>
      %swap3A_264 = vector.shape_cast %and3A_260 : vector<16xi32> to vector<16xi32>
      tpu.vector_store %arg9[%swap3A_261], %swap3A_264 {strides = array<i32>} : memref<64xi32, #tpu.memory_space<vmem>>, vector<16xi32>,
      %get3A_265 = arith.index_cast %rem3A_210 : i32 to index
      %get3A_266 = arith.constant 48 : index
      %get3A_267 = tpu.vector_load %arg6[%get3A_265, %get3A_266] {strides = array<i32>} : memref<162x64xi32, #tpu.memory_space<vmem>>, vector<1x16xi32>,
      %get3A_268 = vector.shape_cast %get3A_267 : vector<1x16xi32> to vector<16xi32>
      %shift_right_logical3A_269 = arith.constant 14 : i32
      %shift_right_logical3A_270 = vector.broadcast %shift_right_logical3A_269 : i32 to vector<16xi32>
      %shift_right_logical3A_271 = arith.shrui %get3A_268, %shift_right_logical3A_270 : vector<16xi32>
      %swap3A_272 = arith.constant 48 : index
      %swap3A_273 = tpu.vector_load %arg7[%swap3A_272] {strides = array<i32>} : memref<64xi32, #tpu.memory_space<vmem>>, vector<16xi32>,
      %swap3A_274 = vector.shape_cast %swap3A_273 : vector<16xi32> to vector<16xi32>
      %swap3A_275 = vector.shape_cast %shift_right_logical3A_271 : vector<16xi32> to vector<16xi32>
      tpu.vector_store %arg7[%swap3A_272], %swap3A_275 {strides = array<i32>} : memref<64xi32, #tpu.memory_space<vmem>>, vector<16xi32>,
      %and3A_276 = arith.constant 16383 : i32
      %and3A_277 = vector.broadcast %and3A_276 : i32 to vector<16xi32>
      %and3A_278 = arith.andi %get3A_268, %and3A_277 : vector<16xi32>
      %swap3A_279 = arith.constant 48 : index
      %swap3A_280 = tpu.vector_load %arg9[%swap3A_279] {strides = array<i32>} : memref<64xi32, #tpu.memory_space<vmem>>, vector<16xi32>,
      %swap3A_281 = vector.shape_cast %swap3A_280 : vector<16xi32> to vector<16xi32>
      %swap3A_282 = vector.shape_cast %and3A_278 : vector<16xi32> to vector<16xi32>
      tpu.vector_store %arg9[%swap3A_279], %swap3A_282 {strides = array<i32>} : memref<64xi32, #tpu.memory_space<vmem>>, vector<16xi32>,
      %dma_start3A_283 = arith.constant 0 : i32
      %dma_start3A_284 = arith.constant 0 : i32
      %dma_start3A_285 = tpu.memref_slice %arg2[%dma_start3A_283, %dma_start3A_284] : memref<10000x48xf32, #tpu.memory_space<hbm>> -> memref<10000x48xf32, #tpu.memory_space<hbm>>
      tpu.enqueue_indirect_dma source(%dma_start3A_285 : memref<10000x48xf32, #tpu.memory_space<hbm>>) target(%arg11 : memref<64x48xf32, #tpu.memory_space<vmem>>) offsets(%arg7 : memref<64xi32, #tpu.memory_space<vmem>>) semaphore(%arg16 : memref<!tpu.dma_semaphore, #tpu.memory_space<semaphore_mem>>)
      %dma_start3A_286 = arith.constant 0 : i32
      %dma_start3A_287 = arith.constant 0 : i32
      %dma_start3A_288 = tpu.memref_slice %arg3[%dma_start3A_286, %dma_start3A_287] : memref<10000x32xf32, #tpu.memory_space<hbm>> -> memref<10000x32xf32, #tpu.memory_space<hbm>>
      tpu.enqueue_indirect_dma source(%dma_start3A_288 : memref<10000x32xf32, #tpu.memory_space<hbm>>) target(%arg13 : memref<64x32xf32, #tpu.memory_space<vmem>>) offsets(%arg9 : memref<64xi32, #tpu.memory_space<vmem>>) semaphore(%arg18 : memref<!tpu.dma_semaphore, #tpu.memory_space<semaphore_mem>>)
      %dma_wait3A_289 = arith.constant 0 : i32
      %dma_wait3A_290 = arith.constant 0 : i32
      %dma_wait3A_291 = tpu.memref_slice %arg2[%dma_wait3A_289, %dma_wait3A_290] : memref<10000x48xf32, #tpu.memory_space<hbm>> -> memref<10000x48xf32, #tpu.memory_space<hbm>>
      tpu.wait_indirect_dma semaphore(%arg17 : memref<!tpu.dma_semaphore, #tpu.memory_space<semaphore_mem>>) src(%dma_wait3A_291 : memref<10000x48xf32, #tpu.memory_space<hbm>>) dst(%arg12 : memref<64x48xf32, #tpu.memory_space<vmem>>)
      %dma_wait3A_292 = arith.constant 0 : i32
      %dma_wait3A_293 = arith.constant 0 : i32
      %dma_wait3A_294 = tpu.memref_slice %arg3[%dma_wait3A_292, %dma_wait3A_293] : memref<10000x32xf32, #tpu.memory_space<hbm>> -> memref<10000x32xf32, #tpu.memory_space<hbm>>
      tpu.wait_indirect_dma semaphore(%arg19 : memref<!tpu.dma_semaphore, #tpu.memory_space<semaphore_mem>>) src(%dma_wait3A_294 : memref<10000x32xf32, #tpu.memory_space<hbm>>) dst(%arg14 : memref<64x32xf32, #tpu.memory_space<vmem>>)
      %iota3A_295 = tpu.iota {dimensions = array<i32: 0>} : vector<16xi32>
      %parallel_loop3A_296 = arith.constant 0 : i32
      %parallel_loop3A_297 = arith.constant 64 : i32
      %parallel_loop3A_298 = arith.constant 1 : i32
      scf.for %parallel_loop3A_299 = %parallel_loop3A_296 to %parallel_loop3A_297 step %parallel_loop3A_298  : i32 {
        %parallel_loop3A_300 = arith.index_cast %parallel_loop3A_299 : i32 to index
        %parallel_loop3A_301 = arith.constant 32 : index
        %parallel_loop3A_302 = tpu.vector_load %arg12[%parallel_loop3A_300, %parallel_loop3A_301] {strides = array<i32>} : memref<64x48xf32, #tpu.memory_space<vmem>>, vector<1x16xf32>,
        %parallel_loop3A_303 = vector.shape_cast %parallel_loop3A_302 : vector<1x16xf32> to vector<16xf32>
        %parallel_loop3A_304 = arith.index_cast %parallel_loop3A_299 : i32 to index
        %parallel_loop3A_305 = arith.constant 0 : index
        %parallel_loop3A_306 = tpu.vector_load %arg14[%parallel_loop3A_304, %parallel_loop3A_305] {strides = array<i32>} : memref<64x32xf32, #tpu.memory_space<vmem>>, vector<1x16xf32>,
        %parallel_loop3A_307 = vector.shape_cast %parallel_loop3A_306 : vector<1x16xf32> to vector<16xf32>
        %parallel_loop3A_308 = arith.index_cast %parallel_loop3A_299 : i32 to index
        %parallel_loop3A_309 = arith.constant 16 : index
        %parallel_loop3A_310 = tpu.vector_load %arg14[%parallel_loop3A_308, %parallel_loop3A_309] {strides = array<i32>} : memref<64x32xf32, #tpu.memory_space<vmem>>, vector<1x16xf32>,
        %parallel_loop3A_311 = vector.shape_cast %parallel_loop3A_310 : vector<1x16xf32> to vector<16xf32>
        %parallel_loop3A_312 = arith.addf %parallel_loop3A_303, %parallel_loop3A_307 : vector<16xf32>
        %parallel_loop3A_313 = arith.constant 0.000000e+00 : f32
        %parallel_loop3A_314 = vector.broadcast %parallel_loop3A_313 : f32 to vector<16xf32>
        %parallel_loop3A_315 = arith.cmpf ogt, %parallel_loop3A_312, %parallel_loop3A_314 : vector<16xf32>
        %parallel_loop3A_316 = arith.constant 2.000000e-01 : f32
        %parallel_loop3A_317 = vector.broadcast %parallel_loop3A_316 : f32 to vector<16xf32>
        %parallel_loop3A_318 = arith.mulf %parallel_loop3A_317, %parallel_loop3A_312 : vector<16xf32>
        %parallel_loop3A_319 = arith.select %parallel_loop3A_315, %parallel_loop3A_312, %parallel_loop3A_318 : vector<16xi1>, vector<16xf32>
        %parallel_loop3A_320 = arith.subf %parallel_loop3A_319, %parallel_loop3A_311 : vector<16xf32>
        %parallel_loop3A_321 = math.exp %parallel_loop3A_320 : vector<16xf32>
        %parallel_loop3A_322 = arith.constant 8 : i32
        %parallel_loop3A_323 = vector.broadcast %parallel_loop3A_322 : i32 to vector<16x1xi32>
        %parallel_loop3A_324 = vector.shape_cast %parallel_loop3A_323 : vector<16x1xi32> to vector<16xi32>
        %parallel_loop3A_325 = tpu.dynamic_gather %parallel_loop3A_321[%parallel_loop3A_324] in [0] : vector<16xf32>, vector<16xi32> -> vector<16xf32>
        %parallel_loop3A_326 = arith.index_cast %parallel_loop3A_299 : i32 to index
        %parallel_loop3A_327 = arith.constant 0 : index
        %parallel_loop3A_328 = tpu.vector_load %arg12[%parallel_loop3A_326, %parallel_loop3A_327] {strides = array<i32>} : memref<64x48xf32, #tpu.memory_space<vmem>>, vector<1x16xf32>,
        %parallel_loop3A_329 = vector.shape_cast %parallel_loop3A_328 : vector<1x16xf32> to vector<16xf32>
        %parallel_loop3A_330 = arith.mulf %parallel_loop3A_329, %parallel_loop3A_325 : vector<16xf32>
        %parallel_loop3A_331 = arith.index_cast %parallel_loop3A_299 : i32 to index
        %parallel_loop3A_332 = arith.constant 0 : index
        %parallel_loop3A_333 = tpu.vector_load %arg12[%parallel_loop3A_331, %parallel_loop3A_332] {strides = array<i32>} : memref<64x48xf32, #tpu.memory_space<vmem>>, vector<1x16xf32>,
        %parallel_loop3A_334 = vector.shape_cast %parallel_loop3A_333 : vector<1x16xf32> to vector<16xf32>
        %parallel_loop3A_335 = vector.shape_cast %parallel_loop3A_330 : vector<16xf32> to vector<1x16xf32>
        tpu.vector_store %arg12[%parallel_loop3A_331, %parallel_loop3A_332], %parallel_loop3A_335 {strides = array<i32>} : memref<64x48xf32, #tpu.memory_space<vmem>>, vector<1x16xf32>,
        %parallel_loop3A_336 = arith.index_cast %parallel_loop3A_299 : i32 to index
        %parallel_loop3A_337 = arith.constant 16 : index
        %parallel_loop3A_338 = tpu.vector_load %arg12[%parallel_loop3A_336, %parallel_loop3A_337] {strides = array<i32>} : memref<64x48xf32, #tpu.memory_space<vmem>>, vector<1x16xf32>,
        %parallel_loop3A_339 = vector.shape_cast %parallel_loop3A_338 : vector<1x16xf32> to vector<16xf32>
        %parallel_loop3A_340 = arith.mulf %parallel_loop3A_339, %parallel_loop3A_325 : vector<16xf32>
        %parallel_loop3A_341 = arith.index_cast %parallel_loop3A_299 : i32 to index
        %parallel_loop3A_342 = arith.constant 16 : index
        %parallel_loop3A_343 = tpu.vector_load %arg12[%parallel_loop3A_341, %parallel_loop3A_342] {strides = array<i32>} : memref<64x48xf32, #tpu.memory_space<vmem>>, vector<1x16xf32>,
        %parallel_loop3A_344 = vector.shape_cast %parallel_loop3A_343 : vector<1x16xf32> to vector<16xf32>
        %parallel_loop3A_345 = vector.shape_cast %parallel_loop3A_340 : vector<16xf32> to vector<1x16xf32>
        tpu.vector_store %arg12[%parallel_loop3A_341, %parallel_loop3A_342], %parallel_loop3A_345 {strides = array<i32>} : memref<64x48xf32, #tpu.memory_space<vmem>>, vector<1x16xf32>,
        %parallel_loop3A_346 = arith.constant 8 : i32
        %parallel_loop3A_347 = vector.broadcast %parallel_loop3A_346 : i32 to vector<16xi32>
        %parallel_loop3A_348 = arith.cmpi slt, %iota3A_295, %parallel_loop3A_347 : vector<16xi32>
        %parallel_loop3A_349 = arith.mulf %parallel_loop3A_303, %parallel_loop3A_325 : vector<16xf32>
        %parallel_loop3A_350 = arith.select %parallel_loop3A_348, %parallel_loop3A_349, %parallel_loop3A_325 : vector<16xi1>, vector<16xf32>
        %parallel_loop3A_351 = arith.index_cast %parallel_loop3A_299 : i32 to index
        %parallel_loop3A_352 = arith.constant 32 : index
        %parallel_loop3A_353 = tpu.vector_load %arg12[%parallel_loop3A_351, %parallel_loop3A_352] {strides = array<i32>} : memref<64x48xf32, #tpu.memory_space<vmem>>, vector<1x16xf32>,
        %parallel_loop3A_354 = vector.shape_cast %parallel_loop3A_353 : vector<1x16xf32> to vector<16xf32>
        %parallel_loop3A_355 = vector.shape_cast %parallel_loop3A_350 : vector<16xf32> to vector<1x16xf32>
        tpu.vector_store %arg12[%parallel_loop3A_351, %parallel_loop3A_352], %parallel_loop3A_355 {strides = array<i32>} : memref<64x48xf32, #tpu.memory_space<vmem>>, vector<1x16xf32>,
      } {sc.loop_unroll_factor = 4 : i64, sc.parallel_access}
      "tpu.region"() ({
        %run_scoped3A = tpu.sem_alloc : memref<!tpu.dma_semaphore, #tpu.memory_space<semaphore_mem>>
        %dma_start3A_299 = arith.constant 0 : i32
        %dma_start3A_300 = arith.constant 0 : i32
        %dma_start3A_301 = tpu.memref_slice %arg15[%dma_start3A_299, %dma_start3A_300] : memref<10000x48xf32, #tpu.memory_space<vmem_shared>> -> memref<10000x48xf32, #tpu.memory_space<vmem_shared>>
        tpu.enqueue_indirect_dma source(%arg12 : memref<64x48xf32, #tpu.memory_space<vmem>>) target(%dma_start3A_301 : memref<10000x48xf32, #tpu.memory_space<vmem_shared>>) offsets(%arg10 : memref<64xi32, #tpu.memory_space<vmem>>) semaphore(%run_scoped3A : memref<!tpu.dma_semaphore, #tpu.memory_space<semaphore_mem>>) {add = true}
        %dma_wait3A_302 = arith.constant 0 : i32
        %dma_wait3A_303 = arith.constant 0 : i32
        %dma_wait3A_304 = tpu.memref_slice %arg15[%dma_wait3A_302, %dma_wait3A_303] : memref<10000x48xf32, #tpu.memory_space<vmem_shared>> -> memref<10000x48xf32, #tpu.memory_space<vmem_shared>>
        tpu.wait_indirect_dma semaphore(%run_scoped3A : memref<!tpu.dma_semaphore, #tpu.memory_space<semaphore_mem>>) src(%arg12 : memref<64x48xf32, #tpu.memory_space<vmem>>) dst(%dma_wait3A_304 : memref<10000x48xf32, #tpu.memory_space<vmem_shared>>)
        tpu.yield
      }) : () -> ()
    }
    %scan3A_107 = arith.constant 81 : i32
    %dma_wait3A = arith.constant 0 : i32
    %dma_wait3A_108 = arith.constant 0 : i32
    %dma_wait3A_109 = tpu.memref_slice %arg2[%dma_wait3A, %dma_wait3A_108] : memref<10000x48xf32, #tpu.memory_space<hbm>> -> memref<10000x48xf32, #tpu.memory_space<hbm>>
    tpu.wait_indirect_dma semaphore(%arg16 : memref<!tpu.dma_semaphore, #tpu.memory_space<semaphore_mem>>) src(%dma_wait3A_109 : memref<10000x48xf32, #tpu.memory_space<hbm>>) dst(%arg11 : memref<64x48xf32, #tpu.memory_space<vmem>>)
    %dma_wait3A_110 = arith.constant 0 : i32
    %dma_wait3A_111 = arith.constant 0 : i32
    %dma_wait3A_112 = tpu.memref_slice %arg3[%dma_wait3A_110, %dma_wait3A_111] : memref<10000x32xf32, #tpu.memory_space<hbm>> -> memref<10000x32xf32, #tpu.memory_space<hbm>>
    tpu.wait_indirect_dma semaphore(%arg18 : memref<!tpu.dma_semaphore, #tpu.memory_space<semaphore_mem>>) src(%dma_wait3A_112 : memref<10000x32xf32, #tpu.memory_space<hbm>>) dst(%arg13 : memref<64x32xf32, #tpu.memory_space<vmem>>)
    %barrier3A_113 = arith.constant 0 : index
    tpu.barrier barrier_id(%barrier3A_113)
    "tpu.region"() ({
      %run_scoped3A = tpu.sem_alloc : memref<!tpu.dma_semaphore, #tpu.memory_space<semaphore_mem>>
      %dma_start3A_114 = arith.constant 0 : i32
      %dma_start3A_115 = tpu.memref_slice %arg5[%arg0, %mul3A_5, %dma_start3A_114] : memref<2x10000x48xf32, #tpu.memory_space<hbm>> -> memref<1x625x48xf32, #tpu.memory_space<hbm>>
      %dma_start3A_116 = tpu.memref_squeeze %dma_start3A_115 : memref<1x625x48xf32, #tpu.memory_space<hbm>> -> memref<625x48xf32, #tpu.memory_space<hbm>>
      %dma_start3A_117 = arith.constant 0 : i32
      %dma_start3A_118 = tpu.memref_slice %arg15[%mul3A_5, %dma_start3A_117] : memref<10000x48xf32, #tpu.memory_space<vmem_shared>> -> memref<625x48xf32, #tpu.memory_space<vmem_shared>>
      tpu.enqueue_dma source(%dma_start3A_118 : memref<625x48xf32, #tpu.memory_space<vmem_shared>>) target(%dma_start3A_116 : memref<625x48xf32, #tpu.memory_space<hbm>>) target_semaphore(%run_scoped3A : memref<!tpu.dma_semaphore, #tpu.memory_space<semaphore_mem>>)
      %dma_wait3A_119 = arith.constant 0 : i32
      %dma_wait3A_120 = tpu.memref_slice %arg5[%arg0, %mul3A_5, %dma_wait3A_119] : memref<2x10000x48xf32, #tpu.memory_space<hbm>> -> memref<1x625x48xf32, #tpu.memory_space<hbm>>
      %dma_wait3A_121 = tpu.memref_squeeze %dma_wait3A_120 : memref<1x625x48xf32, #tpu.memory_space<hbm>> -> memref<625x48xf32, #tpu.memory_space<hbm>>
      %dma_wait3A_122 = arith.constant 0 : i32
      %dma_wait3A_123 = tpu.memref_slice %arg15[%mul3A_5, %dma_wait3A_122] : memref<10000x48xf32, #tpu.memory_space<vmem_shared>> -> memref<625x48xf32, #tpu.memory_space<vmem_shared>>
      tpu.wait_dma2 semaphore(%run_scoped3A : memref<!tpu.dma_semaphore, #tpu.memory_space<semaphore_mem>>) src(%dma_wait3A_123 : memref<625x48xf32, #tpu.memory_space<vmem_shared>>) dst(%dma_wait3A_121 : memref<625x48xf32, #tpu.memory_space<hbm>>)
      tpu.yield
    }) : () -> ()
    return
  }
}

module attributes {stable_mosaic.version = 14 : i64} {
  func.func @body(%arg0: memref<10000x128xf32, #tpu.memory_space<vmem>>, %arg1: memref<128x128xf32, #tpu.memory_space<vmem>>, %arg2: memref<128x8xf32, #tpu.memory_space<vmem>>, %arg3: memref<128x8xf32, #tpu.memory_space<vmem>>, %arg4: memref<8x128xf32, #tpu.memory_space<vmem>>, %arg5: memref<10000x144xf32, #tpu.memory_space<vmem>>, %arg6: memref<10000x32xf32, #tpu.memory_space<vmem>>, %arg7: memref<1x144xf32, #tpu.memory_space<vmem>>) attributes {dimension_semantics = [], scalar_prefetch = 0 : i64, scratch_operands = 0 : i64, tpu.core_type = #tpu.core_type<tc>} {
    %get3A = arith.constant 0 : index
    %get3A_0 = arith.constant 0 : index
    %get3A_1 = vector.load %arg0[%get3A, %get3A_0] : memref<10000x128xf32, #tpu.memory_space<vmem>>, vector<10000x128xf32>
    %get3A_2 = arith.constant 0 : index
    %get3A_3 = arith.constant 0 : index
    %get3A_4 = vector.load %arg1[%get3A_2, %get3A_3] : memref<128x128xf32, #tpu.memory_space<vmem>>, vector<128x128xf32>
    %dot_general3A = arith.constant dense<0.000000e+00> : vector<10000x128xf32>
    %dot_general3A_5 = tpu.matmul %get3A_1, %get3A_4, %dot_general3A {dimension_numbers = #tpu.dot_dimension_numbers<[1], [0], [0], [1], [0, 0, 1, 1], [], []>, transpose_lhs_hint = false} : vector<10000x128xf32>, vector<128x128xf32>, vector<10000x128xf32> -> vector<10000x128xf32>
    %get3A_6 = arith.constant 0 : index
    %get3A_7 = arith.constant 0 : index
    %get3A_8 = vector.load %arg2[%get3A_6, %get3A_7] : memref<128x8xf32, #tpu.memory_space<vmem>>, vector<128x8xf32>
    %dot_general3A_9 = arith.constant dense<0.000000e+00> : vector<10000x8xf32>
    %dot_general3A_10 = tpu.matmul %dot_general3A_5, %get3A_8, %dot_general3A_9 {dimension_numbers = #tpu.dot_dimension_numbers<[1], [0], [0], [1], [0, 0, 1, 1], [], []>, transpose_lhs_hint = false} : vector<10000x128xf32>, vector<128x8xf32>, vector<10000x8xf32> -> vector<10000x8xf32>
    %get3A_11 = arith.constant 0 : index
    %get3A_12 = arith.constant 0 : index
    %get3A_13 = vector.load %arg3[%get3A_11, %get3A_12] : memref<128x8xf32, #tpu.memory_space<vmem>>, vector<128x8xf32>
    %dot_general3A_14 = arith.constant dense<0.000000e+00> : vector<10000x8xf32>
    %dot_general3A_15 = tpu.matmul %dot_general3A_5, %get3A_13, %dot_general3A_14 {dimension_numbers = #tpu.dot_dimension_numbers<[1], [0], [0], [1], [0, 0, 1, 1], [], []>, transpose_lhs_hint = false} : vector<10000x128xf32>, vector<128x8xf32>, vector<10000x8xf32> -> vector<10000x8xf32>
    %reduce_max3A = arith.constant dense<0xFF800000> : vector<8xf32>
    %reduce_max3A_16 = vector.multi_reduction <maximumf>, %dot_general3A_10, %reduce_max3A [0] : vector<10000x8xf32> to vector<8xf32>
    %broadcast_in_dim3A = vector.shape_cast %reduce_max3A_16 : vector<8xf32> to vector<1x8xf32>
    %add3A = vector.broadcast %broadcast_in_dim3A : vector<1x8xf32> to vector<10000x8xf32>
    %add3A_17 = arith.addf %dot_general3A_15, %add3A : vector<10000x8xf32>
    %gt3A = arith.constant 0.000000e+00 : f32
    %gt3A_18 = vector.broadcast %gt3A : f32 to vector<10000x8xf32>
    %gt3A_19 = arith.cmpf ogt, %add3A_17, %gt3A_18 : vector<10000x8xf32>
    %mul3A = arith.constant 2.000000e-01 : f32
    %mul3A_20 = vector.broadcast %mul3A : f32 to vector<10000x8xf32>
    %mul3A_21 = arith.mulf %mul3A_20, %add3A_17 : vector<10000x8xf32>
    %select_n3A = arith.select %gt3A_19, %add3A_17, %mul3A_21 : vector<10000x8xi1>, vector<10000x8xf32>
    %broadcast_in_dim3A_22 = arith.constant 0.000000e+00 : f32
    %broadcast_in_dim3A_23 = vector.broadcast %broadcast_in_dim3A_22 : f32 to vector<10000x8xf32>
    %concatenate3A = tpu.concatenate %dot_general3A_5, %dot_general3A_10, %broadcast_in_dim3A_23 in 1 : vector<10000x128xf32>, vector<10000x8xf32>, vector<10000x8xf32> -> vector<10000x144xf32>
    %swap3A = arith.constant 0 : index
    %swap3A_24 = arith.constant 0 : index
    %swap3A_25 = vector.load %arg5[%swap3A, %swap3A_24] : memref<10000x144xf32, #tpu.memory_space<vmem>>, vector<10000x144xf32>
    tpu.vector_store %arg5[%swap3A, %swap3A_24], %concatenate3A {strides = array<i32>} : memref<10000x144xf32, #tpu.memory_space<vmem>>, vector<10000x144xf32>,
    %broadcast_in_dim3A_26 = arith.constant 1.000000e+30 : f32
    %broadcast_in_dim3A_27 = vector.broadcast %broadcast_in_dim3A_26 : f32 to vector<10000x8xf32>
    %concatenate3A_28 = tpu.concatenate %dot_general3A_15, %broadcast_in_dim3A_23, %select_n3A, %broadcast_in_dim3A_27 in 1 : vector<10000x8xf32>, vector<10000x8xf32>, vector<10000x8xf32>, vector<10000x8xf32> -> vector<10000x32xf32>
    %swap3A_29 = arith.constant 0 : index
    %swap3A_30 = arith.constant 0 : index
    %swap3A_31 = vector.load %arg6[%swap3A_29, %swap3A_30] : memref<10000x32xf32, #tpu.memory_space<vmem>>, vector<10000x32xf32>
    tpu.vector_store %arg6[%swap3A_29, %swap3A_30], %concatenate3A_28 {strides = array<i32>} : memref<10000x32xf32, #tpu.memory_space<vmem>>, vector<10000x32xf32>,
    %slice3A = vector.extract_strided_slice %dot_general3A_10 {offsets = [0, 0], sizes = [1, 8], strides = [1, 1]} : vector<10000x8xf32> to vector<1x8xf32>
    %slice3A_32 = vector.extract_strided_slice %dot_general3A_15 {offsets = [0, 0], sizes = [1, 8], strides = [1, 1]} : vector<10000x8xf32> to vector<1x8xf32>
    %add3A_33 = arith.addf %slice3A, %slice3A_32 : vector<1x8xf32>
    %gt3A_34 = arith.constant 0.000000e+00 : f32
    %gt3A_35 = vector.broadcast %gt3A_34 : f32 to vector<1x8xf32>
    %gt3A_36 = arith.cmpf ogt, %add3A_33, %gt3A_35 : vector<1x8xf32>
    %mul3A_37 = arith.constant 2.000000e-01 : f32
    %mul3A_38 = vector.broadcast %mul3A_37 : f32 to vector<1x8xf32>
    %mul3A_39 = arith.mulf %mul3A_38, %add3A_33 : vector<1x8xf32>
    %select_n3A_40 = arith.select %gt3A_36, %add3A_33, %mul3A_39 : vector<1x8xi1>, vector<1x8xf32>
    %slice3A_41 = vector.extract_strided_slice %select_n3A {offsets = [0, 0], sizes = [1, 8], strides = [1, 1]} : vector<10000x8xf32> to vector<1x8xf32>
    %sub3A = arith.subf %select_n3A_40, %slice3A_41 : vector<1x8xf32>
    %exp3A = math.exp %sub3A : vector<1x8xf32>
    %mul3A_42 = arith.constant 1.776000e+03 : f32
    %mul3A_43 = vector.broadcast %mul3A_42 : f32 to vector<1x8xf32>
    %mul3A_44 = arith.mulf %mul3A_43, %exp3A : vector<1x8xf32>
    %get3A_45 = arith.constant 0 : index
    %get3A_46 = arith.constant 0 : index
    %get3A_47 = vector.load %arg4[%get3A_45, %get3A_46] : memref<8x128xf32, #tpu.memory_space<vmem>>, vector<8x128xf32>
    %dot_general3A_48 = arith.constant dense<0.000000e+00> : vector<1x128xf32>
    %dot_general3A_49 = tpu.matmul %mul3A_44, %get3A_47, %dot_general3A_48 {dimension_numbers = #tpu.dot_dimension_numbers<[1], [0], [0], [1], [0, 0, 1, 1], [], []>, transpose_lhs_hint = false} : vector<1x8xf32>, vector<8x128xf32>, vector<1x128xf32> -> vector<1x128xf32>
    %slice3A_50 = vector.extract_strided_slice %dot_general3A_5 {offsets = [0, 0], sizes = [1, 128], strides = [1, 1]} : vector<10000x128xf32> to vector<1x128xf32>
    %mul3A_51 = arith.mulf %dot_general3A_49, %slice3A_50 : vector<1x128xf32>
    %broadcast_in_dim3A_52 = arith.constant 0.000000e+00 : f32
    %broadcast_in_dim3A_53 = vector.broadcast %broadcast_in_dim3A_52 : f32 to vector<1x8xf32>
    %concatenate3A_54 = tpu.concatenate %mul3A_51, %mul3A_44, %broadcast_in_dim3A_53 in 1 : vector<1x128xf32>, vector<1x8xf32>, vector<1x8xf32> -> vector<1x144xf32>
    %swap3A_55 = arith.constant 0 : index
    %swap3A_56 = arith.constant 0 : index
    %swap3A_57 = vector.load %arg7[%swap3A_55, %swap3A_56] : memref<1x144xf32, #tpu.memory_space<vmem>>, vector<1x144xf32>
    tpu.vector_store %arg7[%swap3A_55, %swap3A_56], %concatenate3A_54 {strides = array<i32>} : memref<1x144xf32, #tpu.memory_space<vmem>>, vector<1x144xf32>,
    return
  }
}

module attributes {stable_mosaic.version = 14 : i64} {
  func.func @body(%arg0: memref<2x10000x144xf32, #tpu.memory_space<vmem>>, %arg1: memref<1x144xf32, #tpu.memory_space<vmem>>, %arg2: memref<128xf32, #tpu.memory_space<vmem>>, %arg3: memref<128x40xf32, #tpu.memory_space<vmem>>, %arg4: memref<40x1xf32, #tpu.memory_space<vmem>>, %arg5: memref<40x1xf32, #tpu.memory_space<vmem>>, %arg6: memref<16x128xf32, #tpu.memory_space<vmem>>, %arg7: memref<10000x48xf32, #tpu.memory_space<vmem>>, %arg8: memref<10000x32xf32, #tpu.memory_space<vmem>>, %arg9: memref<1x48xf32, #tpu.memory_space<vmem>>) attributes {dimension_semantics = [], scalar_prefetch = 0 : i64, scratch_operands = 0 : i64, tpu.core_type = #tpu.core_type<tc>} {
    %get3A = arith.constant 0 : index
    %get3A_0 = arith.constant 0 : index
    %get3A_1 = arith.constant 0 : index
    %get3A_2 = vector.load %arg0[%get3A, %get3A_0, %get3A_1] : memref<2x10000x144xf32, #tpu.memory_space<vmem>>, vector<1x10000x144xf32>
    %get3A_3 = vector.shape_cast %get3A_2 : vector<1x10000x144xf32> to vector<10000x144xf32>
    %get3A_4 = arith.constant 1 : index
    %get3A_5 = arith.constant 0 : index
    %get3A_6 = arith.constant 0 : index
    %get3A_7 = vector.load %arg0[%get3A_4, %get3A_5, %get3A_6] : memref<2x10000x144xf32, #tpu.memory_space<vmem>>, vector<1x10000x144xf32>
    %get3A_8 = vector.shape_cast %get3A_7 : vector<1x10000x144xf32> to vector<10000x144xf32>
    %add3A = arith.addf %get3A_3, %get3A_8 : vector<10000x144xf32>
    %get3A_9 = arith.constant 0 : index
    %get3A_10 = arith.constant 0 : index
    %get3A_11 = vector.load %arg1[%get3A_9, %get3A_10] : memref<1x144xf32, #tpu.memory_space<vmem>>, vector<1x144xf32>
    %broadcast_in_dim3A = arith.constant 0.000000e+00 : f32
    %broadcast_in_dim3A_12 = vector.broadcast %broadcast_in_dim3A : f32 to vector<9999x144xf32>
    %concatenate3A = tpu.concatenate %get3A_11, %broadcast_in_dim3A_12 in 0 : vector<1x144xf32>, vector<9999x144xf32> -> vector<10000x144xf32>
    %sub3A = arith.subf %add3A, %concatenate3A : vector<10000x144xf32>
    %slice3A = vector.extract_strided_slice %sub3A {offsets = [0, 0], sizes = [10000, 128], strides = [1, 1]} : vector<10000x144xf32> to vector<10000x128xf32>
    %slice3A_13 = vector.extract_strided_slice %sub3A {offsets = [0, 128], sizes = [10000, 16], strides = [1, 1]} : vector<10000x144xf32> to vector<10000x16xf32>
    %get3A_14 = arith.constant 0 : index
    %get3A_15 = arith.constant 0 : index
    %get3A_16 = vector.load %arg6[%get3A_14, %get3A_15] : memref<16x128xf32, #tpu.memory_space<vmem>>, vector<16x128xf32>
    %dot_general3A = arith.constant dense<0.000000e+00> : vector<10000x128xf32>
    %dot_general3A_17 = tpu.matmul %slice3A_13, %get3A_16, %dot_general3A {dimension_numbers = #tpu.dot_dimension_numbers<[1], [0], [0], [1], [0, 0, 1, 1], [], []>, transpose_lhs_hint = false} : vector<10000x16xf32>, vector<16x128xf32>, vector<10000x128xf32> -> vector<10000x128xf32>
    %add3A_18 = arith.constant 1.000000e-16 : f32
    %add3A_19 = vector.broadcast %add3A_18 : f32 to vector<10000x128xf32>
    %add3A_20 = arith.addf %dot_general3A_17, %add3A_19 : vector<10000x128xf32>
    %div3A = arith.divf %slice3A, %add3A_20 : vector<10000x128xf32>
    %get3A_21 = arith.constant 0 : index
    %get3A_22 = vector.load %arg2[%get3A_21] : memref<128xf32, #tpu.memory_space<vmem>>, vector<128xf32>
    %broadcast_in_dim3A_23 = vector.shape_cast %get3A_22 : vector<128xf32> to vector<1x128xf32>
    %add3A_24 = vector.broadcast %broadcast_in_dim3A_23 : vector<1x128xf32> to vector<10000x128xf32>
    %add3A_25 = arith.addf %div3A, %add3A_24 : vector<10000x128xf32>
    %gt3A = arith.constant 0.000000e+00 : f32
    %gt3A_26 = vector.broadcast %gt3A : f32 to vector<10000x128xf32>
    %gt3A_27 = arith.cmpf ogt, %add3A_25, %gt3A_26 : vector<10000x128xf32>
    %exp3A = math.exp %add3A_25 : vector<10000x128xf32>
    %sub3A_28 = arith.constant 1.000000e+00 : f32
    %sub3A_29 = vector.broadcast %sub3A_28 : f32 to vector<10000x128xf32>
    %sub3A_30 = arith.subf %exp3A, %sub3A_29 : vector<10000x128xf32>
    %select_n3A = arith.select %gt3A_27, %add3A_25, %sub3A_30 : vector<10000x128xi1>, vector<10000x128xf32>
    %get3A_31 = arith.constant 0 : index
    %get3A_32 = arith.constant 0 : index
    %get3A_33 = vector.load %arg3[%get3A_31, %get3A_32] : memref<128x40xf32, #tpu.memory_space<vmem>>, vector<128x40xf32>
    %dot_general3A_34 = arith.constant dense<0.000000e+00> : vector<10000x40xf32>
    %dot_general3A_35 = tpu.matmul %select_n3A, %get3A_33, %dot_general3A_34 {dimension_numbers = #tpu.dot_dimension_numbers<[1], [0], [0], [1], [0, 0, 1, 1], [], []>, transpose_lhs_hint = false} : vector<10000x128xf32>, vector<128x40xf32>, vector<10000x40xf32> -> vector<10000x40xf32>
    %get3A_36 = arith.constant 0 : index
    %get3A_37 = arith.constant 0 : index
    %get3A_38 = vector.load %arg4[%get3A_36, %get3A_37] : memref<40x1xf32, #tpu.memory_space<vmem>>, vector<40x1xf32>
    %dot_general3A_39 = arith.constant dense<0.000000e+00> : vector<10000x1xf32>
    %dot_general3A_40 = tpu.matmul %dot_general3A_35, %get3A_38, %dot_general3A_39 {dimension_numbers = #tpu.dot_dimension_numbers<[1], [0], [0], [1], [0, 0, 1, 1], [], []>, transpose_lhs_hint = false} : vector<10000x40xf32>, vector<40x1xf32>, vector<10000x1xf32> -> vector<10000x1xf32>
    %get3A_41 = arith.constant 0 : index
    %get3A_42 = arith.constant 0 : index
    %get3A_43 = vector.load %arg5[%get3A_41, %get3A_42] : memref<40x1xf32, #tpu.memory_space<vmem>>, vector<40x1xf32>
    %dot_general3A_44 = arith.constant dense<0.000000e+00> : vector<10000x1xf32>
    %dot_general3A_45 = tpu.matmul %dot_general3A_35, %get3A_43, %dot_general3A_44 {dimension_numbers = #tpu.dot_dimension_numbers<[1], [0], [0], [1], [0, 0, 1, 1], [], []>, transpose_lhs_hint = false} : vector<10000x40xf32>, vector<40x1xf32>, vector<10000x1xf32> -> vector<10000x1xf32>
    %reduce_max3A = vector.shape_cast %dot_general3A_40 : vector<10000x1xf32> to vector<1x10000x1xf32>
    %reduce_max3A_46 = arith.constant dense<0xFF800000> : vector<1xf32>
    %reduce_max3A_47 = vector.multi_reduction <maximumf>, %reduce_max3A, %reduce_max3A_46 [1, 2] : vector<1x10000x1xf32> to vector<1xf32>
    %reduce_max3A_48 = vector.shape_cast %reduce_max3A_47 : vector<1xf32> to vector<1x1x1xf32>
    %reduce_max3A_49 = vector.extract %reduce_max3A_48[0, 0, 0] : f32 from vector<1x1x1xf32>
    %add3A_50 = vector.broadcast %reduce_max3A_49 : f32 to vector<10000x1xf32>
    %add3A_51 = arith.addf %dot_general3A_45, %add3A_50 : vector<10000x1xf32>
    %gt3A_52 = arith.constant 0.000000e+00 : f32
    %gt3A_53 = vector.broadcast %gt3A_52 : f32 to vector<10000x1xf32>
    %gt3A_54 = arith.cmpf ogt, %add3A_51, %gt3A_53 : vector<10000x1xf32>
    %mul3A = arith.constant 2.000000e-01 : f32
    %mul3A_55 = vector.broadcast %mul3A : f32 to vector<10000x1xf32>
    %mul3A_56 = arith.mulf %mul3A_55, %add3A_51 : vector<10000x1xf32>
    %select_n3A_57 = arith.select %gt3A_54, %add3A_51, %mul3A_56 : vector<10000x1xi1>, vector<10000x1xf32>
    %broadcast_in_dim3A_58 = arith.constant 0.000000e+00 : f32
    %broadcast_in_dim3A_59 = vector.broadcast %broadcast_in_dim3A_58 : f32 to vector<10000x7xf32>
    %concatenate3A_60 = tpu.concatenate %dot_general3A_35, %dot_general3A_40, %broadcast_in_dim3A_59 in 1 : vector<10000x40xf32>, vector<10000x1xf32>, vector<10000x7xf32> -> vector<10000x48xf32>
    %swap3A = arith.constant 0 : index
    %swap3A_61 = arith.constant 0 : index
    %swap3A_62 = vector.load %arg7[%swap3A, %swap3A_61] : memref<10000x48xf32, #tpu.memory_space<vmem>>, vector<10000x48xf32>
    tpu.vector_store %arg7[%swap3A, %swap3A_61], %concatenate3A_60 {strides = array<i32>} : memref<10000x48xf32, #tpu.memory_space<vmem>>, vector<10000x48xf32>,
    %broadcast_in_dim3A_63 = arith.constant 0.000000e+00 : f32
    %broadcast_in_dim3A_64 = vector.broadcast %broadcast_in_dim3A_63 : f32 to vector<10000x8xf32>
    %broadcast_in_dim3A_65 = arith.constant 0.000000e+00 : f32
    %broadcast_in_dim3A_66 = vector.broadcast %broadcast_in_dim3A_65 : f32 to vector<10000x7xf32>
    %broadcast_in_dim3A_67 = arith.constant 1.000000e+30 : f32
    %broadcast_in_dim3A_68 = vector.broadcast %broadcast_in_dim3A_67 : f32 to vector<10000x8xf32>
    %broadcast_in_dim3A_69 = arith.constant 1.000000e+30 : f32
    %broadcast_in_dim3A_70 = vector.broadcast %broadcast_in_dim3A_69 : f32 to vector<10000x7xf32>
    %concatenate3A_71 = tpu.concatenate %broadcast_in_dim3A_64, %dot_general3A_45, %broadcast_in_dim3A_66, %broadcast_in_dim3A_68, %select_n3A_57, %broadcast_in_dim3A_70 in 1 : vector<10000x8xf32>, vector<10000x1xf32>, vector<10000x7xf32>, vector<10000x8xf32>, vector<10000x1xf32>, vector<10000x7xf32> -> vector<10000x32xf32>
    %swap3A_72 = arith.constant 0 : index
    %swap3A_73 = arith.constant 0 : index
    %swap3A_74 = vector.load %arg8[%swap3A_72, %swap3A_73] : memref<10000x32xf32, #tpu.memory_space<vmem>>, vector<10000x32xf32>
    tpu.vector_store %arg8[%swap3A_72, %swap3A_73], %concatenate3A_71 {strides = array<i32>} : memref<10000x32xf32, #tpu.memory_space<vmem>>, vector<10000x32xf32>,
    %slice3A_75 = vector.extract_strided_slice %dot_general3A_40 {offsets = [0, 0], sizes = [1, 1], strides = [1, 1]} : vector<10000x1xf32> to vector<1x1xf32>
    %slice3A_76 = vector.extract_strided_slice %dot_general3A_45 {offsets = [0, 0], sizes = [1, 1], strides = [1, 1]} : vector<10000x1xf32> to vector<1x1xf32>
    %add3A_77 = arith.addf %slice3A_75, %slice3A_76 : vector<1x1xf32>
    %gt3A_78 = arith.constant 0.000000e+00 : f32
    %gt3A_79 = vector.broadcast %gt3A_78 : f32 to vector<1x1xf32>
    %gt3A_80 = arith.cmpf ogt, %add3A_77, %gt3A_79 : vector<1x1xf32>
    %mul3A_81 = arith.constant 2.000000e-01 : f32
    %mul3A_82 = vector.broadcast %mul3A_81 : f32 to vector<1x1xf32>
    %mul3A_83 = arith.mulf %mul3A_82, %add3A_77 : vector<1x1xf32>
    %select_n3A_84 = arith.select %gt3A_80, %add3A_77, %mul3A_83 : vector<1x1xi1>, vector<1x1xf32>
    %slice3A_85 = vector.extract_strided_slice %select_n3A_57 {offsets = [0, 0], sizes = [1, 1], strides = [1, 1]} : vector<10000x1xf32> to vector<1x1xf32>
    %sub3A_86 = arith.subf %select_n3A_84, %slice3A_85 : vector<1x1xf32>
    %exp3A_87 = math.exp %sub3A_86 : vector<1x1xf32>
    %mul3A_88 = arith.constant 1.776000e+03 : f32
    %mul3A_89 = vector.broadcast %mul3A_88 : f32 to vector<1x1xf32>
    %mul3A_90 = arith.mulf %mul3A_89, %exp3A_87 : vector<1x1xf32>
    %slice3A_91 = vector.extract_strided_slice %dot_general3A_35 {offsets = [0, 0], sizes = [1, 40], strides = [1, 1]} : vector<10000x40xf32> to vector<1x40xf32>
    %mul3A_92 = vector.broadcast %mul3A_90 : vector<1x1xf32> to vector<1x40xf32>
    %mul3A_93 = arith.mulf %mul3A_92, %slice3A_91 : vector<1x40xf32>
    %broadcast_in_dim3A_94 = vector.shape_cast %mul3A_90 : vector<1x1xf32> to vector<1x1xf32>
    %broadcast_in_dim3A_95 = vector.broadcast %broadcast_in_dim3A_94 : vector<1x1xf32> to vector<1x8xf32>
    %concatenate3A_96 = tpu.concatenate %mul3A_93, %broadcast_in_dim3A_95 in 1 : vector<1x40xf32>, vector<1x8xf32> -> vector<1x48xf32>
    %swap3A_97 = arith.constant 0 : index
    %swap3A_98 = arith.constant 0 : index
    %swap3A_99 = vector.load %arg9[%swap3A_97, %swap3A_98] : memref<1x48xf32, #tpu.memory_space<vmem>>, vector<1x48xf32>
    tpu.vector_store %arg9[%swap3A_97, %swap3A_98], %concatenate3A_96 {strides = array<i32>} : memref<1x48xf32, #tpu.memory_space<vmem>>, vector<1x48xf32>,
    return
  }
}

module attributes {stable_mosaic.version = 14 : i64} {
  func.func @body(%arg0: memref<2x10000x48xf32, #tpu.memory_space<vmem>>, %arg1: memref<1x48xf32, #tpu.memory_space<vmem>>, %arg2: memref<40xf32, #tpu.memory_space<vmem>>, %arg3: memref<16x40xf32, #tpu.memory_space<vmem>>, %arg4: memref<10000x40xf32, #tpu.memory_space<vmem>>) attributes {dimension_semantics = [], scalar_prefetch = 0 : i64, scratch_operands = 0 : i64, tpu.core_type = #tpu.core_type<tc>} {
    %get3A = arith.constant 0 : index
    %get3A_0 = arith.constant 0 : index
    %get3A_1 = arith.constant 0 : index
    %get3A_2 = vector.load %arg0[%get3A, %get3A_0, %get3A_1] : memref<2x10000x48xf32, #tpu.memory_space<vmem>>, vector<1x10000x48xf32>
    %get3A_3 = vector.shape_cast %get3A_2 : vector<1x10000x48xf32> to vector<10000x48xf32>
    %get3A_4 = arith.constant 1 : index
    %get3A_5 = arith.constant 0 : index
    %get3A_6 = arith.constant 0 : index
    %get3A_7 = vector.load %arg0[%get3A_4, %get3A_5, %get3A_6] : memref<2x10000x48xf32, #tpu.memory_space<vmem>>, vector<1x10000x48xf32>
    %get3A_8 = vector.shape_cast %get3A_7 : vector<1x10000x48xf32> to vector<10000x48xf32>
    %add3A = arith.addf %get3A_3, %get3A_8 : vector<10000x48xf32>
    %get3A_9 = arith.constant 0 : index
    %get3A_10 = arith.constant 0 : index
    %get3A_11 = vector.load %arg1[%get3A_9, %get3A_10] : memref<1x48xf32, #tpu.memory_space<vmem>>, vector<1x48xf32>
    %broadcast_in_dim3A = arith.constant 0.000000e+00 : f32
    %broadcast_in_dim3A_12 = vector.broadcast %broadcast_in_dim3A : f32 to vector<9999x48xf32>
    %concatenate3A = tpu.concatenate %get3A_11, %broadcast_in_dim3A_12 in 0 : vector<1x48xf32>, vector<9999x48xf32> -> vector<10000x48xf32>
    %sub3A = arith.subf %add3A, %concatenate3A : vector<10000x48xf32>
    %slice3A = vector.extract_strided_slice %sub3A {offsets = [0, 0], sizes = [10000, 40], strides = [1, 1]} : vector<10000x48xf32> to vector<10000x40xf32>
    %slice3A_13 = vector.extract_strided_slice %sub3A {offsets = [0, 32], sizes = [10000, 16], strides = [1, 1]} : vector<10000x48xf32> to vector<10000x16xf32>
    %get3A_14 = arith.constant 0 : index
    %get3A_15 = arith.constant 0 : index
    %get3A_16 = vector.load %arg3[%get3A_14, %get3A_15] : memref<16x40xf32, #tpu.memory_space<vmem>>, vector<16x40xf32>
    %dot_general3A = arith.constant dense<0.000000e+00> : vector<10000x40xf32>
    %dot_general3A_17 = tpu.matmul %slice3A_13, %get3A_16, %dot_general3A {dimension_numbers = #tpu.dot_dimension_numbers<[1], [0], [0], [1], [0, 0, 1, 1], [], []>, transpose_lhs_hint = false} : vector<10000x16xf32>, vector<16x40xf32>, vector<10000x40xf32> -> vector<10000x40xf32>
    %add3A_18 = arith.constant 1.000000e-16 : f32
    %add3A_19 = vector.broadcast %add3A_18 : f32 to vector<10000x40xf32>
    %add3A_20 = arith.addf %dot_general3A_17, %add3A_19 : vector<10000x40xf32>
    %div3A = arith.divf %slice3A, %add3A_20 : vector<10000x40xf32>
    %get3A_21 = arith.constant 0 : index
    %get3A_22 = vector.load %arg2[%get3A_21] : memref<40xf32, #tpu.memory_space<vmem>>, vector<40xf32>
    %broadcast_in_dim3A_23 = vector.shape_cast %get3A_22 : vector<40xf32> to vector<1x40xf32>
    %add3A_24 = vector.broadcast %broadcast_in_dim3A_23 : vector<1x40xf32> to vector<10000x40xf32>
    %add3A_25 = arith.addf %div3A, %add3A_24 : vector<10000x40xf32>
    %swap3A = arith.constant 0 : index
    %swap3A_26 = arith.constant 0 : index
    %swap3A_27 = vector.load %arg4[%swap3A, %swap3A_26] : memref<10000x40xf32, #tpu.memory_space<vmem>>, vector<10000x40xf32>
    tpu.vector_store %arg4[%swap3A, %swap3A_26], %add3A_25 {strides = array<i32>} : memref<10000x40xf32, #tpu.memory_space<vmem>>, vector<10000x40xf32>,
    return
  }
}

</mosaic_0001>

<sc_bundles>
// kernel: kernel.10.cloned.1.call-start
scs
__scs_entry_jumppad:
0x0: {  	(pc) =	sbr.rel $0x88, $3  }
0x1: {  	(tag) =	ssettag $0x0;
	lr =	simm.s32 $0x1  }
0x2: {  	[smem:$0x3F97] =	sst lr;
	_ =	strace $0xD0000000  }
0x3: {  	_ = 	snop  }
0x4: {  	_ = 	snop  }
0x5: {  	_ = 	snop  }
0x6: {  	_ = 	snop  }
0x7: {  	_ = 	snop  }
__scs_overlays_trampoline_lowered:
0x8: {  	[smem:$0x3FA6] =	sst s0  }
0x9: {  	[smem:$0x3FA7] =	sst s1  }
0xa: {  	[smem:$0x3FA8] =	sst s2  }
0xb: {  	[smem:$0x3FA9] =	sst s3  }
0xc: {  	[smem:$0x3FAA] =	sst s4  }
0xd: {  	[smem:$0x3FAB] =	sst s5  }
0xe: {  	[smem:$0x3FAC] =	sst s6  }
0xf: {  	[smem:$0x3FAD] =	sst s7  }
0x10: {  	[smem:$0x3FAE] =	sst s8  }
0x11: {  	[smem:$0x3FAF] =	sst s9;
	s0 =	simm.s32 @!p0 $0x0  }
0x12: {  	s1 =	sld [smem:$0x3F95];
	s0 =	simm.s32 @p0 $0x1  }
0x13: {  	[smem:$0x3FB0] =	sst s0;
	s0 =	simm.s32 @!p1 $0x0  }
0x14: {  	s2 =	sld [smem:$0x3F94];
	s0 =	simm.s32 @p1 $0x1  }
0x15: {  	[smem:$0x3FB1] =	sst s0;
	s0 =	simm.s32 @!p2 $0x0  }
0x16: {  	s3 =	sld [smem:$0x3FDB];
	s0 =	simm.s32 @p2 $0x1  }
0x17: {  	s4 =	simm.s32 $0x1BF5;
	[smem:$0x3FB3] =	sst s0  }
0x18: {  	s0 =	sld [smem:$0x3F96];
	_ =	swait.ge [sflag:s4], $0x0  }
0x19: {  	s7 =	sld [smem:$0x3F97]  }
0x1a: {  	s8 =	sadd.s32 $0xFFFFE003, lr  }
0x1b: {  	s9 =	sadd.s32 $0xFFFFFEF7, lr;
	s5 =	simm.s32 $0xFFFFFFFF;
	p2 =	slt.u32 s8, $0xFFFFF086  }
0x1c: {  	p1 =	slt.u32 s9, $0xF7A;
	s5 =	simm.s32 @!p2 $0x0  }
0x1d: {  	s5 =	simm.s32 @p1 $0x1;
	p0 =	seq.s32 s7, s2  }
0x1e: {  	s7 =	smul.u32 @!p0 $0xF7A, s2;
	p2 =	seq.s32 @!p0 s5, $0x0  }
0x1f: {  	s9 =	smul.u32 $0xF7A, s1;
	s8 =	simm.s32 @!p0 $0x1BF5;
	p2 =	por !p2, p0  }
0x20: {  	[sflag:s8] =	ssyncset.s32 @!p0 $0xFFFFF086;
	s6 =	sadd.s32 @!p0 s3, s7;
	s7 =	simm.s32 @!p0 $0x108  }
0x21: {  	s3 =	sadd.s32 s3, s9;
	s6 =	sadd.s32 @!p0 $0x88, s6;
	s7 =	simm.s32 @p2 $0x1082  }
0x22: {  	[simem:s7], [sflag:s8] =	dma.local @!p0 [hbm:s6], $0xF7A  }
0x23: {  	s9 =	sor.u32 $0xD0000000, s2;
	s6 =	simm.s32 $0x108;
	_ =	swait.ge @!p0 [sflag:s8], $0x0  }
0x24: {  	s3 =	sadd.s32 $0x88, s3;
	s6 =	simm.s32 @!p1 $0x1082;
	[sflag:s4] =	ssyncset.s32 $0xFFFFF086  }
0x25: {  	[simem:s6], [sflag:s4] =	dma.local [hbm:s3], $0xF7A  }
0x26: {  	[smem:$0x3F97] =	sst s1;
	(tag) =	ssettag s2;
	_ =	strace s9  }
0x27: {  	s1 =	sld [smem:$0x3FA7]  }
0x28: {  	s2 =	sld [smem:$0x3FA8]  }
0x29: {  	s4 =	sld [smem:$0x3FAA]  }
0x2a: {  	p0 =	seq.s32 s5, $0x0;
	s5 =	sld [smem:$0x3FAB]  }
0x2b: {  	s6 =	sld [smem:$0x3FAC]  }
0x2c: {  	s7 =	sld [smem:$0x3FAD]  }
0x2d: {  	s3 =	simm.s32 $0x108;
	s8 =	sld [smem:$0x3FAE]  }
0x2e: {  	s3 =	simm.s32 @!p0 $0x1082;
	s9 =	sld [smem:$0x3FAF]  }
0x2f: {  	lr =	sadd.s32 s0, s3;
	s0 =	sld [smem:$0x3FA6]  }
0x30: {  	s3 =	sld [smem:$0x3FA9]  }
0x31: {  	[smem:$0x3FB2] =	sst s10  }
0x32: {  	s10 =	sld [smem:$0x3FB0];
	_ =	sdelay $0x3  }
0x33: {  	p0 =	seq.s32 s10, $0x1;
	s10 =	sld [smem:$0x3FB2];
	_ =	sdelay $0x3  }
0x34: {  	[smem:$0x3FB2] =	sst s10  }
0x35: {  	s10 =	sld [smem:$0x3FB1];
	_ =	sdelay $0x3  }
0x36: {  	p1 =	seq.s32 s10, $0x1;
	s10 =	sld [smem:$0x3FB2];
	_ =	sdelay $0x3  }
0x37: {  	[smem:$0x3FB2] =	sst s10  }
0x38: {  	s10 =	sld [smem:$0x3FB3]  }
0x39: {  	_ = 	snop;
	(pc) =	sbr.ind lr, $3  }
0x3a: {  	_ = 	snop  }
0x3b: {  	_ = 	snop  }
0x3c: {  	p2 =	seq.s32 s10, $0x1;
	s10 =	sld [smem:$0x3FB2]  }
0x3d: {  	_ =	shalt  }
0x3e: {  	_ =	shalt  }
0x3f: {  	_ =	shalt  }
0x40: {  	_ =	shalt  }
0x41: {  	_ =	shalt  }
0x42: {  	_ =	shalt  }
0x43: {  	_ =	shalt  }
0x44: {  	_ =	shalt  }
0x45: {  	_ =	shalt  }
0x46: {  	_ =	shalt  }
0x47: {  	_ =	shalt  }
0x48: {  	_ =	shalt  }
0x49: {  	_ =	shalt  }
0x4a: {  	_ =	shalt  }
0x4b: {  	_ =	shalt  }
0x4c: {  	_ =	shalt  }
0x4d: {  	_ =	shalt  }
0x4e: {  	_ =	shalt  }
0x4f: {  	_ =	shalt  }
0x50: {  	_ =	shalt  }
0x51: {  	_ =	shalt  }
0x52: {  	_ =	shalt  }
0x53: {  	_ =	shalt  }
0x54: {  	_ =	shalt  }
0x55: {  	_ =	shalt  }
0x56: {  	_ =	shalt  }
0x57: {  	_ =	shalt  }
0x58: {  	_ =	shalt  }
0x59: {  	_ =	shalt  }
0x5a: {  	_ =	shalt  }
0x5b: {  	_ =	shalt  }
0x5c: {  	_ =	shalt  }
0x5d: {  	_ =	shalt  }
0x5e: {  	_ =	shalt  }
0x5f: {  	_ =	shalt  }
0x60: {  	_ =	shalt  }
0x61: {  	_ =	shalt  }
0x62: {  	_ =	shalt  }
0x63: {  	_ =	shalt  }
0x64: {  	_ =	shalt  }
0x65: {  	_ =	shalt  }
0x66: {  	_ =	shalt  }
0x67: {  	_ =	shalt  }
0x68: {  	_ =	shalt  }
0x69: {  	_ =	shalt  }
0x6a: {  	_ =	shalt  }
0x6b: {  	_ =	shalt  }
0x6c: {  	_ =	shalt  }
0x6d: {  	_ =	shalt  }
0x6e: {  	_ =	shalt  }
0x6f: {  	_ =	shalt  }
0x70: {  	_ =	shalt  }
0x71: {  	_ =	shalt  }
0x72: {  	_ =	shalt  }
0x73: {  	_ =	shalt  }
0x74: {  	_ =	shalt  }
0x75: {  	_ =	shalt  }
0x76: {  	_ =	shalt  }
0x77: {  	_ =	shalt  }
0x78: {  	_ =	shalt  }
0x79: {  	_ =	shalt  }
0x7a: {  	_ =	shalt  }
0x7b: {  	_ =	shalt  }
0x7c: {  	_ =	shalt  }
0x7d: {  	_ =	shalt  }
0x7e: {  	_ =	shalt  }
0x7f: {  	_ =	shalt  }
0x80: {  	_ =	shalt  }
0x81: {  	_ =	shalt  }
0x82: {  	_ =	shalt  }
0x83: {  	_ =	shalt  }
0x84: {  	_ =	shalt  }
0x85: {  	_ =	shalt  }
0x86: {  	_ =	shalt  }
0x87: {  	_ =	shalt  }
.Lfunc_end0:
.L_simem_size_0:
called_computation.1_lowered:
.L_overlay_start_0:
0x88: {  	s2 =	sld [smem:$0x3FD9]  }
0x89: {  	s3 =	sld [smem:$0x3FFE];
	_ =	sdelay $0x1  }
0x8a: {  	s1 =	srdreg.scid  }
0x8b: {  	s0 =	sand.u32 $0x1, s1  }
0x8c: {  	s17 =	sshll.u32 s0, $0xA;
	s2 =	sadd.s32 s3, s2  }
0x8d: {  	s2 =	sadd.s32 s2, s17  }
0x8e: {  	[smem:$0x3FBE] =	sst s2  }
0x8f: {  	_ = 	snop  }
0x90: {  	s2 =	sld [smem:$0x3FD0];
	(tm) =	ssettm $0x1  }
0x91: {  	s18 =	sld [smem:$0x3FFB];
	_ =	sdelay $0x3  }
0x92: {  	_ =	strace s18  }
0x93: {  	s3 =	sld [smem:$0x3FFC];
	_ =	sdelay $0x3  }
0x94: {  	_ =	strace s3  }
0x95: {  	s3 =	sld [smem:$0x3FFD];
	_ =	sdelay $0x3  }
0x96: {  	_ =	strace s3  }
0x97: {  	_ =	strace $0x8FFFFFFF  }
0x98: {  	s19 =	sld [smem:$0x3FDB];
	_ =	sdelay $0x1  }
0x99: {  	s4 =	simm.s32 $_scs_section_size  }
0x9a: {  	s5 =	simm.s32 $_size__tile_overlayer_lowered;
	s6 =	simm.s32 $_tile_overlayer_lowered  }
0x9b: {  	s22 =	simm.s32 $0x1BFF;
	s21 =	sshll.u32 s6, $0x1;
	s3 =	sadd.s32 s4, s19  }
0x9c: {  	s7 =	simm.s32 $0x0;
	s20 =	sshll.u32 s5, $0x1;
	s5 =	sadd.s32 s21, s3  }
0x9d: {  	[timem:s7], [sflag:s22] =	dma.local [hbm:s5], s20  }
0x9e: {  	_ =	swait.ge [sflag:s22], s20  }
0x9f: {  	s4 =	ssub.s32 $0x0, s20;
	[sflag:s22] =	ssyncset.done $0x0  }
0xa0: {  	[sflag:s22] =	ssyncadd.s32 s4;
	_ =	sdelay $0x1  }
0xa1: {  	s23 =	simm.s32 $0x1B8B  }
0xa2: {  	_ =	swait.ge [sflag:s23], $0x1  }
0xa3: {  	[sflag:s23] =	ssyncset.done $0x0  }
0xa4: {  	s25 =	simm.s32 $0x1B8E;
	s24 =	sld [smem:$0x3FFE];
	[sflag:s23] =	ssyncadd.s32 $0xFFFFFFFF  }
0xa5: {  	s26 =	simm.s32 $execute0_lowered;
	[smem:$0x3FD2] =	sst s25  }
0xa6: {  	s5 =	sshll.u32 s26, $0x1;
	_ =	strace $0x80000049;
	[dreg:$0x1] =	wrdreg $0xFFFFFFFF  }
0xa7: {  	s28 =	simm.s32 $_size_execute0_lowered;
	s3 =	sadd.s32 s3, s5;
	[dreg:$0x0] =	wrdreg $0x0  }
0xa8: {  	s5 =	sshll.u32 s28, $0x1;
	[dreg:$0x2] =	wrdreg s3  }
0xa9: {  	[dreg:$0x3] =	wrdreg s5  }
0xaa: {  	[dreg:$0x4] =	wrdreg $0xC0  }
0xab: {  	_ =	task [dreg:s7], $0x5FFFF  }
0xac: {  	[dreg:$0x1] =	wrdreg $0xFFFFFFFF  }
0xad: {  	[dreg:$0x0] =	wrdreg $0x60  }
0xae: {  	[dreg:$0x2] =	wrdreg s24  }
0xaf: {  	[dreg:$0x3] =	wrdreg s2  }
0xb0: {  	[dreg:$0x4] =	wrdreg $0x51800  }
0xb1: {  	[dreg:$0x5] =	wrdreg $0x9  }
0xb2: {  	_ =	task.clear_ibuf [dreg:s7], $0x6FFFF;
	_ =	strace $0x90000049  }
0xb3: {  	s29 =	simm.s32 $0x9;
	_ =	strace $0x8000004B  }
0xb4: {  	_ =	swait.ge [sflag:s29], $0x1  }
0xb5: {  	[sflag:s29] =	ssyncadd.s32 $0xFFFFFFFF  }
0xb6: {  	_ =	strace $0x9000004B  }
0xb7: {  	_ =	sfence  }
0xb8: {  	s30 =	sld [smem:$0x0];
	_ =	sdelay $0x2  }
0xb9: {  	s31 =	sshll.u32 s1, $0xD;
	s1 =	sshrl.u32 s1, $0x2  }
0xba: {  	s3 =	sand.u32 $0x4000, s31;
	s1 =	sadd.s32 s1, s30  }
0xbb: {  	s0 =	sor.u32 s3, s0;
	s1 =	sshll.u32 s1, $0x11  }
0xbc: {  	s0 =	sor.u32 s1, s0  }
0xbd: {  	s0 =	sadd.s32 $0x8F2B, s0  }
0xbe: {  	[sflag:s0] =	ssyncadd.remote.s32 $0x1  }
0xbf: {  	_ =	sfence.sel $0xFFFF  }
0xc0: {  	[dreg:$0x0] =	wrdreg $0xFFFFFFFF;
	(pc) =	sbr.abs _section_cstart, $3  }
0xc1: {  	[dreg:$0x1] =	wrdreg $0xFFFFFFFF  }
0xc2: {  	_ =	task.clear_ibuf [dreg:s7], $0x2FFFF;
	_ =	strace $0x9FFFFFFF  }
0xc3: {  	(tm) =	ssettm $0x7FFFFFFF  }
tec
execute0_lowered:
.L_overlay_start_1:
0x0: {  	(tag) =	ssettag $0x1  }
0x1: {  	s0 =	rddreg [dreg:$0x0]  }
0x2: {  	s1 =	rddreg [dreg:$0x1]  }
0x3: {  	s3 =	srdreg.scid;
	s11 =	stileid.u32  }
0x4: {  	s2 =	rddreg [dreg:$0x2];
	s28 =	simm.s32 $0x2940;
	s29 =	simm.s32 $0x4980  }
0x5: {  	s30 =	simm.s32 $0x1;
	s31 =	simm.s32 $0x3;
	s7 =	smul.u32 $0x7530, s11  }
0x6: {  	s6 =	sand.u32 $0x1, s3;
	s3 =	simm.s32 $0x0;
	s10 =	smul.u32 $0x1D4C0, s11  }
0x7: {  	s4 =	sadd.s32 $0x1800, s0;
	s5 =	smul.u32 $0x75300, s6;
	[smem:$0x7FF] =	sst s3  }
0x8: {  	s9 =	ssub.s32 $0x2, s6;
	s6 =	sshll.u32 s6, $0x4;
	_ =	strace $0x8000004A  }
0x9: {  	s17 =	sshrl.u32 s9, $0x1;
	s18 =	sshrl.u32 s10, $0x2;
	s19 =	sor.u32 s11, s6  }
0xa: {  	s6 =	sadd.s32 s7, s2;
	s5 =	sadd.s32 s7, s5;
	s20 =	sadd.s32 s18, s2  }
0xb: {  	s25 =	smul.u32 $0x510, s19;
	s19 =	simm.s32 $0x2980;
	s8 =	sshrl.u32 s5, $0x3  }
0xc: {  	s5 =	sadd.s32 $0x10400, s0;
	s21 =	sadd.s32 $0x1800, s20;
	s22 =	sadd.s32 $0x2400, s20  }
0xd: {  	s23 =	sadd.s32 $0x3000, s20;
	s24 =	sadd.s32 $0x3C00, s20;
	[dreg:$0x5] =	wrdreg s21  }
0xe: {  	s26 =	sadd.s32 $0x4800, s20;
	s13 =	sadd.s32 $0x5400, s20;
	[dreg:$0x6] =	wrdreg s22  }
0xf: {  	s14 =	sadd.s32 $0x6000, s20;
	s15 =	sadd.s32 $0x6C00, s20;
	[dreg:$0x7] =	wrdreg s23  }
0x10: {  	s0 =	sadd.s32 s8, s0;
	s8 =	ssub.s32 s9, s17;
	[dreg:$0x8] =	wrdreg s24  }
0x11: {  	s9 =	sadd.s32 $0xC00, s20;
	[dreg:$0x9] =	wrdreg s26;
	s16 =	sadd.s32 s1, s25  }
0x12: {  	s20 =	simm.s32 $0x5;
	s21 =	simm.s32 $0x40;
	s22 =	simm.s32 $0x2880  }
0x13: {  	s23 =	simm.s32 $0x2900;
	s24 =	simm.s32 $0x4180;
	s25 =	simm.s32 $0x28C0  }
0x14: {  	s26 =	simm.s32 $0x3580;
	s1 =	simm.s32 $0x2;
	[dreg:$0x4] =	wrdreg s9  }
0x15: {  	v0 =	vimm.f32 $0.0e+00;
	v1 =	vimm.s32 $0x8;
	vm0 =	vmmov $0xff;
	s17 =	sadd.s32 $0x1A200, s0;
	s18 =	smax.u32 s8, $0x1;
	s0 =	simm.s32 $0x4  }
.LBB2_1:
0x16: {  	s7 =	simm.s32 $0x2A40  }
0x17: {  	[tilespmem:s7+$0xFFFFFF40] =	vst v0  }
0x18: {  	[tilespmem:s7+$0xB0] =	vst v0  }
0x19: {  	[tilespmem:s7+$0xA0] =	vst v0  }
0x1a: {  	[tilespmem:s7+$0x90] =	vst v0  }
0x1b: {  	[tilespmem:s7+$0x80] =	vst v0  }
0x1c: {  	[tilespmem:s7+$0x70] =	vst v0  }
0x1d: {  	[tilespmem:s7+$0x60] =	vst v0  }
0x1e: {  	[tilespmem:s7+$0x50] =	vst v0  }
0x1f: {  	[tilespmem:s7+$0x40] =	vst v0  }
0x20: {  	[tilespmem:s7+$0x30] =	vst v0  }
0x21: {  	[tilespmem:s7+$0x20] =	vst v0  }
0x22: {  	[tilespmem:s7+$0x10] =	vst v0  }
0x23: {  	[tilespmem:s7+$0x0] =	vst v0  }
0x24: {  	[tilespmem:s7+$0xFFFFFFF0] =	vst v0  }
0x25: {  	[tilespmem:s7+$0xFFFFFFE0] =	vst v0  }
0x26: {  	[tilespmem:s7+$0xFFFFFFD0] =	vst v0  }
0x27: {  	[tilespmem:s7+$0xFFFFFFC0] =	vst v0  }
0x28: {  	[tilespmem:s7+$0xFFFFFFB0] =	vst v0  }
0x29: {  	[tilespmem:s7+$0xFFFFFFA0] =	vst v0  }
0x2a: {  	[tilespmem:s7+$0xFFFFFF90] =	vst v0  }
0x2b: {  	[tilespmem:s7+$0xFFFFFF80] =	vst v0  }
0x2c: {  	[tilespmem:s7+$0xFFFFFF70] =	vst v0  }
0x2d: {  	s8 =	simm.s32 $0x0;
	[tilespmem:s7+$0xFFFFFF60] =	vst v0  }
.LBB2_2:
0x2e: {  	s8 =	sadd.s32 $0x8, s8;
	[tilespmem:s7+$0xFFFFFF50] =	vst v0;
	s7 =	sadd.s32 $0x180, s7  }
0x2f: {  	[tilespmem:s7+$0xFFFFFF40] =	vst v0;
	p0 =	slt.u32 s8, $0x38  }
0x30: {  	[tilespmem:s7+$0xB0] =	vst v0  }
0x31: {  	[tilespmem:s7+$0xA0] =	vst v0  }
0x32: {  	[tilespmem:s7+$0x90] =	vst v0  }
0x33: {  	[tilespmem:s7+$0x80] =	vst v0  }
0x34: {  	[tilespmem:s7+$0x70] =	vst v0  }
0x35: {  	[tilespmem:s7+$0x60] =	vst v0  }
0x36: {  	[tilespmem:s7+$0x50] =	vst v0  }
0x37: {  	[tilespmem:s7+$0x40] =	vst v0  }
0x38: {  	[tilespmem:s7+$0x30] =	vst v0  }
0x39: {  	[tilespmem:s7+$0x20] =	vst v0  }
0x3a: {  	[tilespmem:s7+$0x10] =	vst v0  }
0x3b: {  	[tilespmem:s7+$0x0] =	vst v0  }
0x3c: {  	[tilespmem:s7+$0xFFFFFFF0] =	vst v0  }
0x3d: {  	[tilespmem:s7+$0xFFFFFFE0] =	vst v0  }
0x3e: {  	[tilespmem:s7+$0xFFFFFFD0] =	vst v0  }
0x3f: {  	[tilespmem:s7+$0xFFFFFFC0] =	vst v0  }
0x40: {  	[tilespmem:s7+$0xFFFFFFB0] =	vst v0  }
.Ltmp0:
0x41: {  	[tilespmem:s7+$0xFFFFFFA0] =	vst v0;
	(pc) =	sbr.rel @p0 .LBB2_2-.Ltmp0, $4  }
0x42: {  	[tilespmem:s7+$0xFFFFFF90] =	vst v0  }
0x43: {  	[tilespmem:s7+$0xFFFFFF80] =	vst v0  }
0x44: {  	[tilespmem:s7+$0xFFFFFF70] =	vst v0  }
0x45: {  	[tilespmem:s7+$0xFFFFFF60] =	vst v0  }
0x46: {  	[tilespmem:s7+$0xFFFFFF50] =	vst v0  }
0x47: {  	[spmem:s6] =	stream.linear.scatter [tilespmem:s19], [sflag:$0x5], $0xC00, $0x38;
	[tilespmem:$0xC6B0] =	vst v63  }
0x48: {  	_ =	swait.ge [sflag:s20], $0xC00  }
0x49: {  	[sflag:s20] =	ssyncset.done $0x0  }
0x4a: {  	s12 =	rddreg [dreg:$0x4];
	[sflag:s20] =	ssyncadd.s32 $0xFFFFF400  }
0x4b: {  	[spmem:s12] =	stream.linear.scatter [tilespmem:s19], [sflag:$0x5], $0xC00, $0x38;
	[tilespmem:$0xC6B0] =	vst v63  }
0x4c: {  	_ =	swait.ge [sflag:s20], $0xC00  }
0x4d: {  	[sflag:s20] =	ssyncset.done $0x0  }
0x4e: {  	s8 =	rddreg [dreg:$0x5];
	[sflag:s20] =	ssyncadd.s32 $0xFFFFF400  }
0x4f: {  	[spmem:s8] =	stream.linear.scatter [tilespmem:s19], [sflag:$0x5], $0xC00, $0x38;
	[tilespmem:$0xC6B0] =	vst v63  }
0x50: {  	_ =	swait.ge [sflag:s20], $0xC00  }
0x51: {  	[sflag:s20] =	ssyncset.done $0x0  }
0x52: {  	s9 =	rddreg [dreg:$0x6];
	[sflag:s20] =	ssyncadd.s32 $0xFFFFF400  }
0x53: {  	[spmem:s9] =	stream.linear.scatter [tilespmem:s19], [sflag:$0x5], $0xC00, $0x38;
	[tilespmem:$0xC6B0] =	vst v63  }
0x54: {  	_ =	swait.ge [sflag:s20], $0xC00  }
0x55: {  	[sflag:s20] =	ssyncset.done $0x0  }
0x56: {  	s10 =	rddreg [dreg:$0x7];
	[sflag:s20] =	ssyncadd.s32 $0xFFFFF400  }
0x57: {  	[spmem:s10] =	stream.linear.scatter [tilespmem:s19], [sflag:$0x5], $0xC00, $0x38;
	[tilespmem:$0xC6B0] =	vst v63  }
0x58: {  	_ =	swait.ge [sflag:s20], $0xC00  }
0x59: {  	[sflag:s20] =	ssyncset.done $0x0  }
0x5a: {  	s11 =	rddreg [dreg:$0x8];
	[sflag:s20] =	ssyncadd.s32 $0xFFFFF400  }
0x5b: {  	[spmem:s11] =	stream.linear.scatter [tilespmem:s19], [sflag:$0x5], $0xC00, $0x38;
	[tilespmem:$0xC6B0] =	vst v63  }
0x5c: {  	_ =	swait.ge [sflag:s20], $0xC00  }
0x5d: {  	[sflag:s20] =	ssyncset.done $0x0  }
0x5e: {  	s12 =	rddreg [dreg:$0x9];
	[sflag:s20] =	ssyncadd.s32 $0xFFFFF400  }
0x5f: {  	[spmem:s12] =	stream.linear.scatter [tilespmem:s19], [sflag:$0x5], $0xC00, $0x38;
	[tilespmem:$0xC6B0] =	vst v63  }
0x60: {  	_ =	swait.ge [sflag:s20], $0xC00  }
0x61: {  	[sflag:s20] =	ssyncset.done $0x0  }
0x62: {  	[sflag:s20] =	ssyncadd.s32 $0xFFFFF400  }
0x63: {  	[spmem:s13] =	stream.linear.scatter [tilespmem:s19], [sflag:$0x5], $0xC00, $0x38;
	[tilespmem:$0xC6B0] =	vst v63  }
0x64: {  	_ =	swait.ge [sflag:s20], $0xC00  }
0x65: {  	[sflag:s20] =	ssyncset.done $0x0  }
0x66: {  	[sflag:s20] =	ssyncadd.s32 $0xFFFFF400  }
0x67: {  	[spmem:s14] =	stream.linear.scatter [tilespmem:s19], [sflag:$0x5], $0xC00, $0x38;
	[tilespmem:$0xC6B0] =	vst v63  }
0x68: {  	_ =	swait.ge [sflag:s20], $0xC00  }
0x69: {  	[sflag:s20] =	ssyncset.done $0x0  }
0x6a: {  	[sflag:s20] =	ssyncadd.s32 $0xFFFFF400  }
0x6b: {  	[spmem:s15] =	stream.linear.scatter [tilespmem:s19], [sflag:$0x5], $0x930, $0x38;
	[tilespmem:$0xC6B0] =	vst v63  }
0x6c: {  	_ =	swait.ge [sflag:s20], $0x930  }
0x6d: {  	[sflag:s20] =	ssyncset.done $0x0  }
0x6e: {  	[sflag:s20] =	ssyncadd.s32 $0xFFFFF6D0  }
0x6f: {  	s7 =	simm.s32 $0x0;
	[bflag:$0x0] =	sbarrier.arrive $0xFFFF  }
0x70: {  	[tilespmem:s7], [sflag:$0x5] =	stream.linear.gather [hbm4b:s16+s7], $0x2880, $0x38;
	[tilespmem:$0xC6B0] =	vst v63  }
0x71: {  	_ =	swait.ge [sflag:s20], $0x2880  }
0x72: {  	[sflag:s20] =	ssyncset.done $0x0  }
0x73: {  	[sflag:s20] =	ssyncadd.s32 $0xFFFFD780  }
0x74: {  	v2 =	vld [tilespmem:$0x0];
	_ =	sdelay $0x1  }
0x75: {  	v3 =	vld [tilespmem:$0x10];
	_ =	sdelay $0x1  }
0x76: {  	v4 =	vld [tilespmem:$0x20]  }
0x77: {  	v5 =	vshrl.u32 v2, $0xE  }
0x78: {  	v63 =	vld [tilespmem:$0x30];
	v2 =	vand.u32 $0x3FFF, v2;
	[tilespmem:$0x2880] =	vst v5  }
0x79: {  	[tilespmem:$0x2900] =	vst v2;
	v2 =	vshrl.u32 v3, $0xE  }
0x7a: {  	[tilespmem:$0x2890] =	vst v2;
	v2 =	vand.u32 $0x3FFF, v3  }
0x7b: {  	[tilespmem:$0x2910] =	vst v2;
	v2 =	vshrl.u32 v4, $0xE  }
0x7c: {  	[tilespmem:$0x28A0] =	vst v2;
	v2 =	vand.u32 $0x3FFF, v4  }
0x7d: {  	[tilespmem:$0x2920] =	vst v2;
	v2 =	vshrl.u32 v63, $0xE  }
0x7e: {  	[tilespmem:$0x28B0] =	vst v2;
	v2 =	vand.u32 $0x3FFF, v63  }
0x7f: {  	[tilespmem:$0x2930] =	vst v2  }
0x80: {  	[tilespmem:s19], [sflag:$0x1] =	stream.indirect.gather [hbm4b:s4+s21], $0x30, s22, s21, $0xb8;
	[tilespmem:$0xC6B0] =	vst v63  }
0x81: {  	_ = 	snop  }
0x82: {  	[tilespmem:s24], [sflag:$0x3] =	stream.indirect.gather [hbm4b:s5+s21], $0x20, s23, s21, $0xb8;
	[tilespmem:$0xC6B0] =	vst v63  }
.LBB2_4:
0x83: {  	s8 =	sshll.u32 s7, $0x7  }
0x84: {  	s8 =	sand.u32 $0x3FFFFF80, s8  }
0x85: {  	v2 =	vld [tilespmem:s8+$0x40];
	_ =	sdelay $0x4  }
0x86: {  	v3 =	vshrl.u32 v2, $0xE  }
0x87: {  	v2 =	vand.u32 $0x3FFF, v2;
	[tilespmem:$0x28C0] =	vst v3  }
0x88: {  	[tilespmem:$0x2940] =	vst v2  }
0x89: {  	v2 =	vld [tilespmem:s8+$0x50];
	_ =	sdelay $0x4  }
0x8a: {  	v3 =	vshrl.u32 v2, $0xE  }
0x8b: {  	v2 =	vand.u32 $0x3FFF, v2;
	[tilespmem:$0x28D0] =	vst v3  }
0x8c: {  	[tilespmem:$0x2950] =	vst v2  }
0x8d: {  	v2 =	vld [tilespmem:s8+$0x60];
	_ =	sdelay $0x4  }
0x8e: {  	v3 =	vshrl.u32 v2, $0xE  }
0x8f: {  	v2 =	vand.u32 $0x3FFF, v2;
	[tilespmem:$0x28E0] =	vst v3  }
0x90: {  	[tilespmem:$0x2960] =	vst v2  }
0x91: {  	v2 =	vld [tilespmem:s8+$0x70];
	_ =	sdelay $0x4  }
0x92: {  	v3 =	vshrl.u32 v2, $0xE  }
0x93: {  	v2 =	vand.u32 $0x3FFF, v2;
	[tilespmem:$0x28F0] =	vst v3  }
0x94: {  	[tilespmem:$0x2970] =	vst v2  }
0x95: {  	[tilespmem:s26], [sflag:$0x2] =	stream.indirect.gather [hbm4b:s4+s21], $0x30, s25, s21, $0xb8;
	[tilespmem:$0xC6B0] =	vst v63  }
0x96: {  	_ = 	snop  }
0x97: {  	[tilespmem:s29], [sflag:$0x4] =	stream.indirect.gather [hbm4b:s5+s21], $0x20, s28, s21, $0xb8;
	[tilespmem:$0xC6B0] =	vst v63  }
0x98: {  	_ =	swait.ge [sflag:s30], $0xC00  }
0x99: {  	[sflag:s30] =	ssyncset.done $0x0  }
0x9a: {  	[sflag:s30] =	ssyncadd.s32 $0xFFFFF400  }
0x9b: {  	_ =	swait.ge [sflag:s31], $0x800  }
0x9c: {  	[sflag:s31] =	ssyncset.done $0x0  }
0x9d: {  	s8 =	simm.s32 $0x29E0;
	[sflag:s31] =	ssyncadd.s32 $0xFFFFF800  }
0x9e: {  	s9 =	simm.s32 $0x41C0;
	v9 =	vld [tilespmem:s8+$0x50]  }
0x9f: {  	v2 =	vld [tilespmem:s9+$0x20]  }
0xa0: {  	v3 =	vld [tilespmem:s9+$0xFFFFFFC0]  }
0xa1: {  	v17 =	vld [tilespmem:s8+$0xFFFFFFF0]  }
0xa2: {  	v4 =	vld [tilespmem:s9+$0xFFFFFFE0]  }
0xa3: {  	v18 =	vld [tilespmem:s8+$0x20]  }
0xa4: {  	v5 =	vld [tilespmem:s9+$0x30]  }
0xa5: {  	v6 =	vld [tilespmem:s9+$0x0];
	v2 =	vadd.f32 v2, v9  }
0xa6: {  	v15 =	vld [tilespmem:s8+$0xFFFFFFC0]  }
0xa7: {  	v8 =	vld [tilespmem:s9+$0xFFFFFFD0];
	v7 =	vmul.f32 $2.000000030e-01, v2  }
0xa8: {  	v10 =	vld [tilespmem:s9+$0xFFFFFFF0];
	vm1 =	vgt.f32 v2, $0.0e+00  }
0xa9: {  	v20 =	vld [tilespmem:s8+$0xFFFFFFA0];
	v2 =	vsel vm1, v2, v7  }
0xaa: {  	v22 =	vld [tilespmem:s8+$0xFFFFFFB0];
	v4 =	vadd.f32 v4, v17;
	v2 =	vsub.f32 v2, v5  }
0xab: {  	s10 =	simm.s32 $0x4240;
	v6 =	vadd.f32 v6, v18;
	v11 =	vadd.f32 v3, v15;
	v7 =	vld [tilespmem:s9+$0x10]  }
0xac: {  	v16 =	vld [tilespmem:s10+$0x30];
	v5 =	vmul.f32 $2.000000030e-01, v4;
	v2 =	vmul.f32 $1.442695020e+00, v2  }
0xad: {  	v19 =	vld [tilespmem:s10+$0x0];
	v12 =	vmul.f32 $2.000000030e-01, v6;
	v13 =	vmul.f32 $2.000000030e-01, v11;
	vm1 =	vgt.f32 v4, $0.0e+00  }
0xae: {  	v21 =	vld [tilespmem:s10+$0xFFFFFFC0];
	v5 =	vsel vm1, v4, v5;
	vm1 =	vgt.f32 v6, $0.0e+00;
	(erf) = vpow2.f32 v2  }
0xaf: {  	v25 =	vld [tilespmem:s10+$0xFFFFFFD0];
	vm2 =	vgt.f32 v11, $0.0e+00;
	v2 =	vsub.f32 v5, v10;
	v5 =	vsel vm1, v6, v12  }
0xb0: {  	v29 =	vld [tilespmem:s10+$0xFFFFFFF0];
	v10 =	vsel vm2, v11, v13;
	v5 =	vsub.f32 v5, v7  }
0xb1: {  	s9 =	simm.s32 $0x2AA0;
	v13 =	vld [tilespmem:s10+$0x20];
	v10 =	vsub.f32 v10, v8;
	v2 =	vmul.f32 $1.442695020e+00, v2  }
0xb2: {  	v8 =	vld [tilespmem:s9+$0x50];
	v5 =	vmul.f32 $1.442695020e+00, v5  }
0xb3: {  	v11 =	vld [tilespmem:s8+$0x30];
	v10 =	vmul.f32 $1.442695020e+00, v10;
	(erf) = vpow2.f32 v2  }
0xb4: {  	v2 =	vld [tilespmem:s9+$0xFFFFFFF0];
	(erf) = vpow2.f32 v5  }
0xb5: {  	(erf) = vpow2.f32 v10;
	v10 =	vld [tilespmem:s10+$0xFFFFFFE0]  }
0xb6: {  	v5 =	vld [tilespmem:s9+$0x20]  }
0xb7: {  	v30 =	vld [tilespmem:s10+$0x10];
	v13 =	vadd.f32 v13, v8;
	v14 =	vpop (erf)  }
0xb8: {  	v12 =	vld [tilespmem:s8+$0x40];
	v14 =	vperm.xlane v14, v1  }
0xb9: {  	v3 =	vld [tilespmem:s8+$0xFFFFFFD0];
	v24 =	vmul.f32 $2.000000030e-01, v13  }
0xba: {  	v27 =	vadd.f32 v10, v2;
	v23 =	vmul.f32 v11, v14;
	v11 =	vmul.f32 v14, v9;
	v9 =	vld [tilespmem:s9+$0xFFFFFFC0]  }
0xbb: {  	v4 =	vld [tilespmem:s8+$0xFFFFFFE0];
	vm1 =	vgt.f32 v13, $0.0e+00;
	v19 =	vadd.f32 v19, v5  }
0xbc: {  	v6 =	vld [tilespmem:s8+$0x0];
	v10 =	vpop (erf);
	v28 =	vsel vm0, v11, v14;
	v11 =	vsel vm1, v13, v24;
	v24 =	vmul.f32 $2.000000030e-01, v27  }
0xbd: {  	v7 =	vld [tilespmem:s8+$0x10];
	v26 =	vmul.f32 v12, v14;
	v13 =	vpop (erf);
	vm1 =	vgt.f32 v27, $0.0e+00;
	v16 =	vsub.f32 v11, v16  }
0xbe: {  	v12 =	vperm.xlane v10, v1;
	v10 =	vld [tilespmem:s9+$0xFFFFFFA0];
	v14 =	vperm.xlane v13, v1;
	v24 =	vsel vm1, v27, v24  }
0xbf: {  	v13 =	vld [tilespmem:s9+$0xFFFFFFD0];
	v11 =	vpop (erf);
	v32 =	vadd.f32 v21, v9;
	v16 =	vmul.f32 $1.442695020e+00, v16;
	v21 =	vmul.f32 $2.000000030e-01, v19  }
0xc0: {  	[tilespmem:s8+$0x30] =	vst v23;
	vm1 =	vgt.f32 v19, $0.0e+00;
	v23 =	vmul.f32 v14, v18;
	v18 =	vld [tilespmem:s9+$0x40];
	v31 =	vperm.xlane v11, v1  }
0xc1: {  	v24 =	vsub.f32 v24, v29;
	v11 =	vld [tilespmem:s9+$0xFFFFFFB0];
	(erf) = vpow2.f32 v16;
	v33 =	vmul.f32 $2.000000030e-01, v32  }
0xc2: {  	v19 =	vsel vm1, v19, v21;
	vm1 =	vgt.f32 v32, $0.0e+00;
	v16 =	vld [tilespmem:s9+$0x0];
	v21 =	vmul.f32 v12, v17  }
0xc3: {  	v27 =	vmul.f32 v31, v15;
	v15 =	vld [tilespmem:s9+$0xFFFFFFE0];
	v30 =	vsub.f32 v19, v30;
	v29 =	vsel vm1, v32, v33  }
0xc4: {  	[tilespmem:s8+$0x40] =	vst v26;
	v17 =	vld [tilespmem:s9+$0x10];
	v24 =	vmul.f32 $1.442695020e+00, v24;
	v20 =	vmul.f32 v20, v31;
	v25 =	vsub.f32 v29, v25  }
0xc5: {  	s11 =	simm.s32 $0x4;
	s12 =	simm.s32 $0x2B60;
	[tilespmem:s8+$0x50] =	vst v28;
	v19 =	vld [tilespmem:s9+$0x30];
	v22 =	vmul.f32 v22, v31;
	v26 =	vmul.f32 $1.442695020e+00, v30;
	v27 =	vsel vm0, v27, v31  }
.LBB2_5:
0xc6: {  	v28 =	vld [tilespmem:s12+$0x50];
	v25 =	vmul.f32 $1.442695020e+00, v25;
	s10 =	sadd.s32 $0x80, s10;
	(erf) = vpow2.f32 v24;
	[tilespmem:s8+$0xFFFFFFC0] =	vst v27;
	v21 =	vsel vm0, v21, v12  }
0xc7: {  	s11 =	sadd.s32 $0x4, s11;
	v24 =	vld [tilespmem:s10+$0x20];
	(erf) = vpow2.f32 v26;
	v26 =	vmul.f32 v3, v12;
	[tilespmem:s8+$0xFFFFFFF0] =	vst v21;
	v21 =	vsel vm0, v23, v14;
	v3 =	vmovc v13  }
0xc8: {  	p0 =	slt.u32 s11, $0x3C;
	v12 =	vmul.f32 v4, v12;
	v4 =	vmov v15;
	v13 =	vld [tilespmem:s10+$0xFFFFFFC0];
	(erf) = vpow2.f32 v25;
	[tilespmem:s8+$0x20] =	vst v21  }
0xc9: {  	v15 =	vmul.f32 v6, v14;
	v14 =	vmul.f32 v7, v14;
	v6 =	vmovc v16;
	v7 =	vmov v17;
	v23 =	vld [tilespmem:s12+$0xFFFFFFF0];
	[tilespmem:s8+$0xFFFFFFA0] =	vst v20  }
0xca: {  	v16 =	vld [tilespmem:s10+$0xFFFFFFE0];
	v17 =	vpop (erf);
	[tilespmem:s8+$0xFFFFFFB0] =	vst v22  }
0xcb: {  	v20 =	vld [tilespmem:s12+$0x20];
	v17 =	vperm.xlane v17, v1;
	[tilespmem:s8+$0xFFFFFFD0] =	vst v26  }
0xcc: {  	v21 =	vld [tilespmem:s10+$0x30];
	v22 =	vadd.f32 v24, v28;
	[tilespmem:s8+$0xFFFFFFE0] =	vst v12  }
0xcd: {  	v24 =	vld [tilespmem:s10+$0x0];
	v27 =	vmul.f32 v19, v17;
	v19 =	vmul.f32 v17, v8;
	[tilespmem:s8+$0x0] =	vst v15;
	v8 =	vmov v28  }
0xce: {  	v28 =	vmul.f32 v18, v17;
	v15 =	vld [tilespmem:s12+$0xFFFFFFC0];
	v25 =	vmul.f32 $2.000000030e-01, v22;
	[tilespmem:s8+$0x10] =	vst v14;
	s8 =	smov.u32 s9;
	s9 =	smov.u32 s12  }
0xcf: {  	vm1 =	vgt.f32 v22, $0.0e+00;
	v26 =	vld [tilespmem:s10+$0xFFFFFFD0];
	v16 =	vadd.f32 v16, v23;
	[tilespmem:s8+$0x30] =	vst v27;
	v27 =	vsel vm0, v19, v17;
	v12 =	vpop (erf)  }
0xd0: {  	v17 =	vld [tilespmem:s10+$0xFFFFFFF0];
	v19 =	vsel vm1, v22, v25;
	v12 =	vperm.xlane v12, v1;
	[tilespmem:s8+$0x50] =	vst v27;
	v14 =	vpop (erf)  }
0xd1: {  	vm1 =	vgt.f32 v16, $0.0e+00;
	v22 =	vmul.f32 $2.000000030e-01, v16;
	v25 =	vld [tilespmem:s10+$0x10];
	v19 =	vsub.f32 v19, v21;
	[tilespmem:s8+$0x40] =	vst v28;
	v18 =	vpop (erf)  }
0xd2: {  	v14 =	vperm.xlane v14, v1;
	v27 =	vld [tilespmem:s12+$0xFFFFFFA0];
	v21 =	vadd.f32 v24, v20;
	v28 =	vperm.xlane v18, v1  }
0xd3: {  	v18 =	vadd.f32 v13, v15;
	v29 =	vld [tilespmem:s12+$0xFFFFFFB0];
	v16 =	vsel vm1, v16, v22;
	v19 =	vmul.f32 $1.442695020e+00, v19  }
0xd4: {  	v13 =	vld [tilespmem:s12+$0xFFFFFFD0];
	vm1 =	vgt.f32 v21, $0.0e+00;
	v22 =	vmul.f32 $2.000000030e-01, v21;
	v30 =	vmul.f32 v28, v9;
	v9 =	vmovc v15  }
.Ltmp1:
0xd5: {  	vm2 =	vgt.f32 v18, $0.0e+00;
	v24 =	vmul.f32 $2.000000030e-01, v18;
	v15 =	vld [tilespmem:s12+$0xFFFFFFE0];
	(erf) = vpow2.f32 v19;
	(pc) =	sbr.rel @p0 .LBB2_5-.Ltmp1, $4  }
0xd6: {  	v19 =	vsub.f32 v16, v17;
	v17 =	vsel vm1, v21, v22;
	v16 =	vld [tilespmem:s12+$0x0];
	v21 =	vmul.f32 v12, v2;
	v2 =	vmovc v23  }
0xd7: {  	v23 =	vmul.f32 v14, v5;
	v5 =	vmovc v20;
	v18 =	vsel vm2, v18, v24;
	v22 =	vsub.f32 v17, v25;
	v17 =	vld [tilespmem:s12+$0x10]  }
0xd8: {  	v20 =	vmul.f32 v10, v28;
	v24 =	vmul.f32 $1.442695020e+00, v19;
	v10 =	vmovc v27;
	v25 =	vsub.f32 v18, v26;
	v19 =	vld [tilespmem:s12+$0x30]  }
0xd9: {  	v27 =	vsel vm0, v30, v28;
	s12 =	sadd.s32 $0xC0, s12;
	v26 =	vmul.f32 $1.442695020e+00, v22;
	v18 =	vld [tilespmem:s9+$0x40];
	v22 =	vmul.f32 v11, v28;
	v11 =	vmovc v29  }
0xda: {  	v25 =	vmul.f32 $1.442695020e+00, v25;
	(erf) = vpow2.f32 v24  }
0xdb: {  	(erf) = vpow2.f32 v26  }
0xdc: {  	(erf) = vpow2.f32 v25;
	_ =	sdelay $0x1  }
0xdd: {  	[tilespmem:s8+$0xFFFFFFC0] =	vst v27  }
0xde: {  	v21 =	vsel vm0, v21, v12;
	[tilespmem:s8+$0xFFFFFFA0] =	vst v20  }
0xdf: {  	v3 =	vmul.f32 v3, v12;
	[tilespmem:s8+$0xFFFFFFF0] =	vst v21  }
0xe0: {  	v21 =	vsel vm0, v23, v14;
	[tilespmem:s8+$0xFFFFFFB0] =	vst v22;
	v20 =	vpop (erf)  }
0xe1: {  	v4 =	vmul.f32 v4, v12;
	[tilespmem:s8+$0x20] =	vst v21;
	v12 =	vperm.xlane v20, v1  }
0xe2: {  	v7 =	vmul.f32 v7, v14;
	[tilespmem:s8+$0xFFFFFFD0] =	vst v3;
	v20 =	vpop (erf)  }
0xe3: {  	v6 =	vmul.f32 v6, v14;
	[tilespmem:s8+$0xFFFFFFE0] =	vst v4;
	v4 =	vmul.f32 v19, v12;
	v3 =	vpop (erf)  }
0xe4: {  	[tilespmem:s8+$0x10] =	vst v7;
	v8 =	vmul.f32 v12, v8;
	v7 =	vperm.xlane v20, v1;
	v14 =	vpop (erf)  }
0xe5: {  	[tilespmem:s8+$0x0] =	vst v6;
	v3 =	vperm.xlane v3, v1;
	v6 =	vperm.xlane v14, v1  }
0xe6: {  	[tilespmem:s9+$0x30] =	vst v4;
	v4 =	vsel vm0, v8, v12;
	v14 =	vmul.f32 v18, v12;
	v2 =	vmul.f32 v7, v2  }
0xe7: {  	[tilespmem:s9+$0x50] =	vst v4;
	v4 =	vmul.f32 v3, v5  }
0xe8: {  	v8 =	vmul.f32 v6, v9;
	[tilespmem:s9+$0x40] =	vst v14;
	v2 =	vsel vm0, v2, v7  }
0xe9: {  	[tilespmem:s9+$0xFFFFFFF0] =	vst v2;
	v2 =	vsel vm0, v4, v3  }
0xea: {  	v4 =	vmul.f32 v11, v6;
	v5 =	vsel vm0, v8, v6;
	[tilespmem:s9+$0x20] =	vst v2  }
0xeb: {  	v2 =	vmul.f32 v13, v7;
	[tilespmem:s9+$0xFFFFFFC0] =	vst v5  }
0xec: {  	v5 =	vmul.f32 v10, v6;
	[tilespmem:s9+$0xFFFFFFB0] =	vst v4  }
0xed: {  	v4 =	vmul.f32 v16, v3;
	[tilespmem:s9+$0xFFFFFFD0] =	vst v2  }
0xee: {  	v2 =	vmul.f32 v17, v3;
	[tilespmem:s9+$0xFFFFFFA0] =	vst v5  }
0xef: {  	v5 =	vmul.f32 v15, v7;
	[tilespmem:s9+$0x0] =	vst v4  }
0xf0: {  	s11 =	sshll.u32 s7, $0x1;
	[tilespmem:s9+$0x10] =	vst v2  }
0xf1: {  	s8 =	sadd.s32 $0x2, s11;
	[tilespmem:s9+$0xFFFFFFE0] =	vst v5  }
0xf2: {  	[spmem:s2] =	stream.indirect.scatter.add.f32 [tilespmem:s19], [sflag:$0x5], $0x30, s23, s21, $0xb8;
	[tilespmem:$0xC6B0] =	vst v63  }
0xf3: {  	p0 =	seq.s32 s8, $0xA2;
	s8 =	sshll.u32 s8, $0x8;
	_ =	swait.ge [sflag:s20], $0xC00  }
0xf4: {  	s8 =	simm.s32 @p0 $0x0;
	[sflag:s20] =	ssyncset.done $0x0  }
0xf5: {  	s8 =	sshrl.u32 s8, $0x2;
	[sflag:s20] =	ssyncadd.s32 $0xFFFFF400  }
0xf6: {  	v2 =	vld [tilespmem:s8+$0x0];
	_ =	sdelay $0x4  }
0xf7: {  	v3 =	vshrl.u32 v2, $0xE  }
0xf8: {  	v2 =	vand.u32 $0x3FFF, v2;
	[tilespmem:$0x2880] =	vst v3  }
0xf9: {  	[tilespmem:$0x2900] =	vst v2  }
0xfa: {  	v2 =	vld [tilespmem:s8+$0x10];
	_ =	sdelay $0x4  }
0xfb: {  	v3 =	vshrl.u32 v2, $0xE  }
0xfc: {  	v2 =	vand.u32 $0x3FFF, v2;
	[tilespmem:$0x2890] =	vst v3  }
0xfd: {  	[tilespmem:$0x2910] =	vst v2  }
0xfe: {  	v2 =	vld [tilespmem:s8+$0x20];
	_ =	sdelay $0x4  }
0xff: {  	v3 =	vshrl.u32 v2, $0xE  }
0x100: {  	v2 =	vand.u32 $0x3FFF, v2;
	[tilespmem:$0x28A0] =	vst v3  }
0x101: {  	[tilespmem:$0x2920] =	vst v2  }
0x102: {  	v2 =	vld [tilespmem:s8+$0x30];
	_ =	sdelay $0x4  }
0x103: {  	v3 =	vshrl.u32 v2, $0xE  }
0x104: {  	v2 =	vand.u32 $0x3FFF, v2;
	[tilespmem:$0x28B0] =	vst v3  }
0x105: {  	[tilespmem:$0x2930] =	vst v2  }
0x106: {  	[tilespmem:s19], [sflag:$0x1] =	stream.indirect.gather [hbm4b:s4+s21], $0x30, s22, s21, $0xb8;
	[tilespmem:$0xC6B0] =	vst v63  }
0x107: {  	_ = 	snop  }
0x108: {  	[tilespmem:s24], [sflag:$0x3] =	stream.indirect.gather [hbm4b:s5+s21], $0x20, s23, s21, $0xb8;
	[tilespmem:$0xC6B0] =	vst v63  }
0x109: {  	_ =	swait.ge [sflag:s1], $0xC00  }
0x10a: {  	[sflag:s1] =	ssyncset.done $0x0  }
0x10b: {  	[sflag:s1] =	ssyncadd.s32 $0xFFFFF400  }
0x10c: {  	_ =	swait.ge [sflag:s0], $0x800  }
0x10d: {  	[sflag:s0] =	ssyncset.done $0x0  }
0x10e: {  	s8 =	simm.s32 $0x35E0;
	[sflag:s0] =	ssyncadd.s32 $0xFFFFF800  }
0x10f: {  	s12 =	simm.s32 $0x49C0;
	v9 =	vld [tilespmem:s8+$0x50]  }
0x110: {  	v2 =	vld [tilespmem:s12+$0x20]  }
0x111: {  	v3 =	vld [tilespmem:s12+$0xFFFFFFC0]  }
0x112: {  	v17 =	vld [tilespmem:s8+$0xFFFFFFF0]  }
0x113: {  	v4 =	vld [tilespmem:s12+$0xFFFFFFE0]  }
0x114: {  	v18 =	vld [tilespmem:s8+$0x20]  }
0x115: {  	v5 =	vld [tilespmem:s12+$0x30]  }
0x116: {  	v6 =	vld [tilespmem:s12+$0x0];
	v2 =	vadd.f32 v2, v9  }
0x117: {  	v15 =	vld [tilespmem:s8+$0xFFFFFFC0]  }
0x118: {  	v8 =	vld [tilespmem:s12+$0xFFFFFFD0];
	v7 =	vmul.f32 $2.000000030e-01, v2  }
0x119: {  	v10 =	vld [tilespmem:s12+$0xFFFFFFF0];
	vm1 =	vgt.f32 v2, $0.0e+00  }
0x11a: {  	v20 =	vld [tilespmem:s8+$0xFFFFFFA0];
	v2 =	vsel vm1, v2, v7  }
0x11b: {  	v22 =	vld [tilespmem:s8+$0xFFFFFFB0];
	v4 =	vadd.f32 v4, v17;
	v2 =	vsub.f32 v2, v5  }
0x11c: {  	s10 =	simm.s32 $0x4A40;
	v6 =	vadd.f32 v6, v18;
	v11 =	vadd.f32 v3, v15;
	v7 =	vld [tilespmem:s12+$0x10]  }
0x11d: {  	v16 =	vld [tilespmem:s10+$0x30];
	v5 =	vmul.f32 $2.000000030e-01, v4;
	v2 =	vmul.f32 $1.442695020e+00, v2  }
0x11e: {  	v19 =	vld [tilespmem:s10+$0x0];
	v12 =	vmul.f32 $2.000000030e-01, v6;
	v13 =	vmul.f32 $2.000000030e-01, v11;
	vm1 =	vgt.f32 v4, $0.0e+00  }
0x11f: {  	v21 =	vld [tilespmem:s10+$0xFFFFFFC0];
	v5 =	vsel vm1, v4, v5;
	vm1 =	vgt.f32 v6, $0.0e+00;
	(erf) = vpow2.f32 v2  }
0x120: {  	v25 =	vld [tilespmem:s10+$0xFFFFFFD0];
	vm2 =	vgt.f32 v11, $0.0e+00;
	v2 =	vsub.f32 v5, v10;
	v5 =	vsel vm1, v6, v12  }
0x121: {  	v29 =	vld [tilespmem:s10+$0xFFFFFFF0];
	v10 =	vsel vm2, v11, v13;
	v5 =	vsub.f32 v5, v7  }
0x122: {  	s9 =	simm.s32 $0x36A0;
	v13 =	vld [tilespmem:s10+$0x20];
	v10 =	vsub.f32 v10, v8;
	v2 =	vmul.f32 $1.442695020e+00, v2  }
0x123: {  	v8 =	vld [tilespmem:s9+$0x50];
	v5 =	vmul.f32 $1.442695020e+00, v5  }
0x124: {  	v11 =	vld [tilespmem:s8+$0x30];
	v10 =	vmul.f32 $1.442695020e+00, v10;
	(erf) = vpow2.f32 v2  }
0x125: {  	v2 =	vld [tilespmem:s9+$0xFFFFFFF0];
	(erf) = vpow2.f32 v5  }
0x126: {  	(erf) = vpow2.f32 v10;
	v10 =	vld [tilespmem:s10+$0xFFFFFFE0]  }
0x127: {  	v5 =	vld [tilespmem:s9+$0x20]  }
0x128: {  	v30 =	vld [tilespmem:s10+$0x10];
	v13 =	vadd.f32 v13, v8;
	v14 =	vpop (erf)  }
0x129: {  	v12 =	vld [tilespmem:s8+$0x40];
	v14 =	vperm.xlane v14, v1  }
0x12a: {  	v3 =	vld [tilespmem:s8+$0xFFFFFFD0];
	v24 =	vmul.f32 $2.000000030e-01, v13  }
0x12b: {  	v27 =	vadd.f32 v10, v2;
	v23 =	vmul.f32 v11, v14;
	v11 =	vmul.f32 v14, v9;
	v9 =	vld [tilespmem:s9+$0xFFFFFFC0]  }
0x12c: {  	v4 =	vld [tilespmem:s8+$0xFFFFFFE0];
	vm1 =	vgt.f32 v13, $0.0e+00;
	v19 =	vadd.f32 v19, v5  }
0x12d: {  	v6 =	vld [tilespmem:s8+$0x0];
	v10 =	vpop (erf);
	v28 =	vsel vm0, v11, v14;
	v11 =	vsel vm1, v13, v24;
	v24 =	vmul.f32 $2.000000030e-01, v27  }
0x12e: {  	v7 =	vld [tilespmem:s8+$0x10];
	v26 =	vmul.f32 v12, v14;
	v13 =	vpop (erf);
	vm1 =	vgt.f32 v27, $0.0e+00;
	v16 =	vsub.f32 v11, v16  }
0x12f: {  	v12 =	vperm.xlane v10, v1;
	v10 =	vld [tilespmem:s9+$0xFFFFFFA0];
	v14 =	vperm.xlane v13, v1;
	v24 =	vsel vm1, v27, v24  }
0x130: {  	v13 =	vld [tilespmem:s9+$0xFFFFFFD0];
	v11 =	vpop (erf);
	v32 =	vadd.f32 v21, v9;
	v16 =	vmul.f32 $1.442695020e+00, v16;
	v21 =	vmul.f32 $2.000000030e-01, v19  }
0x131: {  	[tilespmem:s8+$0x30] =	vst v23;
	vm1 =	vgt.f32 v19, $0.0e+00;
	v23 =	vmul.f32 v14, v18;
	v18 =	vld [tilespmem:s9+$0x40];
	v31 =	vperm.xlane v11, v1  }
0x132: {  	v24 =	vsub.f32 v24, v29;
	v11 =	vld [tilespmem:s9+$0xFFFFFFB0];
	(erf) = vpow2.f32 v16;
	v33 =	vmul.f32 $2.000000030e-01, v32  }
0x133: {  	v19 =	vsel vm1, v19, v21;
	vm1 =	vgt.f32 v32, $0.0e+00;
	v16 =	vld [tilespmem:s9+$0x0];
	v21 =	vmul.f32 v12, v17  }
0x134: {  	v27 =	vmul.f32 v31, v15;
	v15 =	vld [tilespmem:s9+$0xFFFFFFE0];
	v30 =	vsub.f32 v19, v30;
	v29 =	vsel vm1, v32, v33  }
0x135: {  	[tilespmem:s8+$0x40] =	vst v26;
	v17 =	vld [tilespmem:s9+$0x10];
	v24 =	vmul.f32 $1.442695020e+00, v24;
	v20 =	vmul.f32 v20, v31;
	v25 =	vsub.f32 v29, v25  }
0x136: {  	s11 =	simm.s32 $0x4;
	s12 =	simm.s32 $0x3760;
	[tilespmem:s8+$0x50] =	vst v28;
	v19 =	vld [tilespmem:s9+$0x30];
	v22 =	vmul.f32 v22, v31;
	v26 =	vmul.f32 $1.442695020e+00, v30;
	v27 =	vsel vm0, v27, v31  }
.LBB2_7:
0x137: {  	v28 =	vld [tilespmem:s12+$0x50];
	v25 =	vmul.f32 $1.442695020e+00, v25;
	s10 =	sadd.s32 $0x80, s10;
	(erf) = vpow2.f32 v24;
	[tilespmem:s8+$0xFFFFFFC0] =	vst v27;
	v21 =	vsel vm0, v21, v12  }
0x138: {  	s11 =	sadd.s32 $0x4, s11;
	v24 =	vld [tilespmem:s10+$0x20];
	(erf) = vpow2.f32 v26;
	v26 =	vmul.f32 v3, v12;
	[tilespmem:s8+$0xFFFFFFF0] =	vst v21;
	v21 =	vsel vm0, v23, v14;
	v3 =	vmovc v13  }
0x139: {  	p0 =	slt.u32 s11, $0x3C;
	v12 =	vmul.f32 v4, v12;
	v4 =	vmov v15;
	v13 =	vld [tilespmem:s10+$0xFFFFFFC0];
	(erf) = vpow2.f32 v25;
	[tilespmem:s8+$0x20] =	vst v21  }
0x13a: {  	v15 =	vmul.f32 v6, v14;
	v14 =	vmul.f32 v7, v14;
	v6 =	vmovc v16;
	v7 =	vmov v17;
	v23 =	vld [tilespmem:s12+$0xFFFFFFF0];
	[tilespmem:s8+$0xFFFFFFA0] =	vst v20  }
0x13b: {  	v16 =	vld [tilespmem:s10+$0xFFFFFFE0];
	v17 =	vpop (erf);
	[tilespmem:s8+$0xFFFFFFB0] =	vst v22  }
0x13c: {  	v20 =	vld [tilespmem:s12+$0x20];
	v17 =	vperm.xlane v17, v1;
	[tilespmem:s8+$0xFFFFFFD0] =	vst v26  }
0x13d: {  	v21 =	vld [tilespmem:s10+$0x30];
	v22 =	vadd.f32 v24, v28;
	[tilespmem:s8+$0xFFFFFFE0] =	vst v12  }
0x13e: {  	v24 =	vld [tilespmem:s10+$0x0];
	v27 =	vmul.f32 v19, v17;
	v19 =	vmul.f32 v17, v8;
	[tilespmem:s8+$0x0] =	vst v15;
	v8 =	vmov v28  }
0x13f: {  	v28 =	vmul.f32 v18, v17;
	v15 =	vld [tilespmem:s12+$0xFFFFFFC0];
	v25 =	vmul.f32 $2.000000030e-01, v22;
	[tilespmem:s8+$0x10] =	vst v14;
	s8 =	smov.u32 s9;
	s9 =	smov.u32 s12  }
0x140: {  	vm1 =	vgt.f32 v22, $0.0e+00;
	v26 =	vld [tilespmem:s10+$0xFFFFFFD0];
	v16 =	vadd.f32 v16, v23;
	[tilespmem:s8+$0x30] =	vst v27;
	v27 =	vsel vm0, v19, v17;
	v12 =	vpop (erf)  }
0x141: {  	v17 =	vld [tilespmem:s10+$0xFFFFFFF0];
	v19 =	vsel vm1, v22, v25;
	v12 =	vperm.xlane v12, v1;
	[tilespmem:s8+$0x50] =	vst v27;
	v14 =	vpop (erf)  }
0x142: {  	vm1 =	vgt.f32 v16, $0.0e+00;
	v22 =	vmul.f32 $2.000000030e-01, v16;
	v25 =	vld [tilespmem:s10+$0x10];
	v19 =	vsub.f32 v19, v21;
	[tilespmem:s8+$0x40] =	vst v28;
	v18 =	vpop (erf)  }
0x143: {  	v14 =	vperm.xlane v14, v1;
	v27 =	vld [tilespmem:s12+$0xFFFFFFA0];
	v21 =	vadd.f32 v24, v20;
	v28 =	vperm.xlane v18, v1  }
0x144: {  	v18 =	vadd.f32 v13, v15;
	v29 =	vld [tilespmem:s12+$0xFFFFFFB0];
	v16 =	vsel vm1, v16, v22;
	v19 =	vmul.f32 $1.442695020e+00, v19  }
0x145: {  	v13 =	vld [tilespmem:s12+$0xFFFFFFD0];
	vm1 =	vgt.f32 v21, $0.0e+00;
	v22 =	vmul.f32 $2.000000030e-01, v21;
	v30 =	vmul.f32 v28, v9;
	v9 =	vmovc v15  }
.Ltmp2:
0x146: {  	vm2 =	vgt.f32 v18, $0.0e+00;
	v24 =	vmul.f32 $2.000000030e-01, v18;
	v15 =	vld [tilespmem:s12+$0xFFFFFFE0];
	(erf) = vpow2.f32 v19;
	(pc) =	sbr.rel @p0 .LBB2_7-.Ltmp2, $4  }
0x147: {  	v19 =	vsub.f32 v16, v17;
	v17 =	vsel vm1, v21, v22;
	v16 =	vld [tilespmem:s12+$0x0];
	v21 =	vmul.f32 v12, v2;
	v2 =	vmovc v23  }
0x148: {  	v23 =	vmul.f32 v14, v5;
	v5 =	vmovc v20;
	v18 =	vsel vm2, v18, v24;
	v22 =	vsub.f32 v17, v25;
	v17 =	vld [tilespmem:s12+$0x10]  }
0x149: {  	v20 =	vmul.f32 v10, v28;
	v24 =	vmul.f32 $1.442695020e+00, v19;
	v10 =	vmovc v27;
	v25 =	vsub.f32 v18, v26;
	v19 =	vld [tilespmem:s12+$0x30]  }
0x14a: {  	v27 =	vsel vm0, v30, v28;
	s12 =	sadd.s32 $0xC0, s12;
	v26 =	vmul.f32 $1.442695020e+00, v22;
	v18 =	vld [tilespmem:s9+$0x40];
	v22 =	vmul.f32 v11, v28;
	v11 =	vmovc v29  }
0x14b: {  	(erf) = vpow2.f32 v24  }
0x14c: {  	v25 =	vmul.f32 $1.442695020e+00, v25;
	(erf) = vpow2.f32 v26  }
0x14d: {  	[tilespmem:s8+$0xFFFFFFC0] =	vst v27  }
0x14e: {  	v21 =	vsel vm0, v21, v12;
	[tilespmem:s8+$0xFFFFFFA0] =	vst v20;
	(erf) = vpow2.f32 v25  }
0x14f: {  	v47 =	vsel vm0, v23, v14;
	[tilespmem:s8+$0xFFFFFFF0] =	vst v21  }
0x150: {  	v3 =	vmul.f32 v3, v12;
	[tilespmem:s8+$0x20] =	vst v47  }
0x151: {  	v4 =	vmul.f32 v4, v12;
	[tilespmem:s8+$0xFFFFFFB0] =	vst v22;
	v48 =	vpop (erf)  }
0x152: {  	v6 =	vmul.f32 v6, v14;
	[tilespmem:s8+$0xFFFFFFD0] =	vst v3;
	v49 =	vperm.xlane v48, v1  }
0x153: {  	v7 =	vmul.f32 v7, v14;
	[tilespmem:s8+$0xFFFFFFE0] =	vst v4  }
0x154: {  	[tilespmem:s8+$0x0] =	vst v6;
	v51 =	vmul.f32 v19, v49;
	v8 =	vmul.f32 v49, v8;
	v50 =	vpop (erf)  }
0x155: {  	[tilespmem:s8+$0x10] =	vst v7;
	v54 =	vmul.f32 v18, v49;
	v3 =	vpop (erf);
	v55 =	vperm.xlane v50, v1  }
0x156: {  	[tilespmem:s9+$0x30] =	vst v51;
	v3 =	vperm.xlane v3, v1  }
0x157: {  	v56 =	vsel vm0, v8, v49;
	[tilespmem:s9+$0x40] =	vst v54;
	v52 =	vpop (erf);
	v2 =	vmul.f32 v55, v2;
	v62 =	vmul.f32 v15, v55  }
0x158: {  	[tilespmem:s9+$0x50] =	vst v56;
	v53 =	vperm.xlane v52, v1  }
0x159: {  	v58 =	vmul.f32 v3, v5;
	v63 =	vmul.f32 v16, v3;
	v2 =	vsel vm0, v2, v55;
	[tilespmem:s9+$0xFFFFFFE0] =	vst v62  }
0x15a: {  	[tilespmem:s9+$0xFFFFFFF0] =	vst v2  }
0x15b: {  	v60 =	vmul.f32 v10, v53;
	v2 =	vsel vm0, v58, v3;
	[tilespmem:s9+$0x0] =	vst v63  }
0x15c: {  	v61 =	vmul.f32 v11, v53;
	[tilespmem:s9+$0x20] =	vst v2  }
0x15d: {  	v57 =	vmul.f32 v53, v9;
	v2 =	vmul.f32 v13, v55;
	[tilespmem:s9+$0xFFFFFFA0] =	vst v60  }
0x15e: {  	[tilespmem:s9+$0xFFFFFFB0] =	vst v61  }
0x15f: {  	s7 =	sadd.s32 $0x1, s7;
	v59 =	vsel vm0, v57, v53;
	[tilespmem:s9+$0xFFFFFFD0] =	vst v2;
	v2 =	vmul.f32 v17, v3  }
0x160: {  	p0 =	sne.s32 s7, $0x51;
	[tilespmem:s9+$0xFFFFFFC0] =	vst v59  }
.Ltmp3:
0x161: {  	[tilespmem:s9+$0x10] =	vst v2;
	(pc) =	sbr.rel @p0 .LBB2_4-.Ltmp3, $4  }
0x162: {  	[spmem:s2] =	stream.indirect.scatter.add.f32 [tilespmem:s26], [sflag:$0x5], $0x30, s28, s21, $0xb8;
	[tilespmem:$0xC6B0] =	vst v63  }
0x163: {  	_ =	swait.ge [sflag:s20], $0xC00  }
0x164: {  	[sflag:s20] =	ssyncset.done $0x0  }
0x165: {  	[sflag:s20] =	ssyncadd.s32 $0xFFFFF400  }
0x166: {  	_ =	swait.ge [sflag:s30], $0xC00  }
0x167: {  	[sflag:s30] =	ssyncset.done $0x0  }
0x168: {  	[sflag:s30] =	ssyncadd.s32 $0xFFFFF400  }
0x169: {  	s7 =	stileid.u32;
	_ =	swait.ge [sflag:s31], $0x800  }
0x16a: {  	s8 =	sshrl.u32 s6, $0x3;
	s3 =	sadd.s32 $0x1, s3;
	[sflag:s31] =	ssyncset.done $0x0  }
0x16b: {  	s7 =	sshll.u32 s7, $0x6;
	p0 =	sne.s32 s3, s18;
	[sflag:s31] =	ssyncadd.s32 $0xFFFFF800  }
.Ltmp4:
0x16c: {  	s7 =	sor.u32 $0x1C05, s7;
	[bflag:$0x0] =	sbarrier.arrive $0xFFFF;
	(pc) =	sbr.rel @p0 .LBB2_1-.Ltmp4, $4  }
0x16d: {  	[hbm:s17], [sflag:s7] =	dma.local [spmem:s8], $0xEA6  }
0x16e: {  	_ =	swait.ge [sflag:s20], $0xEA6  }
0x16f: {  	[sflag:s20] =	ssyncset.done $0x0  }
0x170: {  	[sflag:s20] =	ssyncadd.s32 $0xFFFFF15A  }
0x171: {  	_ =	sfence.sel $0x180000  }
0x172: {  	[bflag:$0x0] =	sbarrier.arrive $0xFFFF  }
0x173: {  	_ =	strace $0x9000004A  }
0x174: {  	s0 =	stileid.u32;
	[bflag:$0x2] =	sbarrier.arrive $0xFFFF  }
0x175: {  	p0 =	sne.s32 s0, $0x0;
	s0 =	rddreg [dreg:$0x3]  }
0x176: {  	s0 =	sadd.s32 @!p0 $0x100000, s0  }
0x177: {  	[sflag:s0] =	ssyncadd.tile.s32 @!p0 $0x1;
	_ =	shalt  }
.Lfunc_end2:
_tile_overlayer_lowered:
.L_overlay_start_2:
0x178: {  	(tag) =	ssettag $0x2  }
0x179: {  	s0 =	rddreg [dreg:$0x0];
	s2 =	stileid.u32  }
0x17a: {  	s1 =	rddreg [dreg:$0x1];
	p0 =	sne.s32 s2, $0x0  }
0x17b: {  	s3 =	rddreg [dreg:$0x2];
	[bflag:$0x3] =	sbarrier.arrive $0xFFFF;
	s2 =	simm.s32 @!p0 $0x1C05  }
0x17c: {  	[timem:s3], [sflag:s2] =	dma.local @!p0 [hbm:s0], s1  }
0x17d: {  	s0 =	simm.s32 @!p0 $0x5  }
0x17e: {  	_ =	swait.ge @!p0 [sflag:s0], s1  }
0x17f: {  	s1 =	ssub.s32 @!p0 $0x0, s1;
	[sflag:s0] =	ssyncset.done @!p0 $0x0  }
0x180: {  	[sflag:s0] =	ssyncadd.s32 @!p0 s1  }
0x181: {  	[bflag:$0x3] =	sbarrier.arrive $0xFFFF  }
0x182: {  	_ =	shalt  }

// kernel: kernel.7.cloned.1.call-start
scs
__scs_entry_jumppad:
0x0: {  	(pc) =	sbr.rel $0x88, $3  }
0x1: {  	(tag) =	ssettag $0x0;
	lr =	simm.s32 $0x1  }
0x2: {  	[smem:$0x3F97] =	sst lr;
	_ =	strace $0xD0000000  }
0x3: {  	_ = 	snop  }
0x4: {  	_ = 	snop  }
0x5: {  	_ = 	snop  }
0x6: {  	_ = 	snop  }
0x7: {  	_ = 	snop  }
__scs_overlays_trampoline_lowered:
0x8: {  	[smem:$0x3FA6] =	sst s0  }
0x9: {  	[smem:$0x3FA7] =	sst s1  }
0xa: {  	[smem:$0x3FA8] =	sst s2  }
0xb: {  	[smem:$0x3FA9] =	sst s3  }
0xc: {  	[smem:$0x3FAA] =	sst s4  }
0xd: {  	[smem:$0x3FAB] =	sst s5  }
0xe: {  	[smem:$0x3FAC] =	sst s6  }
0xf: {  	[smem:$0x3FAD] =	sst s7  }
0x10: {  	[smem:$0x3FAE] =	sst s8  }
0x11: {  	[smem:$0x3FAF] =	sst s9;
	s0 =	simm.s32 @!p0 $0x0  }
0x12: {  	s1 =	sld [smem:$0x3F95];
	s0 =	simm.s32 @p0 $0x1  }
0x13: {  	[smem:$0x3FB0] =	sst s0;
	s0 =	simm.s32 @!p1 $0x0  }
0x14: {  	s2 =	sld [smem:$0x3F94];
	s0 =	simm.s32 @p1 $0x1  }
0x15: {  	[smem:$0x3FB1] =	sst s0;
	s0 =	simm.s32 @!p2 $0x0  }
0x16: {  	s3 =	sld [smem:$0x3FDB];
	s0 =	simm.s32 @p2 $0x1  }
0x17: {  	s4 =	simm.s32 $0x1BF5;
	[smem:$0x3FB3] =	sst s0  }
0x18: {  	s0 =	sld [smem:$0x3F96];
	_ =	swait.ge [sflag:s4], $0x0  }
0x19: {  	s7 =	sld [smem:$0x3F97]  }
0x1a: {  	s8 =	sadd.s32 $0xFFFFE003, lr  }
0x1b: {  	s9 =	sadd.s32 $0xFFFFFEF7, lr;
	s5 =	simm.s32 $0xFFFFFFFF;
	p2 =	slt.u32 s8, $0xFFFFF086  }
0x1c: {  	p1 =	slt.u32 s9, $0xF7A;
	s5 =	simm.s32 @!p2 $0x0  }
0x1d: {  	s5 =	simm.s32 @p1 $0x1;
	p0 =	seq.s32 s7, s2  }
0x1e: {  	s7 =	smul.u32 @!p0 $0xF7A, s2;
	p2 =	seq.s32 @!p0 s5, $0x0  }
0x1f: {  	s9 =	smul.u32 $0xF7A, s1;
	s8 =	simm.s32 @!p0 $0x1BF5;
	p2 =	por !p2, p0  }
0x20: {  	[sflag:s8] =	ssyncset.s32 @!p0 $0xFFFFF086;
	s6 =	sadd.s32 @!p0 s3, s7;
	s7 =	simm.s32 @!p0 $0x108  }
0x21: {  	s3 =	sadd.s32 s3, s9;
	s6 =	sadd.s32 @!p0 $0x88, s6;
	s7 =	simm.s32 @p2 $0x1082  }
0x22: {  	[simem:s7], [sflag:s8] =	dma.local @!p0 [hbm:s6], $0xF7A  }
0x23: {  	s9 =	sor.u32 $0xD0000000, s2;
	s6 =	simm.s32 $0x108;
	_ =	swait.ge @!p0 [sflag:s8], $0x0  }
0x24: {  	s3 =	sadd.s32 $0x88, s3;
	s6 =	simm.s32 @!p1 $0x1082;
	[sflag:s4] =	ssyncset.s32 $0xFFFFF086  }
0x25: {  	[simem:s6], [sflag:s4] =	dma.local [hbm:s3], $0xF7A  }
0x26: {  	[smem:$0x3F97] =	sst s1;
	(tag) =	ssettag s2;
	_ =	strace s9  }
0x27: {  	s1 =	sld [smem:$0x3FA7]  }
0x28: {  	s2 =	sld [smem:$0x3FA8]  }
0x29: {  	s4 =	sld [smem:$0x3FAA]  }
0x2a: {  	p0 =	seq.s32 s5, $0x0;
	s5 =	sld [smem:$0x3FAB]  }
0x2b: {  	s6 =	sld [smem:$0x3FAC]  }
0x2c: {  	s7 =	sld [smem:$0x3FAD]  }
0x2d: {  	s3 =	simm.s32 $0x108;
	s8 =	sld [smem:$0x3FAE]  }
0x2e: {  	s3 =	simm.s32 @!p0 $0x1082;
	s9 =	sld [smem:$0x3FAF]  }
0x2f: {  	lr =	sadd.s32 s0, s3;
	s0 =	sld [smem:$0x3FA6]  }
0x30: {  	s3 =	sld [smem:$0x3FA9]  }
0x31: {  	[smem:$0x3FB2] =	sst s10  }
0x32: {  	s10 =	sld [smem:$0x3FB0];
	_ =	sdelay $0x3  }
0x33: {  	p0 =	seq.s32 s10, $0x1;
	s10 =	sld [smem:$0x3FB2];
	_ =	sdelay $0x3  }
0x34: {  	[smem:$0x3FB2] =	sst s10  }
0x35: {  	s10 =	sld [smem:$0x3FB1];
	_ =	sdelay $0x3  }
0x36: {  	p1 =	seq.s32 s10, $0x1;
	s10 =	sld [smem:$0x3FB2];
	_ =	sdelay $0x3  }
0x37: {  	[smem:$0x3FB2] =	sst s10  }
0x38: {  	s10 =	sld [smem:$0x3FB3]  }
0x39: {  	_ = 	snop;
	(pc) =	sbr.ind lr, $3  }
0x3a: {  	_ = 	snop  }
0x3b: {  	_ = 	snop  }
0x3c: {  	p2 =	seq.s32 s10, $0x1;
	s10 =	sld [smem:$0x3FB2]  }
0x3d: {  	_ =	shalt  }
0x3e: {  	_ =	shalt  }
0x3f: {  	_ =	shalt  }
0x40: {  	_ =	shalt  }
0x41: {  	_ =	shalt  }
0x42: {  	_ =	shalt  }
0x43: {  	_ =	shalt  }
0x44: {  	_ =	shalt  }
0x45: {  	_ =	shalt  }
0x46: {  	_ =	shalt  }
0x47: {  	_ =	shalt  }
0x48: {  	_ =	shalt  }
0x49: {  	_ =	shalt  }
0x4a: {  	_ =	shalt  }
0x4b: {  	_ =	shalt  }
0x4c: {  	_ =	shalt  }
0x4d: {  	_ =	shalt  }
0x4e: {  	_ =	shalt  }
0x4f: {  	_ =	shalt  }
0x50: {  	_ =	shalt  }
0x51: {  	_ =	shalt  }
0x52: {  	_ =	shalt  }
0x53: {  	_ =	shalt  }
0x54: {  	_ =	shalt  }
0x55: {  	_ =	shalt  }
0x56: {  	_ =	shalt  }
0x57: {  	_ =	shalt  }
0x58: {  	_ =	shalt  }
0x59: {  	_ =	shalt  }
0x5a: {  	_ =	shalt  }
0x5b: {  	_ =	shalt  }
0x5c: {  	_ =	shalt  }
0x5d: {  	_ =	shalt  }
0x5e: {  	_ =	shalt  }
0x5f: {  	_ =	shalt  }
0x60: {  	_ =	shalt  }
0x61: {  	_ =	shalt  }
0x62: {  	_ =	shalt  }
0x63: {  	_ =	shalt  }
0x64: {  	_ =	shalt  }
0x65: {  	_ =	shalt  }
0x66: {  	_ =	shalt  }
0x67: {  	_ =	shalt  }
0x68: {  	_ =	shalt  }
0x69: {  	_ =	shalt  }
0x6a: {  	_ =	shalt  }
0x6b: {  	_ =	shalt  }
0x6c: {  	_ =	shalt  }
0x6d: {  	_ =	shalt  }
0x6e: {  	_ =	shalt  }
0x6f: {  	_ =	shalt  }
0x70: {  	_ =	shalt  }
0x71: {  	_ =	shalt  }
0x72: {  	_ =	shalt  }
0x73: {  	_ =	shalt  }
0x74: {  	_ =	shalt  }
0x75: {  	_ =	shalt  }
0x76: {  	_ =	shalt  }
0x77: {  	_ =	shalt  }
0x78: {  	_ =	shalt  }
0x79: {  	_ =	shalt  }
0x7a: {  	_ =	shalt  }
0x7b: {  	_ =	shalt  }
0x7c: {  	_ =	shalt  }
0x7d: {  	_ =	shalt  }
0x7e: {  	_ =	shalt  }
0x7f: {  	_ =	shalt  }
0x80: {  	_ =	shalt  }
0x81: {  	_ =	shalt  }
0x82: {  	_ =	shalt  }
0x83: {  	_ =	shalt  }
0x84: {  	_ =	shalt  }
0x85: {  	_ =	shalt  }
0x86: {  	_ =	shalt  }
0x87: {  	_ =	shalt  }
.Lfunc_end0:
.L_simem_size_0:
called_computation_lowered:
.L_overlay_start_0:
0x88: {  	s2 =	sld [smem:$0x3FD9]  }
0x89: {  	s3 =	sld [smem:$0x3FFE];
	_ =	sdelay $0x1  }
0x8a: {  	s1 =	srdreg.scid  }
0x8b: {  	s0 =	sand.u32 $0x1, s1  }
0x8c: {  	s17 =	sshll.u32 s0, $0xA;
	s2 =	sadd.s32 s3, s2  }
0x8d: {  	s2 =	sadd.s32 s2, s17  }
0x8e: {  	[smem:$0x3FBE] =	sst s2  }
0x8f: {  	_ = 	snop  }
0x90: {  	s2 =	sld [smem:$0x3FD0];
	(tm) =	ssettm $0x1  }
0x91: {  	s18 =	sld [smem:$0x3FFB];
	_ =	sdelay $0x3  }
0x92: {  	_ =	strace s18  }
0x93: {  	s3 =	sld [smem:$0x3FFC];
	_ =	sdelay $0x3  }
0x94: {  	_ =	strace s3  }
0x95: {  	s3 =	sld [smem:$0x3FFD];
	_ =	sdelay $0x3  }
0x96: {  	_ =	strace s3  }
0x97: {  	_ =	strace $0x8FFFFFFF  }
0x98: {  	s19 =	sld [smem:$0x3FDB];
	_ =	sdelay $0x1  }
0x99: {  	s4 =	simm.s32 $_scs_section_size  }
0x9a: {  	s5 =	simm.s32 $_size__tile_overlayer_lowered;
	s6 =	simm.s32 $_tile_overlayer_lowered  }
0x9b: {  	s22 =	simm.s32 $0x1BFF;
	s21 =	sshll.u32 s6, $0x1;
	s3 =	sadd.s32 s4, s19  }
0x9c: {  	s7 =	simm.s32 $0x0;
	s20 =	sshll.u32 s5, $0x1;
	s5 =	sadd.s32 s21, s3  }
0x9d: {  	[timem:s7], [sflag:s22] =	dma.local [hbm:s5], s20  }
0x9e: {  	_ =	swait.ge [sflag:s22], s20  }
0x9f: {  	s4 =	ssub.s32 $0x0, s20;
	[sflag:s22] =	ssyncset.done $0x0  }
0xa0: {  	[sflag:s22] =	ssyncadd.s32 s4;
	_ =	sdelay $0x1  }
0xa1: {  	s23 =	simm.s32 $0x1B8B  }
0xa2: {  	_ =	swait.ge [sflag:s23], $0x1  }
0xa3: {  	[sflag:s23] =	ssyncset.done $0x0  }
0xa4: {  	s25 =	simm.s32 $0x1B8E;
	s24 =	sld [smem:$0x3FFE];
	[sflag:s23] =	ssyncadd.s32 $0xFFFFFFFF  }
0xa5: {  	s26 =	simm.s32 $execute0_lowered;
	[smem:$0x3FD2] =	sst s25  }
0xa6: {  	s5 =	sshll.u32 s26, $0x1;
	_ =	strace $0x80000046;
	[dreg:$0x1] =	wrdreg $0xFFFFFFFF  }
0xa7: {  	s28 =	simm.s32 $_size_execute0_lowered;
	s3 =	sadd.s32 s3, s5;
	[dreg:$0x0] =	wrdreg $0x0  }
0xa8: {  	s5 =	sshll.u32 s28, $0x1;
	[dreg:$0x2] =	wrdreg s3  }
0xa9: {  	[dreg:$0x3] =	wrdreg s5  }
0xaa: {  	[dreg:$0x4] =	wrdreg $0xC0  }
0xab: {  	_ =	task [dreg:s7], $0x5FFFF  }
0xac: {  	[dreg:$0x1] =	wrdreg $0xFFFFFFFF  }
0xad: {  	[dreg:$0x0] =	wrdreg $0x60  }
0xae: {  	[dreg:$0x2] =	wrdreg s24  }
0xaf: {  	[dreg:$0x3] =	wrdreg s2  }
0xb0: {  	[dreg:$0x4] =	wrdreg $0x81800  }
0xb1: {  	[dreg:$0x5] =	wrdreg $0x9  }
0xb2: {  	_ =	task.clear_ibuf [dreg:s7], $0x6FFFF;
	_ =	strace $0x90000046  }
0xb3: {  	s29 =	simm.s32 $0x9;
	_ =	strace $0x80000048  }
0xb4: {  	_ =	swait.ge [sflag:s29], $0x1  }
0xb5: {  	[sflag:s29] =	ssyncadd.s32 $0xFFFFFFFF  }
0xb6: {  	_ =	strace $0x90000048  }
0xb7: {  	_ =	sfence  }
0xb8: {  	s30 =	sld [smem:$0x0];
	_ =	sdelay $0x2  }
0xb9: {  	s31 =	sshll.u32 s1, $0xD;
	s1 =	sshrl.u32 s1, $0x2  }
0xba: {  	s3 =	sand.u32 $0x4000, s31;
	s1 =	sadd.s32 s1, s30  }
0xbb: {  	s0 =	sor.u32 s3, s0;
	s1 =	sshll.u32 s1, $0x11  }
0xbc: {  	s0 =	sor.u32 s1, s0  }
0xbd: {  	s0 =	sadd.s32 $0x8F2B, s0  }
0xbe: {  	[sflag:s0] =	ssyncadd.remote.s32 $0x1  }
0xbf: {  	_ =	sfence.sel $0xFFFF  }
0xc0: {  	[dreg:$0x0] =	wrdreg $0xFFFFFFFF;
	(pc) =	sbr.abs _section_cstart, $3  }
0xc1: {  	[dreg:$0x1] =	wrdreg $0xFFFFFFFF  }
0xc2: {  	_ =	task.clear_ibuf [dreg:s7], $0x2FFFF;
	_ =	strace $0x9FFFFFFF  }
0xc3: {  	(tm) =	ssettm $0x7FFFFFFF  }
tec
execute0_lowered:
.L_overlay_start_1:
0x0: {  	(tag) =	ssettag $0x1  }
0x1: {  	s0 =	rddreg [dreg:$0x0]  }
0x2: {  	s1 =	rddreg [dreg:$0x1];
	s3 =	srdreg.scid  }
0x3: {  	s11 =	stileid.u32;
	s2 =	rddreg [dreg:$0x2];
	s28 =	simm.s32 $0x2940  }
0x4: {  	s29 =	simm.s32 $0x7980;
	s30 =	simm.s32 $0x1;
	s7 =	smul.u32 $0x15F90, s11  }
0x5: {  	s31 =	simm.s32 $0x3;
	s6 =	sand.u32 $0x1, s3;
	s10 =	smul.u32 $0x57E40, s11  }
0x6: {  	s3 =	simm.s32 $0x0;
	s4 =	sadd.s32 $0x1800, s0;
	s5 =	smul.u32 $0x15F900, s6  }
0x7: {  	[smem:$0x7FF] =	sst s3;
	s9 =	ssub.s32 $0x2, s6;
	s6 =	sshll.u32 s6, $0x4  }
0x8: {  	_ =	strace $0x80000047;
	s18 =	sshrl.u32 s9, $0x1;
	s19 =	sshrl.u32 s10, $0x2  }
0x9: {  	s20 =	sor.u32 s11, s6;
	s6 =	sadd.s32 s7, s2;
	s5 =	sadd.s32 s7, s5  }
0xa: {  	s21 =	sadd.s32 s19, s2;
	s26 =	smul.u32 $0x510, s20;
	s19 =	simm.s32 $0x2980  }
0xb: {  	s20 =	simm.s32 $0x5;
	s8 =	sshrl.u32 s5, $0x3;
	s5 =	sadd.s32 $0x2D800, s0  }
0xc: {  	s22 =	sadd.s32 $0x4800, s21;
	s23 =	sadd.s32 $0x6C00, s21;
	s24 =	sadd.s32 $0x9000, s21  }
0xd: {  	s25 =	sadd.s32 $0xB400, s21;
	s12 =	sadd.s32 $0xD800, s21;
	[dreg:$0x5] =	wrdreg s22  }
0xe: {  	s13 =	sadd.s32 $0xFC00, s21;
	s14 =	sadd.s32 $0x12000, s21;
	[dreg:$0x6] =	wrdreg s23  }
0xf: {  	s15 =	sadd.s32 $0x14400, s21;
	s0 =	sadd.s32 s8, s0;
	[dreg:$0x7] =	wrdreg s24  }
0x10: {  	s8 =	ssub.s32 s9, s18;
	s9 =	sadd.s32 $0x2400, s21;
	[dreg:$0x8] =	wrdreg s25  }
0x11: {  	s16 =	sadd.s32 s1, s26;
	s21 =	simm.s32 $0x40;
	s22 =	simm.s32 $0x2880  }
0x12: {  	v0 =	vimm.f32 $0.0e+00;
	v41 =	vimm.s32 $0x1;
	s23 =	simm.s32 $0x2900;
	s24 =	simm.s32 $0x7180;
	s25 =	simm.s32 $0x28C0  }
0x13: {  	v51 =	vimm.s32 $0x2;
	v7 =	vimm.s32 $0x3;
	v30 =	vimm.s32 $0x4;
	s26 =	simm.s32 $0x4D80;
	s1 =	simm.s32 $0x2;
	[dreg:$0x4] =	wrdreg s9  }
0x14: {  	v37 =	vimm.s32 $0x5;
	v28 =	vimm.s32 $0x6;
	v15 =	vimm.s32 $0x7;
	s17 =	sadd.s32 $0x37600, s0;
	s18 =	smax.u32 s8, $0x1;
	s0 =	simm.s32 $0x4  }
.LBB2_1:
0x15: {  	s7 =	simm.s32 $0x2BC0  }
0x16: {  	[tilespmem:s7+$0xFFFFFDC0] =	vst v0  }
0x17: {  	[tilespmem:s7+$0x230] =	vst v0  }
0x18: {  	[tilespmem:s7+$0x220] =	vst v0  }
0x19: {  	[tilespmem:s7+$0x210] =	vst v0  }
0x1a: {  	[tilespmem:s7+$0x200] =	vst v0  }
0x1b: {  	[tilespmem:s7+$0x1F0] =	vst v0  }
0x1c: {  	[tilespmem:s7+$0x1E0] =	vst v0  }
0x1d: {  	[tilespmem:s7+$0x1D0] =	vst v0  }
0x1e: {  	[tilespmem:s7+$0x1C0] =	vst v0  }
0x1f: {  	[tilespmem:s7+$0x1B0] =	vst v0  }
0x20: {  	[tilespmem:s7+$0x1A0] =	vst v0  }
0x21: {  	[tilespmem:s7+$0x190] =	vst v0  }
0x22: {  	[tilespmem:s7+$0x180] =	vst v0  }
0x23: {  	[tilespmem:s7+$0x170] =	vst v0  }
0x24: {  	[tilespmem:s7+$0x160] =	vst v0  }
0x25: {  	[tilespmem:s7+$0x150] =	vst v0  }
0x26: {  	[tilespmem:s7+$0x140] =	vst v0  }
0x27: {  	[tilespmem:s7+$0x130] =	vst v0  }
0x28: {  	[tilespmem:s7+$0x120] =	vst v0  }
0x29: {  	[tilespmem:s7+$0x110] =	vst v0  }
0x2a: {  	[tilespmem:s7+$0x100] =	vst v0  }
0x2b: {  	[tilespmem:s7+$0xF0] =	vst v0  }
0x2c: {  	[tilespmem:s7+$0xE0] =	vst v0  }
0x2d: {  	[tilespmem:s7+$0xD0] =	vst v0  }
0x2e: {  	[tilespmem:s7+$0xC0] =	vst v0  }
0x2f: {  	[tilespmem:s7+$0xB0] =	vst v0  }
0x30: {  	[tilespmem:s7+$0xA0] =	vst v0  }
0x31: {  	[tilespmem:s7+$0x90] =	vst v0  }
0x32: {  	[tilespmem:s7+$0x80] =	vst v0  }
0x33: {  	[tilespmem:s7+$0x70] =	vst v0  }
0x34: {  	[tilespmem:s7+$0x60] =	vst v0  }
0x35: {  	[tilespmem:s7+$0x50] =	vst v0  }
0x36: {  	[tilespmem:s7+$0x40] =	vst v0  }
0x37: {  	[tilespmem:s7+$0x30] =	vst v0  }
0x38: {  	[tilespmem:s7+$0x20] =	vst v0  }
0x39: {  	[tilespmem:s7+$0x10] =	vst v0  }
0x3a: {  	[tilespmem:s7+$0x0] =	vst v0  }
0x3b: {  	[tilespmem:s7+$0xFFFFFFF0] =	vst v0  }
0x3c: {  	[tilespmem:s7+$0xFFFFFFE0] =	vst v0  }
0x3d: {  	[tilespmem:s7+$0xFFFFFFD0] =	vst v0  }
0x3e: {  	[tilespmem:s7+$0xFFFFFFC0] =	vst v0  }
0x3f: {  	[tilespmem:s7+$0xFFFFFFB0] =	vst v0  }
0x40: {  	[tilespmem:s7+$0xFFFFFFA0] =	vst v0  }
0x41: {  	[tilespmem:s7+$0xFFFFFF90] =	vst v0  }
0x42: {  	[tilespmem:s7+$0xFFFFFF80] =	vst v0  }
0x43: {  	[tilespmem:s7+$0xFFFFFF70] =	vst v0  }
0x44: {  	[tilespmem:s7+$0xFFFFFF60] =	vst v0  }
0x45: {  	[tilespmem:s7+$0xFFFFFF50] =	vst v0  }
0x46: {  	[tilespmem:s7+$0xFFFFFF40] =	vst v0  }
0x47: {  	[tilespmem:s7+$0xFFFFFF30] =	vst v0  }
0x48: {  	[tilespmem:s7+$0xFFFFFF20] =	vst v0  }
0x49: {  	[tilespmem:s7+$0xFFFFFF10] =	vst v0  }
0x4a: {  	[tilespmem:s7+$0xFFFFFF00] =	vst v0  }
0x4b: {  	[tilespmem:s7+$0xFFFFFEF0] =	vst v0  }
0x4c: {  	[tilespmem:s7+$0xFFFFFEE0] =	vst v0  }
0x4d: {  	[tilespmem:s7+$0xFFFFFED0] =	vst v0  }
0x4e: {  	[tilespmem:s7+$0xFFFFFEC0] =	vst v0  }
0x4f: {  	[tilespmem:s7+$0xFFFFFEB0] =	vst v0  }
0x50: {  	[tilespmem:s7+$0xFFFFFEA0] =	vst v0  }
0x51: {  	[tilespmem:s7+$0xFFFFFE90] =	vst v0  }
0x52: {  	[tilespmem:s7+$0xFFFFFE80] =	vst v0  }
0x53: {  	[tilespmem:s7+$0xFFFFFE70] =	vst v0  }
0x54: {  	[tilespmem:s7+$0xFFFFFE60] =	vst v0  }
0x55: {  	[tilespmem:s7+$0xFFFFFE50] =	vst v0  }
0x56: {  	[tilespmem:s7+$0xFFFFFE40] =	vst v0  }
0x57: {  	[tilespmem:s7+$0xFFFFFE30] =	vst v0  }
0x58: {  	[tilespmem:s7+$0xFFFFFE20] =	vst v0  }
0x59: {  	[tilespmem:s7+$0xFFFFFE10] =	vst v0  }
0x5a: {  	[tilespmem:s7+$0xFFFFFE00] =	vst v0  }
0x5b: {  	[tilespmem:s7+$0xFFFFFDF0] =	vst v0  }
0x5c: {  	s8 =	simm.s32 $0x0;
	[tilespmem:s7+$0xFFFFFDE0] =	vst v0  }
.LBB2_2:
0x5d: {  	s8 =	sadd.s32 $0x8, s8;
	[tilespmem:s7+$0xFFFFFDD0] =	vst v0;
	s7 =	sadd.s32 $0x480, s7  }
0x5e: {  	[tilespmem:s7+$0xFFFFFDC0] =	vst v0;
	p0 =	slt.u32 s8, $0x38  }
0x5f: {  	[tilespmem:s7+$0x230] =	vst v0  }
0x60: {  	[tilespmem:s7+$0x220] =	vst v0  }
0x61: {  	[tilespmem:s7+$0x210] =	vst v0  }
0x62: {  	[tilespmem:s7+$0x200] =	vst v0  }
0x63: {  	[tilespmem:s7+$0x1F0] =	vst v0  }
0x64: {  	[tilespmem:s7+$0x1E0] =	vst v0  }
0x65: {  	[tilespmem:s7+$0x1D0] =	vst v0  }
0x66: {  	[tilespmem:s7+$0x1C0] =	vst v0  }
0x67: {  	[tilespmem:s7+$0x1B0] =	vst v0  }
0x68: {  	[tilespmem:s7+$0x1A0] =	vst v0  }
0x69: {  	[tilespmem:s7+$0x190] =	vst v0  }
0x6a: {  	[tilespmem:s7+$0x180] =	vst v0  }
0x6b: {  	[tilespmem:s7+$0x170] =	vst v0  }
0x6c: {  	[tilespmem:s7+$0x160] =	vst v0  }
0x6d: {  	[tilespmem:s7+$0x150] =	vst v0  }
0x6e: {  	[tilespmem:s7+$0x140] =	vst v0  }
0x6f: {  	[tilespmem:s7+$0x130] =	vst v0  }
0x70: {  	[tilespmem:s7+$0x120] =	vst v0  }
0x71: {  	[tilespmem:s7+$0x110] =	vst v0  }
0x72: {  	[tilespmem:s7+$0x100] =	vst v0  }
0x73: {  	[tilespmem:s7+$0xF0] =	vst v0  }
0x74: {  	[tilespmem:s7+$0xE0] =	vst v0  }
0x75: {  	[tilespmem:s7+$0xD0] =	vst v0  }
0x76: {  	[tilespmem:s7+$0xC0] =	vst v0  }
0x77: {  	[tilespmem:s7+$0xB0] =	vst v0  }
0x78: {  	[tilespmem:s7+$0xA0] =	vst v0  }
0x79: {  	[tilespmem:s7+$0x90] =	vst v0  }
0x7a: {  	[tilespmem:s7+$0x80] =	vst v0  }
0x7b: {  	[tilespmem:s7+$0x70] =	vst v0  }
0x7c: {  	[tilespmem:s7+$0x60] =	vst v0  }
0x7d: {  	[tilespmem:s7+$0x50] =	vst v0  }
0x7e: {  	[tilespmem:s7+$0x40] =	vst v0  }
0x7f: {  	[tilespmem:s7+$0x30] =	vst v0  }
0x80: {  	[tilespmem:s7+$0x20] =	vst v0  }
0x81: {  	[tilespmem:s7+$0x10] =	vst v0  }
0x82: {  	[tilespmem:s7+$0x0] =	vst v0  }
0x83: {  	[tilespmem:s7+$0xFFFFFFF0] =	vst v0  }
0x84: {  	[tilespmem:s7+$0xFFFFFFE0] =	vst v0  }
0x85: {  	[tilespmem:s7+$0xFFFFFFD0] =	vst v0  }
0x86: {  	[tilespmem:s7+$0xFFFFFFC0] =	vst v0  }
0x87: {  	[tilespmem:s7+$0xFFFFFFB0] =	vst v0  }
0x88: {  	[tilespmem:s7+$0xFFFFFFA0] =	vst v0  }
0x89: {  	[tilespmem:s7+$0xFFFFFF90] =	vst v0  }
0x8a: {  	[tilespmem:s7+$0xFFFFFF80] =	vst v0  }
0x8b: {  	[tilespmem:s7+$0xFFFFFF70] =	vst v0  }
0x8c: {  	[tilespmem:s7+$0xFFFFFF60] =	vst v0  }
0x8d: {  	[tilespmem:s7+$0xFFFFFF50] =	vst v0  }
0x8e: {  	[tilespmem:s7+$0xFFFFFF40] =	vst v0  }
0x8f: {  	[tilespmem:s7+$0xFFFFFF30] =	vst v0  }
0x90: {  	[tilespmem:s7+$0xFFFFFF20] =	vst v0  }
0x91: {  	[tilespmem:s7+$0xFFFFFF10] =	vst v0  }
0x92: {  	[tilespmem:s7+$0xFFFFFF00] =	vst v0  }
0x93: {  	[tilespmem:s7+$0xFFFFFEF0] =	vst v0  }
0x94: {  	[tilespmem:s7+$0xFFFFFEE0] =	vst v0  }
0x95: {  	[tilespmem:s7+$0xFFFFFED0] =	vst v0  }
0x96: {  	[tilespmem:s7+$0xFFFFFEC0] =	vst v0  }
0x97: {  	[tilespmem:s7+$0xFFFFFEB0] =	vst v0  }
0x98: {  	[tilespmem:s7+$0xFFFFFEA0] =	vst v0  }
0x99: {  	[tilespmem:s7+$0xFFFFFE90] =	vst v0  }
0x9a: {  	[tilespmem:s7+$0xFFFFFE80] =	vst v0  }
0x9b: {  	[tilespmem:s7+$0xFFFFFE70] =	vst v0  }
0x9c: {  	[tilespmem:s7+$0xFFFFFE60] =	vst v0  }
0x9d: {  	[tilespmem:s7+$0xFFFFFE50] =	vst v0  }
0x9e: {  	[tilespmem:s7+$0xFFFFFE40] =	vst v0  }
0x9f: {  	[tilespmem:s7+$0xFFFFFE30] =	vst v0  }
.Ltmp0:
0xa0: {  	[tilespmem:s7+$0xFFFFFE20] =	vst v0;
	(pc) =	sbr.rel @p0 .LBB2_2-.Ltmp0, $4  }
0xa1: {  	[tilespmem:s7+$0xFFFFFE10] =	vst v0  }
0xa2: {  	[tilespmem:s7+$0xFFFFFE00] =	vst v0  }
0xa3: {  	[tilespmem:s7+$0xFFFFFDF0] =	vst v0  }
0xa4: {  	[tilespmem:s7+$0xFFFFFDE0] =	vst v0  }
0xa5: {  	[tilespmem:s7+$0xFFFFFDD0] =	vst v0  }
0xa6: {  	[spmem:s6] =	stream.linear.scatter [tilespmem:s19], [sflag:$0x5], $0x2400, $0x38;
	[tilespmem:$0x1E110] =	vst v63  }
0xa7: {  	_ =	swait.ge [sflag:s20], $0x2400  }
0xa8: {  	[sflag:s20] =	ssyncset.done $0x0  }
0xa9: {  	s11 =	rddreg [dreg:$0x4];
	[sflag:s20] =	ssyncadd.s32 $0xFFFFDC00  }
0xaa: {  	[spmem:s11] =	stream.linear.scatter [tilespmem:s19], [sflag:$0x5], $0x2400, $0x38;
	[tilespmem:$0x1E110] =	vst v63  }
0xab: {  	_ =	swait.ge [sflag:s20], $0x2400  }
0xac: {  	[sflag:s20] =	ssyncset.done $0x0  }
0xad: {  	s8 =	rddreg [dreg:$0x5];
	[sflag:s20] =	ssyncadd.s32 $0xFFFFDC00  }
0xae: {  	[spmem:s8] =	stream.linear.scatter [tilespmem:s19], [sflag:$0x5], $0x2400, $0x38;
	[tilespmem:$0x1E110] =	vst v63  }
0xaf: {  	_ =	swait.ge [sflag:s20], $0x2400  }
0xb0: {  	[sflag:s20] =	ssyncset.done $0x0  }
0xb1: {  	s9 =	rddreg [dreg:$0x6];
	[sflag:s20] =	ssyncadd.s32 $0xFFFFDC00  }
0xb2: {  	[spmem:s9] =	stream.linear.scatter [tilespmem:s19], [sflag:$0x5], $0x2400, $0x38;
	[tilespmem:$0x1E110] =	vst v63  }
0xb3: {  	_ =	swait.ge [sflag:s20], $0x2400  }
0xb4: {  	[sflag:s20] =	ssyncset.done $0x0  }
0xb5: {  	s10 =	rddreg [dreg:$0x7];
	[sflag:s20] =	ssyncadd.s32 $0xFFFFDC00  }
0xb6: {  	[spmem:s10] =	stream.linear.scatter [tilespmem:s19], [sflag:$0x5], $0x2400, $0x38;
	[tilespmem:$0x1E110] =	vst v63  }
0xb7: {  	_ =	swait.ge [sflag:s20], $0x2400  }
0xb8: {  	[sflag:s20] =	ssyncset.done $0x0  }
0xb9: {  	s11 =	rddreg [dreg:$0x8];
	[sflag:s20] =	ssyncadd.s32 $0xFFFFDC00  }
0xba: {  	[spmem:s11] =	stream.linear.scatter [tilespmem:s19], [sflag:$0x5], $0x2400, $0x38;
	[tilespmem:$0x1E110] =	vst v63  }
0xbb: {  	_ =	swait.ge [sflag:s20], $0x2400  }
0xbc: {  	[sflag:s20] =	ssyncset.done $0x0  }
0xbd: {  	[sflag:s20] =	ssyncadd.s32 $0xFFFFDC00  }
0xbe: {  	[spmem:s12] =	stream.linear.scatter [tilespmem:s19], [sflag:$0x5], $0x2400, $0x38;
	[tilespmem:$0x1E110] =	vst v63  }
0xbf: {  	_ =	swait.ge [sflag:s20], $0x2400  }
0xc0: {  	[sflag:s20] =	ssyncset.done $0x0  }
0xc1: {  	[sflag:s20] =	ssyncadd.s32 $0xFFFFDC00  }
0xc2: {  	[spmem:s13] =	stream.linear.scatter [tilespmem:s19], [sflag:$0x5], $0x2400, $0x38;
	[tilespmem:$0x1E110] =	vst v63  }
0xc3: {  	_ =	swait.ge [sflag:s20], $0x2400  }
0xc4: {  	[sflag:s20] =	ssyncset.done $0x0  }
0xc5: {  	[sflag:s20] =	ssyncadd.s32 $0xFFFFDC00  }
0xc6: {  	[spmem:s14] =	stream.linear.scatter [tilespmem:s19], [sflag:$0x5], $0x2400, $0x38;
	[tilespmem:$0x1E110] =	vst v63  }
0xc7: {  	_ =	swait.ge [sflag:s20], $0x2400  }
0xc8: {  	[sflag:s20] =	ssyncset.done $0x0  }
0xc9: {  	[sflag:s20] =	ssyncadd.s32 $0xFFFFDC00  }
0xca: {  	[spmem:s15] =	stream.linear.scatter [tilespmem:s19], [sflag:$0x5], $0x1B90, $0x38;
	[tilespmem:$0x1E110] =	vst v63  }
0xcb: {  	_ =	swait.ge [sflag:s20], $0x1B90  }
0xcc: {  	[sflag:s20] =	ssyncset.done $0x0  }
0xcd: {  	[sflag:s20] =	ssyncadd.s32 $0xFFFFE470  }
0xce: {  	s7 =	simm.s32 $0x0;
	[bflag:$0x0] =	sbarrier.arrive $0xFFFF  }
0xcf: {  	[tilespmem:s7], [sflag:$0x5] =	stream.linear.gather [hbm4b:s16+s7], $0x2880, $0x38;
	[tilespmem:$0x1E110] =	vst v63  }
0xd0: {  	_ =	swait.ge [sflag:s20], $0x2880  }
0xd1: {  	[sflag:s20] =	ssyncset.done $0x0  }
0xd2: {  	[sflag:s20] =	ssyncadd.s32 $0xFFFFD780  }
0xd3: {  	v56 =	vld [tilespmem:$0x0];
	_ =	sdelay $0x1  }
0xd4: {  	v1 =	vld [tilespmem:$0x10];
	_ =	sdelay $0x1  }
0xd5: {  	v2 =	vld [tilespmem:$0x20]  }
0xd6: {  	v3 =	vshrl.u32 v56, $0xE  }
0xd7: {  	v57 =	vld [tilespmem:$0x30];
	v0 =	vand.u32 $0x3FFF, v56;
	[tilespmem:$0x2880] =	vst v3  }
0xd8: {  	v58 =	vshrl.u32 v1, $0xE;
	[tilespmem:$0x2900] =	vst v0  }
0xd9: {  	v59 =	vand.u32 $0x3FFF, v1;
	[tilespmem:$0x2890] =	vst v58  }
0xda: {  	v60 =	vshrl.u32 v2, $0xE;
	[tilespmem:$0x2910] =	vst v59  }
0xdb: {  	v61 =	vand.u32 $0x3FFF, v2;
	[tilespmem:$0x28A0] =	vst v60  }
0xdc: {  	v62 =	vshrl.u32 v57, $0xE;
	[tilespmem:$0x2920] =	vst v61  }
0xdd: {  	v63 =	vand.u32 $0x3FFF, v57;
	[tilespmem:$0x28B0] =	vst v62  }
0xde: {  	[tilespmem:$0x2930] =	vst v63  }
0xdf: {  	[tilespmem:s19], [sflag:$0x1] =	stream.indirect.gather [hbm4b:s4+s21], $0x90, s22, s21, $0xb8;
	[tilespmem:$0x1E110] =	vst v63  }
0xe0: {  	_ = 	snop  }
0xe1: {  	[tilespmem:s24], [sflag:$0x3] =	stream.indirect.gather [hbm4b:s5+s21], $0x20, s23, s21, $0xb8;
	[tilespmem:$0x1E110] =	vst v63  }
.LBB2_4:
0xe2: {  	s8 =	sshll.u32 s7, $0x7  }
0xe3: {  	s8 =	sand.u32 $0x3FFFFF80, s8  }
0xe4: {  	v0 =	vld [tilespmem:s8+$0x40];
	_ =	sdelay $0x4  }
0xe5: {  	v1 =	vshrl.u32 v0, $0xE  }
0xe6: {  	v0 =	vand.u32 $0x3FFF, v0;
	[tilespmem:$0x28C0] =	vst v1  }
0xe7: {  	[tilespmem:$0x2940] =	vst v0  }
0xe8: {  	v0 =	vld [tilespmem:s8+$0x50];
	_ =	sdelay $0x4  }
0xe9: {  	v1 =	vshrl.u32 v0, $0xE  }
0xea: {  	v0 =	vand.u32 $0x3FFF, v0;
	[tilespmem:$0x28D0] =	vst v1  }
0xeb: {  	[tilespmem:$0x2950] =	vst v0  }
0xec: {  	v0 =	vld [tilespmem:s8+$0x60];
	_ =	sdelay $0x4  }
0xed: {  	v1 =	vshrl.u32 v0, $0xE  }
0xee: {  	v0 =	vand.u32 $0x3FFF, v0;
	[tilespmem:$0x28E0] =	vst v1  }
0xef: {  	[tilespmem:$0x2960] =	vst v0  }
0xf0: {  	v0 =	vld [tilespmem:s8+$0x70];
	_ =	sdelay $0x4  }
0xf1: {  	v1 =	vshrl.u32 v0, $0xE  }
0xf2: {  	v0 =	vand.u32 $0x3FFF, v0;
	[tilespmem:$0x28F0] =	vst v1  }
0xf3: {  	[tilespmem:$0x2970] =	vst v0  }
0xf4: {  	[tilespmem:s26], [sflag:$0x2] =	stream.indirect.gather [hbm4b:s4+s21], $0x90, s25, s21, $0xb8;
	[tilespmem:$0x1E110] =	vst v63  }
0xf5: {  	_ = 	snop  }
0xf6: {  	[tilespmem:s29], [sflag:$0x4] =	stream.indirect.gather [hbm4b:s5+s21], $0x20, s28, s21, $0xb8;
	[tilespmem:$0x1E110] =	vst v63  }
0xf7: {  	_ =	swait.ge [sflag:s30], $0x2400  }
0xf8: {  	[sflag:s30] =	ssyncset.done $0x0  }
0xf9: {  	[sflag:s30] =	ssyncadd.s32 $0xFFFFDC00  }
0xfa: {  	_ =	swait.ge [sflag:s31], $0x800  }
0xfb: {  	[sflag:s31] =	ssyncset.done $0x0  }
0xfc: {  	s8 =	simm.s32 $0x2AA0;
	[sflag:s31] =	ssyncadd.s32 $0xFFFFF800  }
0xfd: {  	s9 =	simm.s32 $0x71C0;
	v0 =	vld [tilespmem:s8+$0x110]  }
0xfe: {  	v1 =	vld [tilespmem:s9+$0x20]  }
0xff: {  	v2 =	vld [tilespmem:s9+$0xFFFFFFC0]  }
0x100: {  	v3 =	vld [tilespmem:s8+$0xFFFFFFF0]  }
0x101: {  	v4 =	vld [tilespmem:s9+$0xFFFFFFE0]  }
0x102: {  	v9 =	vld [tilespmem:s8+$0x80]  }
0x103: {  	v10 =	vld [tilespmem:s9+$0x30]  }
0x104: {  	v11 =	vld [tilespmem:s8+$0xFFFFFF60];
	v0 =	vadd.f32 v1, v0  }
0x105: {  	v13 =	vld [tilespmem:s9+$0xFFFFFFD0]  }
0x106: {  	v5 =	vld [tilespmem:s8+$0xFFFFFF10];
	v12 =	vmul.f32 $2.000000030e-01, v0  }
0x107: {  	v1 =	vld [tilespmem:s9+$0x0];
	vm0 =	vgt.f32 v0, $0.0e+00  }
0x108: {  	v31 =	vld [tilespmem:s8+$0xFFFFFEE0];
	v0 =	vsel vm0, v0, v12  }
0x109: {  	v3 =	vadd.f32 v4, v3;
	v4 =	vld [tilespmem:s9+$0xFFFFFFF0];
	v0 =	vsub.f32 v0, v10  }
0x10a: {  	v32 =	vld [tilespmem:s8+$0xFFFFFEF0]  }
0x10b: {  	v43 =	vld [tilespmem:s8+$0xFFFFFF00];
	v10 =	vmul.f32 $2.000000030e-01, v3;
	v0 =	vmul.f32 $1.442695020e+00, v0  }
0x10c: {  	vm14 =	vgt.f32 v3, $0.0e+00;
	v12 =	vld [tilespmem:s9+$0x10];
	[tilespmem:$0x1FFF0] =	vst v5;
	v1 =	vadd.f32 v1, v9  }
0x10d: {  	v2 =	vadd.f32 v2, v11;
	v16 =	vld [tilespmem:s8+$0xFFFFFF20];
	v3 =	vsel vm14, v3, v10;
	(erf) = vpow2.f32 v0  }
0x10e: {  	v17 =	vld [tilespmem:s8+$0xFFFFFF30];
	v9 =	vmul.f32 $2.000000030e-01, v1;
	v0 =	vsub.f32 v3, v4  }
0x10f: {  	v18 =	vld [tilespmem:s8+$0xFFFFFF40];
	vm15 =	vgt.f32 v1, $0.0e+00;
	v10 =	vmul.f32 $2.000000030e-01, v2  }
0x110: {  	vm1 =	vgt.f32 v2, $0.0e+00;
	v19 =	vld [tilespmem:s8+$0xFFFFFF50];
	v1 =	vsel vm15, v1, v9;
	v0 =	vmul.f32 $1.442695020e+00, v0  }
0x111: {  	v20 =	vld [tilespmem:s8+$0xFFFFFF70];
	v2 =	vsel vm1, v2, v10;
	v1 =	vsub.f32 v1, v12  }
0x112: {  	v21 =	vld [tilespmem:s8+$0xFFFFFF80];
	v2 =	vsub.f32 v2, v13;
	(erf) = vpow2.f32 v0  }
0x113: {  	v22 =	vld [tilespmem:s8+$0xFFFFFF90];
	v1 =	vmul.f32 $1.442695020e+00, v1  }
0x114: {  	v23 =	vld [tilespmem:s8+$0xFFFFFFA0];
	v2 =	vmul.f32 $1.442695020e+00, v2  }
0x115: {  	v24 =	vld [tilespmem:s8+$0xFFFFFFB0];
	(erf) = vpow2.f32 v1  }
0x116: {  	v8 =	vimm.s32 $0x0;
	v0 =	vld [tilespmem:s8+$0x100];
	(erf) = vpow2.f32 v2;
	v3 =	vpop (erf)  }
0x117: {  	v25 =	vld [tilespmem:s8+$0xFFFFFFC0];
	v14 =	vperm.xlane v3, v8  }
0x118: {  	v26 =	vld [tilespmem:s8+$0xFFFFFFD0];
	v1 =	vperm.xlane v3, v15;
	v15 =	vperm.xlane v3, v41  }
0x119: {  	v27 =	vld [tilespmem:s8+$0x0];
	v13 =	vperm.xlane v3, v51;
	v12 =	vperm.xlane v3, v7  }
0x11a: {  	v29 =	vld [tilespmem:s8+$0x20];
	v11 =	vperm.xlane v3, v30;
	v50 =	vperm.xlane v3, v37  }
0x11b: {  	v35 =	vld [tilespmem:s8+$0x30];
	v9 =	vperm.xlane v3, v28;
	v0 =	vmul.f32 v0, v1;
	v49 =	vpop (erf)  }
0x11c: {  	v36 =	vld [tilespmem:s8+$0x40];
	v45 =	vperm.xlane v49, v8;
	v44 =	vperm.xlane v49, v41  }
0x11d: {  	v33 =	vld [tilespmem:s8+$0xFFFFFFE0];
	v47 =	vperm.xlane v49, v51;
	v46 =	vperm.xlane v49, v7  }
0x11e: {  	v5 =	vimm.s32 $0x7;
	v38 =	vld [tilespmem:s8+$0x50];
	v10 =	vpop (erf);
	v62 =	vperm.xlane v49, v30;
	v61 =	vperm.xlane v49, v37  }
0x11f: {  	v39 =	vld [tilespmem:s8+$0x60];
	[tilespmem:s8+$0x110] =	vst v3;
	v59 =	vperm.xlane v49, v5;
	v48 =	vpop (erf);
	v57 =	vperm.xlane v10, v41  }
0x120: {  	v42 =	vld [tilespmem:s8+$0x70];
	[tilespmem:s8+$0x100] =	vst v0;
	v4 =	vperm.xlane v48, v8;
	v52 =	vperm.xlane v48, v41  }
0x121: {  	v40 =	vld [tilespmem:s8+$0x90];
	[tilespmem:s8+$0xFFFFFFF0] =	vst v49;
	v53 =	vperm.xlane v48, v51;
	v34 =	vperm.xlane v48, v7  }
0x122: {  	v6 =	vimm.s32 $0x6;
	v28 =	vld [tilespmem:s8+$0x10];
	[tilespmem:s8+$0x80] =	vst v10;
	v2 =	vperm.xlane v48, v30;
	v1 =	vperm.xlane v48, v37  }
0x123: {  	v0 =	vperm.xlane v48, v6;
	v63 =	vperm.xlane v48, v5;
	v41 =	vld [tilespmem:s8+$0xA0];
	[tilespmem:s8+$0xFFFFFF60] =	vst v48  }
0x124: {  	v48 =	vmul.f32 v43, v53;
	v53 =	vperm.xlane v10, v5;
	v5 =	vld [tilespmem:$0x1FFF0]  }
0x125: {  	v60 =	vperm.xlane v49, v6;
	v58 =	vperm.xlane v10, v8;
	v37 =	vld [tilespmem:s8+$0xB0]  }
0x126: {  	v56 =	vperm.xlane v10, v51;
	v54 =	vperm.xlane v10, v30;
	v30 =	vld [tilespmem:s8+$0xC0]  }
0x127: {  	v3 =	vimm.s32 $0x5;
	v55 =	vperm.xlane v10, v7;
	v4 =	vmul.f32 v31, v4;
	v31 =	vld [tilespmem:s8+$0xD0]  }
0x128: {  	v51 =	vperm.xlane v10, v3;
	v3 =	vmul.f32 v32, v52;
	v32 =	vld [tilespmem:s8+$0xE0]  }
0x129: {  	s10 =	simm.s32 $0x0;
	s11 =	simm.s32 $0x2CE0;
	v52 =	vperm.xlane v10, v6;
	v43 =	vmul.f32 v5, v34;
	v34 =	vld [tilespmem:s8+$0xF0]  }
.LBB2_5:
0x12a: {  	[tilespmem:s8+$0xFFFFFEE0] =	vst v4  }
0x12b: {  	s9 =	sadd.s32 $0x80, s9;
	[tilespmem:s8+$0xFFFFFEF0] =	vst v3  }
0x12c: {  	v2 =	vmul.f32 v16, v2;
	v16 =	vld [tilespmem:s9+$0xFFFFFFC0];
	[tilespmem:s8+$0xFFFFFF00] =	vst v48  }
0x12d: {  	v1 =	vmul.f32 v17, v1;
	[tilespmem:s8+$0xFFFFFF10] =	vst v43  }
0x12e: {  	v49 =	vld [tilespmem:s11+$0x110];
	v0 =	vmul.f32 v18, v0;
	[tilespmem:s8+$0xFFFFFF20] =	vst v2  }
0x12f: {  	v4 =	vld [tilespmem:s9+$0x20];
	v3 =	vmul.f32 v19, v63;
	[tilespmem:s8+$0xFFFFFF30] =	vst v1  }
0x130: {  	v17 =	vmul.f32 v20, v45;
	v19 =	vld [tilespmem:s11+$0xFFFFFFF0];
	[tilespmem:s8+$0xFFFFFF40] =	vst v0  }
0x131: {  	v18 =	vmul.f32 v21, v44;
	v20 =	vmul.f32 v22, v47;
	v22 =	vld [tilespmem:s9+$0xFFFFFFE0];
	[tilespmem:s8+$0xFFFFFF50] =	vst v3  }
0x132: {  	v15 =	vmul.f32 v41, v15;
	v5 =	vld [tilespmem:s11+$0xFFFFFEE0];
	[tilespmem:s8+$0xFFFFFF70] =	vst v17  }
0x133: {  	v21 =	vmul.f32 v23, v46;
	v2 =	vmul.f32 v24, v62;
	v24 =	vld [tilespmem:s11+$0x80];
	[tilespmem:s8+$0xFFFFFF80] =	vst v18  }
0x134: {  	v23 =	vmul.f32 v25, v61;
	v1 =	vmul.f32 v26, v60;
	v26 =	vld [tilespmem:s9+$0x30];
	v4 =	vadd.f32 v4, v49;
	[tilespmem:s8+$0xA0] =	vst v15  }
0x135: {  	v25 =	vmul.f32 v33, v59;
	v0 =	vmul.f32 v27, v58;
	v18 =	vld [tilespmem:s9+$0xFFFFFFF0];
	[tilespmem:s8+$0xFFFFFF90] =	vst v20  }
0x136: {  	v27 =	vmul.f32 v28, v57;
	v28 =	vld [tilespmem:s9+$0x0];
	[tilespmem:s8+$0xFFFFFFA0] =	vst v21;
	v60 =	vmul.f32 $2.000000030e-01, v4  }
0x137: {  	v36 =	vmul.f32 v36, v54;
	v59 =	vld [tilespmem:s11+$0xFFFFFF60];
	[tilespmem:s8+$0xFFFFFFC0] =	vst v23;
	vm0 =	vgt.f32 v4, $0.0e+00  }
0x138: {  	v61 =	vld [tilespmem:s9+$0xFFFFFFD0];
	[tilespmem:s8+$0xFFFFFFE0] =	vst v25;
	v4 =	vsel vm0, v4, v60  }
0x139: {  	v20 =	vld [tilespmem:s9+$0x10];
	[tilespmem:s8+$0x40] =	vst v36;
	v17 =	vadd.f32 v22, v19;
	v4 =	vsub.f32 v4, v26  }
0x13a: {  	v3 =	vmul.f32 v29, v56;
	v29 =	vmul.f32 v35, v55;
	v48 =	vld [tilespmem:s11+$0xFFFFFEF0];
	[tilespmem:s8+$0xFFFFFFB0] =	vst v2  }
0x13b: {  	v49 =	vld [tilespmem:s11+$0xFFFFFF00];
	[tilespmem:s8+$0xFFFFFFD0] =	vst v1;
	v19 =	vmul.f32 $2.000000030e-01, v17;
	v4 =	vmul.f32 $1.442695020e+00, v4  }
0x13c: {  	v43 =	vld [tilespmem:s11+$0xFFFFFF10];
	v2 =	vmul.f32 v40, v14;
	[tilespmem:s8+$0x0] =	vst v0;
	vm14 =	vgt.f32 v17, $0.0e+00;
	v21 =	vadd.f32 v28, v24  }
0x13d: {  	[tilespmem:s8+$0x10] =	vst v27;
	v23 =	vld [tilespmem:s11+$0xFFFFFFA0];
	v14 =	vadd.f32 v16, v59;
	v17 =	vsel vm14, v17, v19;
	(erf) = vpow2.f32 v4  }
0x13e: {  	[tilespmem:s8+$0x20] =	vst v3;
	v22 =	vmul.f32 v38, v51;
	v25 =	vld [tilespmem:s11+$0xFFFFFFC0];
	v19 =	vmul.f32 $2.000000030e-01, v21;
	v4 =	vsub.f32 v17, v18  }
0x13f: {  	v1 =	vmul.f32 v37, v13;
	[tilespmem:s8+$0x30] =	vst v29;
	v33 =	vld [tilespmem:s11+$0xFFFFFFE0];
	vm15 =	vgt.f32 v21, $0.0e+00;
	v13 =	vmul.f32 $2.000000030e-01, v14  }
0x140: {  	[tilespmem:s8+$0x50] =	vst v22;
	v22 =	vld [tilespmem:s11+$0xFFFFFF90];
	vm1 =	vgt.f32 v14, $0.0e+00;
	v18 =	vsel vm15, v21, v19;
	v4 =	vmul.f32 $1.442695020e+00, v4  }
0x141: {  	v0 =	vmul.f32 v30, v12;
	[tilespmem:s8+$0x90] =	vst v2;
	v24 =	vld [tilespmem:s11+$0xFFFFFFB0];
	v12 =	vsel vm1, v14, v13;
	v13 =	vsub.f32 v18, v20  }
0x142: {  	v27 =	vmul.f32 v31, v11;
	[tilespmem:s8+$0xB0] =	vst v1;
	v26 =	vld [tilespmem:s11+$0xFFFFFFD0];
	v11 =	vsub.f32 v12, v61;
	(erf) = vpow2.f32 v4  }
0x143: {  	v63 =	vmul.f32 v42, v53;
	[tilespmem:s8+$0xC0] =	vst v0;
	v28 =	vld [tilespmem:s11+$0x10];
	v10 =	vmul.f32 $1.442695020e+00, v13  }
0x144: {  	v8 =	vimm.s32 $0x4;
	v30 =	vmul.f32 v34, v9;
	v40 =	vld [tilespmem:s11+$0x90];
	v9 =	vmul.f32 $1.442695020e+00, v11  }
0x145: {  	v41 =	vimm.s32 $0x0;
	v62 =	vmul.f32 v39, v52;
	v16 =	vld [tilespmem:s11+$0xFFFFFF20];
	(erf) = vpow2.f32 v10  }
0x146: {  	v53 =	vimm.s32 $0x7;
	v54 =	vimm.s32 $0x3;
	v4 =	vld [tilespmem:s11+$0x100];
	(erf) = vpow2.f32 v9;
	v31 =	vpop (erf)  }
0x147: {  	v3 =	vmul.f32 v32, v50;
	[tilespmem:s8+$0x60] =	vst v62;
	v37 =	vimm.s32 $0x1;
	v29 =	vld [tilespmem:s11+$0x20];
	v14 =	vperm.xlane v31, v41  }
0x148: {  	[tilespmem:s8+$0x70] =	vst v63;
	v51 =	vimm.s32 $0x2;
	v35 =	vld [tilespmem:s11+$0x30];
	v2 =	vperm.xlane v31, v53;
	v15 =	vperm.xlane v31, v37  }
0x149: {  	v36 =	vld [tilespmem:s11+$0x40];
	v9 =	vimm.s32 $0x5;
	v13 =	vperm.xlane v31, v51;
	v12 =	vperm.xlane v31, v54  }
0x14a: {  	v52 =	vimm.s32 $0x6;
	v38 =	vld [tilespmem:s11+$0x50];
	v11 =	vperm.xlane v31, v8;
	v50 =	vperm.xlane v31, v9  }
0x14b: {  	v39 =	vld [tilespmem:s11+$0x60];
	v10 =	vperm.xlane v31, v52;
	v1 =	vmul.f32 v4, v2;
	v4 =	vpop (erf)  }
0x14c: {  	v42 =	vld [tilespmem:s11+$0x70];
	v45 =	vperm.xlane v4, v41;
	v44 =	vperm.xlane v4, v37  }
0x14d: {  	v17 =	vld [tilespmem:s11+$0xFFFFFF30];
	[tilespmem:s8+$0xD0] =	vst v27;
	v47 =	vperm.xlane v4, v51;
	v46 =	vperm.xlane v4, v54  }
0x14e: {  	v19 =	vld [tilespmem:s11+$0xFFFFFF50];
	[tilespmem:s11+$0x100] =	vst v1;
	v32 =	vpop (erf);
	v62 =	vperm.xlane v4, v8;
	v61 =	vperm.xlane v4, v9  }
0x14f: {  	v21 =	vld [tilespmem:s11+$0xFFFFFF80];
	v60 =	vperm.xlane v4, v52;
	v59 =	vperm.xlane v4, v53;
	[tilespmem:s8+$0xE0] =	vst v3;
	v3 =	vpop (erf)  }
0x150: {  	[tilespmem:$0x1FFE0] =	vst v5;
	v18 =	vld [tilespmem:s11+$0xFFFFFF40];
	v34 =	vperm.xlane v3, v41;
	v5 =	vperm.xlane v3, v37  }
0x151: {  	v20 =	vld [tilespmem:s11+$0xFFFFFF70];
	v6 =	vperm.xlane v3, v51;
	v7 =	vperm.xlane v3, v54  }
0x152: {  	v27 =	vld [tilespmem:s11+$0x0];
	v2 =	vperm.xlane v3, v8;
	v1 =	vperm.xlane v3, v9  }
0x153: {  	s10 =	sadd.s32 $0x4, s10;
	[tilespmem:s11+$0xFFFFFF60] =	vst v3;
	v0 =	vperm.xlane v3, v52;
	v63 =	vperm.xlane v3, v53;
	v3 =	vld [tilespmem:$0x1FFE0]  }
0x154: {  	p0 =	slt.u32 s10, $0x3C;
	v58 =	vperm.xlane v32, v41;
	v57 =	vperm.xlane v32, v37;
	v41 =	vld [tilespmem:s11+$0xA0]  }
.Ltmp1:
0x155: {  	[tilespmem:s8+$0xF0] =	vst v30;
	v56 =	vperm.xlane v32, v51;
	v55 =	vperm.xlane v32, v54;
	v37 =	vld [tilespmem:s11+$0xB0];
	(pc) =	sbr.rel @p0 .LBB2_5-.Ltmp1, $4  }
0x156: {  	[tilespmem:s11+$0xFFFFFFF0] =	vst v4;
	v54 =	vperm.xlane v32, v8;
	v51 =	vperm.xlane v32, v9;
	v30 =	vld [tilespmem:s11+$0xC0]  }
0x157: {  	[tilespmem:s11+$0x110] =	vst v31;
	v52 =	vperm.xlane v32, v52;
	v53 =	vperm.xlane v32, v53;
	v31 =	vld [tilespmem:s11+$0xD0]  }
0x158: {  	s8 =	smov.u32 s11;
	[tilespmem:s11+$0x80] =	vst v32;
	v32 =	vld [tilespmem:s11+$0xE0];
	v43 =	vmul.f32 v43, v7;
	v4 =	vmul.f32 v3, v34  }
0x159: {  	v9 =	vmov v10;
	s11 =	sadd.s32 $0x240, s11;
	v3 =	vmul.f32 v48, v5;
	v48 =	vmul.f32 v49, v6;
	v34 =	vld [tilespmem:s8+$0xF0]  }
0x15a: {  	[tilespmem:s8+$0xFFFFFEE0] =	vst v4  }
0x15b: {  	[tilespmem:s8+$0xFFFFFF10] =	vst v43  }
0x15c: {  	v2 =	vmul.f32 v16, v2;
	[tilespmem:s8+$0xFFFFFEF0] =	vst v3  }
0x15d: {  	v1 =	vmul.f32 v17, v1;
	[tilespmem:s8+$0xFFFFFF00] =	vst v48  }
0x15e: {  	v0 =	vmul.f32 v18, v0;
	[tilespmem:s8+$0xFFFFFF20] =	vst v2  }
0x15f: {  	v2 =	vmul.f32 v19, v63;
	[tilespmem:s8+$0xFFFFFF30] =	vst v1  }
0x160: {  	v1 =	vmul.f32 v20, v45;
	[tilespmem:s8+$0xFFFFFF40] =	vst v0  }
0x161: {  	v0 =	vmul.f32 v21, v44;
	[tilespmem:s8+$0xFFFFFF50] =	vst v2  }
0x162: {  	v2 =	vmul.f32 v22, v47;
	[tilespmem:s8+$0xFFFFFF70] =	vst v1  }
0x163: {  	v1 =	vmul.f32 v23, v46;
	[tilespmem:s8+$0xFFFFFF80] =	vst v0  }
0x164: {  	v0 =	vmul.f32 v24, v62;
	[tilespmem:s8+$0xFFFFFF90] =	vst v2  }
0x165: {  	v2 =	vmul.f32 v25, v61;
	[tilespmem:s8+$0xFFFFFFA0] =	vst v1  }
0x166: {  	v1 =	vmul.f32 v26, v60;
	[tilespmem:s8+$0xFFFFFFB0] =	vst v0  }
0x167: {  	v0 =	vmul.f32 v33, v59;
	[tilespmem:s8+$0xFFFFFFC0] =	vst v2  }
0x168: {  	v2 =	vmul.f32 v27, v58;
	[tilespmem:s8+$0xFFFFFFD0] =	vst v1  }
0x169: {  	v1 =	vmul.f32 v28, v57;
	[tilespmem:s8+$0xFFFFFFE0] =	vst v0  }
0x16a: {  	v0 =	vmul.f32 v29, v56;
	[tilespmem:s8+$0x0] =	vst v2  }
0x16b: {  	v2 =	vmul.f32 v35, v55;
	[tilespmem:s8+$0x10] =	vst v1  }
0x16c: {  	v1 =	vmul.f32 v36, v54;
	[tilespmem:s8+$0x20] =	vst v0  }
0x16d: {  	v0 =	vmul.f32 v38, v51;
	[tilespmem:s8+$0x30] =	vst v2  }
0x16e: {  	v2 =	vmul.f32 v39, v52;
	[tilespmem:s8+$0x40] =	vst v1  }
0x16f: {  	v1 =	vmul.f32 v42, v53;
	[tilespmem:s8+$0x50] =	vst v0  }
0x170: {  	v0 =	vmul.f32 v40, v14;
	[tilespmem:s8+$0x60] =	vst v2  }
0x171: {  	v2 =	vmul.f32 v41, v15;
	[tilespmem:s8+$0x70] =	vst v1  }
0x172: {  	v1 =	vmul.f32 v37, v13;
	[tilespmem:s8+$0x90] =	vst v0  }
0x173: {  	v0 =	vmul.f32 v30, v12;
	[tilespmem:s8+$0xA0] =	vst v2  }
0x174: {  	v2 =	vmul.f32 v31, v11;
	[tilespmem:s8+$0xB0] =	vst v1  }
0x175: {  	v1 =	vmul.f32 v32, v50;
	[tilespmem:s8+$0xC0] =	vst v0  }
0x176: {  	v0 =	vmul.f32 v34, v9;
	[tilespmem:s8+$0xD0] =	vst v2  }
0x177: {  	s11 =	sshll.u32 s7, $0x1;
	[tilespmem:s8+$0xE0] =	vst v1  }
0x178: {  	[tilespmem:s8+$0xF0] =	vst v0;
	s8 =	sadd.s32 $0x2, s11  }
0x179: {  	[spmem:s2] =	stream.indirect.scatter.add.f32 [tilespmem:s19], [sflag:$0x5], $0x90, s23, s21, $0xb8;
	[tilespmem:$0x1E110] =	vst v63  }
0x17a: {  	p0 =	seq.s32 s8, $0xA2;
	s8 =	sshll.u32 s8, $0x8;
	_ =	swait.ge [sflag:s20], $0x2400  }
0x17b: {  	s8 =	simm.s32 @p0 $0x0;
	[sflag:s20] =	ssyncset.done $0x0  }
0x17c: {  	s8 =	sshrl.u32 s8, $0x2;
	[sflag:s20] =	ssyncadd.s32 $0xFFFFDC00  }
0x17d: {  	v0 =	vld [tilespmem:s8+$0x0];
	_ =	sdelay $0x4  }
0x17e: {  	v1 =	vshrl.u32 v0, $0xE  }
0x17f: {  	v0 =	vand.u32 $0x3FFF, v0;
	[tilespmem:$0x2880] =	vst v1  }
0x180: {  	[tilespmem:$0x2900] =	vst v0  }
0x181: {  	v0 =	vld [tilespmem:s8+$0x10];
	_ =	sdelay $0x4  }
0x182: {  	v1 =	vshrl.u32 v0, $0xE  }
0x183: {  	v0 =	vand.u32 $0x3FFF, v0;
	[tilespmem:$0x2890] =	vst v1  }
0x184: {  	[tilespmem:$0x2910] =	vst v0  }
0x185: {  	v0 =	vld [tilespmem:s8+$0x20];
	_ =	sdelay $0x4  }
0x186: {  	v1 =	vshrl.u32 v0, $0xE  }
0x187: {  	v0 =	vand.u32 $0x3FFF, v0;
	[tilespmem:$0x28A0] =	vst v1  }
0x188: {  	[tilespmem:$0x2920] =	vst v0  }
0x189: {  	v0 =	vld [tilespmem:s8+$0x30];
	_ =	sdelay $0x4  }
0x18a: {  	v1 =	vshrl.u32 v0, $0xE  }
0x18b: {  	v0 =	vand.u32 $0x3FFF, v0;
	[tilespmem:$0x28B0] =	vst v1  }
0x18c: {  	[tilespmem:$0x2930] =	vst v0  }
0x18d: {  	[tilespmem:s19], [sflag:$0x1] =	stream.indirect.gather [hbm4b:s4+s21], $0x90, s22, s21, $0xb8;
	[tilespmem:$0x1E110] =	vst v63  }
0x18e: {  	_ = 	snop  }
0x18f: {  	[tilespmem:s24], [sflag:$0x3] =	stream.indirect.gather [hbm4b:s5+s21], $0x20, s23, s21, $0xb8;
	[tilespmem:$0x1E110] =	vst v63  }
0x190: {  	_ =	swait.ge [sflag:s1], $0x2400  }
0x191: {  	[sflag:s1] =	ssyncset.done $0x0  }
0x192: {  	[sflag:s1] =	ssyncadd.s32 $0xFFFFDC00  }
0x193: {  	_ =	swait.ge [sflag:s0], $0x800  }
0x194: {  	[sflag:s0] =	ssyncset.done $0x0  }
0x195: {  	s8 =	simm.s32 $0x4EA0;
	[sflag:s0] =	ssyncadd.s32 $0xFFFFF800  }
0x196: {  	s9 =	simm.s32 $0x79C0;
	v0 =	vld [tilespmem:s8+$0x110]  }
0x197: {  	v1 =	vld [tilespmem:s9+$0x20]  }
0x198: {  	v2 =	vld [tilespmem:s9+$0xFFFFFFC0]  }
0x199: {  	v3 =	vld [tilespmem:s8+$0xFFFFFFF0]  }
0x19a: {  	v4 =	vld [tilespmem:s9+$0xFFFFFFE0]  }
0x19b: {  	v5 =	vld [tilespmem:s8+$0x80]  }
0x19c: {  	v6 =	vld [tilespmem:s9+$0x30]  }
0x19d: {  	v8 =	vld [tilespmem:s8+$0xFFFFFEE0];
	v0 =	vadd.f32 v1, v0  }
0x19e: {  	v7 =	vld [tilespmem:s8+$0xFFFFFF60]  }
0x19f: {  	v10 =	vld [tilespmem:s9+$0xFFFFFFD0];
	v9 =	vmul.f32 $2.000000030e-01, v0  }
0x1a0: {  	v1 =	vld [tilespmem:s9+$0x0];
	vm0 =	vgt.f32 v0, $0.0e+00  }
0x1a1: {  	v3 =	vadd.f32 v4, v3;
	v4 =	vld [tilespmem:s9+$0xFFFFFFF0];
	v0 =	vsel vm0, v0, v9  }
0x1a2: {  	v9 =	vld [tilespmem:s9+$0x10];
	[tilespmem:$0x1FFD0] =	vst v8;
	v0 =	vsub.f32 v0, v6  }
0x1a3: {  	v31 =	vld [tilespmem:s8+$0xFFFFFEF0]  }
0x1a4: {  	v6 =	vmul.f32 $2.000000030e-01, v3;
	v34 =	vld [tilespmem:s8+$0xFFFFFF10];
	v0 =	vmul.f32 $1.442695020e+00, v0  }
0x1a5: {  	vm14 =	vgt.f32 v3, $0.0e+00;
	v16 =	vld [tilespmem:s8+$0xFFFFFF20]  }
0x1a6: {  	v1 =	vadd.f32 v1, v5;
	v17 =	vld [tilespmem:s8+$0xFFFFFF30];
	v3 =	vsel vm14, v3, v6;
	(erf) = vpow2.f32 v0  }
0x1a7: {  	v2 =	vadd.f32 v2, v7;
	v18 =	vld [tilespmem:s8+$0xFFFFFF40];
	v0 =	vsub.f32 v3, v4  }
0x1a8: {  	v19 =	vld [tilespmem:s8+$0xFFFFFF50];
	v7 =	vmul.f32 $2.000000030e-01, v1  }
0x1a9: {  	v11 =	vmul.f32 $2.000000030e-01, v2;
	v20 =	vld [tilespmem:s8+$0xFFFFFF70];
	vm15 =	vgt.f32 v1, $0.0e+00;
	v0 =	vmul.f32 $1.442695020e+00, v0  }
0x1aa: {  	vm1 =	vgt.f32 v2, $0.0e+00;
	v21 =	vld [tilespmem:s8+$0xFFFFFF80];
	v1 =	vsel vm15, v1, v7  }
0x1ab: {  	v2 =	vsel vm1, v2, v11;
	v22 =	vld [tilespmem:s8+$0xFFFFFF90];
	v1 =	vsub.f32 v1, v9;
	(erf) = vpow2.f32 v0  }
0x1ac: {  	v2 =	vsub.f32 v2, v10;
	v23 =	vld [tilespmem:s8+$0xFFFFFFA0]  }
0x1ad: {  	v24 =	vld [tilespmem:s8+$0xFFFFFFB0];
	v1 =	vmul.f32 $1.442695020e+00, v1  }
0x1ae: {  	v51 =	vimm.s32 $0x3;
	v54 =	vimm.s32 $0x4;
	v25 =	vld [tilespmem:s8+$0xFFFFFFC0];
	v2 =	vmul.f32 $1.442695020e+00, v2  }
0x1af: {  	v53 =	vimm.s32 $0x7;
	v8 =	vimm.s32 $0x0;
	v0 =	vld [tilespmem:s8+$0x100];
	(erf) = vpow2.f32 v1;
	v3 =	vpop (erf)  }
0x1b0: {  	v30 =	vimm.s32 $0x1;
	v26 =	vld [tilespmem:s8+$0xFFFFFFD0];
	(erf) = vpow2.f32 v2;
	v14 =	vperm.xlane v3, v8  }
0x1b1: {  	v37 =	vimm.s32 $0x2;
	v27 =	vld [tilespmem:s8+$0x0];
	v1 =	vperm.xlane v3, v53;
	v15 =	vperm.xlane v3, v30  }
0x1b2: {  	v5 =	vimm.s32 $0x5;
	v28 =	vld [tilespmem:s8+$0x10];
	v13 =	vperm.xlane v3, v37;
	v12 =	vperm.xlane v3, v51  }
0x1b3: {  	v52 =	vimm.s32 $0x6;
	v29 =	vld [tilespmem:s8+$0x20];
	v11 =	vperm.xlane v3, v54;
	v10 =	vperm.xlane v3, v5  }
0x1b4: {  	v35 =	vld [tilespmem:s8+$0x30];
	v49 =	vperm.xlane v3, v52;
	v0 =	vmul.f32 v0, v1;
	v7 =	vpop (erf)  }
0x1b5: {  	v36 =	vld [tilespmem:s8+$0x40];
	v45 =	vperm.xlane v7, v8;
	v44 =	vperm.xlane v7, v30  }
0x1b6: {  	v33 =	vld [tilespmem:s8+$0xFFFFFFE0];
	v47 =	vperm.xlane v7, v37;
	v46 =	vperm.xlane v7, v51  }
0x1b7: {  	v38 =	vld [tilespmem:s8+$0x50];
	v62 =	vperm.xlane v7, v54;
	v61 =	vperm.xlane v7, v5  }
0x1b8: {  	v39 =	vld [tilespmem:s8+$0x60];
	v43 =	vpop (erf);
	v60 =	vperm.xlane v7, v52;
	v59 =	vperm.xlane v7, v53  }
0x1b9: {  	v42 =	vld [tilespmem:s8+$0x70];
	[tilespmem:s8+$0x110] =	vst v3;
	v58 =	vperm.xlane v43, v8;
	v57 =	vperm.xlane v43, v30  }
0x1ba: {  	v40 =	vld [tilespmem:s8+$0x90];
	[tilespmem:s8+$0x100] =	vst v0;
	v32 =	vpop (erf);
	v56 =	vperm.xlane v43, v37;
	v55 =	vperm.xlane v43, v51  }
0x1bb: {  	v41 =	vld [tilespmem:s8+$0xA0];
	[tilespmem:s8+$0x80] =	vst v43;
	v4 =	vperm.xlane v32, v8;
	v48 =	vperm.xlane v32, v30  }
0x1bc: {  	v9 =	vperm.xlane v32, v37;
	v50 =	vperm.xlane v32, v51;
	v3 =	vld [tilespmem:$0x1FFD0]  }
0x1bd: {  	v6 =	vld [tilespmem:s8+$0xFFFFFF00];
	v2 =	vperm.xlane v32, v54;
	v1 =	vperm.xlane v32, v5  }
0x1be: {  	v0 =	vperm.xlane v32, v52;
	v63 =	vperm.xlane v32, v53;
	v37 =	vld [tilespmem:s8+$0xB0]  }
0x1bf: {  	v54 =	vperm.xlane v43, v54;
	v30 =	vld [tilespmem:s8+$0xC0];
	v51 =	vperm.xlane v43, v5  }
0x1c0: {  	[tilespmem:s8+$0xFFFFFF60] =	vst v32;
	v52 =	vperm.xlane v43, v52;
	v32 =	vld [tilespmem:s8+$0xE0];
	v53 =	vperm.xlane v43, v53  }
0x1c1: {  	v43 =	vmul.f32 v34, v50;
	v34 =	vld [tilespmem:s8+$0xF0];
	v4 =	vmul.f32 v3, v4  }
0x1c2: {  	s10 =	simm.s32 $0x0;
	s11 =	simm.s32 $0x50E0;
	[tilespmem:s8+$0xFFFFFFF0] =	vst v7;
	v3 =	vmul.f32 v31, v48;
	v31 =	vld [tilespmem:s8+$0xD0];
	v48 =	vmul.f32 v6, v9  }
.LBB2_7:
0x1c3: {  	[tilespmem:s8+$0xFFFFFEE0] =	vst v4  }
0x1c4: {  	v5 =	vld [tilespmem:s11+$0x110];
	s9 =	sadd.s32 $0x80, s9;
	[tilespmem:s8+$0xFFFFFEF0] =	vst v3  }
0x1c5: {  	v6 =	vld [tilespmem:s9+$0xFFFFFFC0];
	[tilespmem:s8+$0xFFFFFF00] =	vst v48  }
0x1c6: {  	v4 =	vld [tilespmem:s9+$0x20];
	[tilespmem:s8+$0xFFFFFF10] =	vst v43;
	v2 =	vmul.f32 v16, v2  }
0x1c7: {  	v8 =	vld [tilespmem:s11+$0xFFFFFEE0];
	v1 =	vmul.f32 v17, v1  }
0x1c8: {  	v0 =	vmul.f32 v18, v0;
	v17 =	vld [tilespmem:s11+$0xFFFFFFF0];
	[tilespmem:s8+$0xFFFFFF20] =	vst v2  }
0x1c9: {  	v3 =	vmul.f32 v19, v63;
	v7 =	vmul.f32 v20, v45;
	v20 =	vld [tilespmem:s9+$0xFFFFFFE0];
	[tilespmem:s8+$0xFFFFFF30] =	vst v1  }
0x1ca: {  	v16 =	vmul.f32 v21, v44;
	v18 =	vmul.f32 v22, v47;
	v22 =	vld [tilespmem:s11+$0x80];
	[tilespmem:s8+$0xFFFFFF40] =	vst v0  }
0x1cb: {  	v21 =	vmul.f32 v25, v61;
	v2 =	vmul.f32 v24, v62;
	v24 =	vld [tilespmem:s9+$0x30];
	v4 =	vadd.f32 v4, v5;
	[tilespmem:s8+$0xFFFFFF50] =	vst v3  }
0x1cc: {  	v25 =	vld [tilespmem:s9+$0x0];
	v15 =	vmul.f32 v41, v15;
	v0 =	vmul.f32 v27, v58;
	[tilespmem:s8+$0xFFFFFF70] =	vst v7  }
0x1cd: {  	v5 =	vmul.f32 v28, v57;
	[tilespmem:s8+$0xFFFFFF80] =	vst v16;
	v27 =	vld [tilespmem:s11+$0xFFFFFF60];
	v28 =	vmul.f32 $2.000000030e-01, v4  }
0x1ce: {  	v19 =	vmul.f32 v23, v46;
	v3 =	vmul.f32 v29, v56;
	[tilespmem:s8+$0xA0] =	vst v15;
	v29 =	vld [tilespmem:s9+$0xFFFFFFD0];
	vm0 =	vgt.f32 v4, $0.0e+00  }
0x1cf: {  	v17 =	vadd.f32 v20, v17;
	v20 =	vld [tilespmem:s9+$0xFFFFFFF0];
	[tilespmem:s8+$0xFFFFFF90] =	vst v18;
	v4 =	vsel vm0, v4, v28  }
0x1d0: {  	v23 =	vmul.f32 v33, v59;
	v48 =	vld [tilespmem:s11+$0xFFFFFEF0];
	[tilespmem:s8+$0xFFFFFFA0] =	vst v19;
	v4 =	vsub.f32 v4, v24  }
0x1d1: {  	v1 =	vmul.f32 v26, v60;
	v26 =	vmul.f32 v35, v55;
	v43 =	vld [tilespmem:s11+$0xFFFFFF00];
	v19 =	vadd.f32 v25, v22;
	[tilespmem:s8+$0xFFFFFFB0] =	vst v2  }
0x1d2: {  	v50 =	vld [tilespmem:s11+$0xFFFFFF10];
	[tilespmem:s8+$0xFFFFFFC0] =	vst v21;
	v16 =	vmul.f32 $2.000000030e-01, v17;
	v6 =	vadd.f32 v6, v27;
	v4 =	vmul.f32 $1.442695020e+00, v4  }
0x1d3: {  	v18 =	vld [tilespmem:s9+$0x10];
	v2 =	vmul.f32 v40, v14;
	[tilespmem:s8+$0xFFFFFFD0] =	vst v1;
	v1 =	vmul.f32 v37, v13;
	vm14 =	vgt.f32 v17, $0.0e+00  }
0x1d4: {  	[tilespmem:s8+$0xFFFFFFE0] =	vst v23;
	v21 =	vld [tilespmem:s11+$0xFFFFFF80];
	v14 =	vsel vm14, v17, v16;
	v13 =	vmul.f32 $2.000000030e-01, v6;
	(erf) = vpow2.f32 v4  }
0x1d5: {  	[tilespmem:s8+$0x0] =	vst v0;
	v22 =	vld [tilespmem:s11+$0xFFFFFF90];
	v17 =	vmul.f32 $2.000000030e-01, v19;
	vm1 =	vgt.f32 v6, $0.0e+00;
	v4 =	vsub.f32 v14, v20  }
0x1d6: {  	v7 =	vmul.f32 v36, v54;
	[tilespmem:s8+$0x10] =	vst v5;
	v23 =	vld [tilespmem:s11+$0xFFFFFFA0];
	vm15 =	vgt.f32 v19, $0.0e+00;
	v6 =	vsel vm1, v6, v13  }
0x1d7: {  	[tilespmem:s8+$0x20] =	vst v3;
	v25 =	vld [tilespmem:s11+$0xFFFFFFC0];
	v14 =	vsel vm15, v19, v17;
	v6 =	vsub.f32 v6, v29;
	v4 =	vmul.f32 $1.442695020e+00, v4  }
0x1d8: {  	v0 =	vmul.f32 v30, v12;
	v3 =	vmul.f32 v32, v10;
	[tilespmem:s8+$0x30] =	vst v26;
	v26 =	vld [tilespmem:s11+$0xFFFFFFD0];
	v12 =	vsub.f32 v14, v18  }
0x1d9: {  	[tilespmem:s8+$0x40] =	vst v7;
	v33 =	vld [tilespmem:s11+$0xFFFFFFE0];
	v6 =	vmul.f32 $1.442695020e+00, v6;
	(erf) = vpow2.f32 v4  }
0x1da: {  	v28 =	vmul.f32 v39, v52;
	[tilespmem:s8+$0x90] =	vst v2;
	v24 =	vld [tilespmem:s11+$0xFFFFFFB0];
	v10 =	vmul.f32 $1.442695020e+00, v12  }
0x1db: {  	v9 =	vimm.s32 $0x5;
	v63 =	vmul.f32 v42, v53;
	v62 =	vmul.f32 v38, v51;
	[tilespmem:s8+$0xB0] =	vst v1;
	v27 =	vld [tilespmem:s11+$0x0]  }
0x1dc: {  	v53 =	vimm.s32 $0x3;
	v5 =	vmul.f32 v31, v11;
	[tilespmem:s8+$0x60] =	vst v28;
	v28 =	vld [tilespmem:s11+$0x10];
	(erf) = vpow2.f32 v10  }
0x1dd: {  	v30 =	vmul.f32 v34, v49;
	v7 =	vimm.s32 $0x0;
	[tilespmem:s8+$0xC0] =	vst v0;
	v4 =	vld [tilespmem:s11+$0x100];
	(erf) = vpow2.f32 v6;
	v6 =	vpop (erf)  }
0x1de: {  	v31 =	vimm.s32 $0x7;
	v37 =	vimm.s32 $0x1;
	v40 =	vld [tilespmem:s11+$0x90];
	v14 =	vperm.xlane v6, v7  }
0x1df: {  	v51 =	vimm.s32 $0x2;
	[tilespmem:s8+$0x50] =	vst v62;
	v16 =	vld [tilespmem:s11+$0xFFFFFF20];
	v2 =	vperm.xlane v6, v31;
	v15 =	vperm.xlane v6, v37  }
0x1e0: {  	v54 =	vimm.s32 $0x4;
	[tilespmem:s8+$0x70] =	vst v63;
	v35 =	vld [tilespmem:s11+$0x30];
	v13 =	vperm.xlane v6, v51;
	v12 =	vperm.xlane v6, v53  }
0x1e1: {  	v52 =	vimm.s32 $0x6;
	v36 =	vld [tilespmem:s11+$0x40];
	v11 =	vperm.xlane v6, v54;
	v10 =	vperm.xlane v6, v9  }
0x1e2: {  	v38 =	vld [tilespmem:s11+$0x50];
	v49 =	vperm.xlane v6, v52;
	v1 =	vmul.f32 v4, v2;
	v4 =	vpop (erf)  }
0x1e3: {  	v39 =	vld [tilespmem:s11+$0x60];
	v45 =	vperm.xlane v4, v7;
	v44 =	vperm.xlane v4, v37  }
0x1e4: {  	v42 =	vld [tilespmem:s11+$0x70];
	[tilespmem:s8+$0xD0] =	vst v5;
	v47 =	vperm.xlane v4, v51;
	v46 =	vperm.xlane v4, v53  }
0x1e5: {  	v17 =	vld [tilespmem:s11+$0xFFFFFF30];
	[tilespmem:s11+$0x100] =	vst v1;
	v5 =	vpop (erf);
	v62 =	vperm.xlane v4, v54;
	v61 =	vperm.xlane v4, v9  }
0x1e6: {  	v19 =	vld [tilespmem:s11+$0xFFFFFF50];
	v60 =	vperm.xlane v4, v52;
	v59 =	vperm.xlane v4, v31;
	[tilespmem:s8+$0xE0] =	vst v3;
	v3 =	vpop (erf)  }
0x1e7: {  	v20 =	vld [tilespmem:s11+$0xFFFFFF70];
	v7 =	vperm.xlane v3, v7;
	v32 =	vperm.xlane v3, v37  }
0x1e8: {  	[tilespmem:$0x1FFC0] =	vst v8;
	v18 =	vld [tilespmem:s11+$0xFFFFFF40];
	v34 =	vperm.xlane v3, v51;
	v8 =	vperm.xlane v3, v53  }
0x1e9: {  	v29 =	vld [tilespmem:s11+$0x20];
	v2 =	vperm.xlane v3, v54;
	v1 =	vperm.xlane v3, v9  }
0x1ea: {  	s10 =	sadd.s32 $0x4, s10;
	[tilespmem:s11+$0xFFFFFF60] =	vst v3;
	v0 =	vperm.xlane v3, v52;
	v63 =	vperm.xlane v3, v31;
	v3 =	vld [tilespmem:$0x1FFC0]  }
0x1eb: {  	p0 =	slt.u32 s10, $0x3C;
	v41 =	vld [tilespmem:s11+$0xA0];
	[tilespmem:s8+$0xF0] =	vst v30;
	v30 =	vimm.s32 $0x0;
	v57 =	vperm.xlane v5, v37;
	v56 =	vperm.xlane v5, v51  }
.Ltmp2:
0x1ec: {  	v55 =	vperm.xlane v5, v53;
	v58 =	vperm.xlane v5, v30;
	v37 =	vld [tilespmem:s11+$0xB0];
	(pc) =	sbr.rel @p0 .LBB2_7-.Ltmp2, $4  }
0x1ed: {  	v54 =	vperm.xlane v5, v54;
	v51 =	vperm.xlane v5, v9;
	v30 =	vld [tilespmem:s11+$0xC0]  }
0x1ee: {  	[tilespmem:s11+$0xFFFFFFF0] =	vst v4;
	v52 =	vperm.xlane v5, v52;
	v53 =	vperm.xlane v5, v31;
	v31 =	vld [tilespmem:s11+$0xD0]  }
0x1ef: {  	s8 =	smov.u32 s11;
	[tilespmem:s11+$0x110] =	vst v6;
	v4 =	vmul.f32 v3, v7;
	v3 =	vmul.f32 v48, v32;
	v32 =	vld [tilespmem:s11+$0xE0]  }
0x1f0: {  	[tilespmem:s11+$0x80] =	vst v5;
	v48 =	vmul.f32 v43, v34;
	v43 =	vmul.f32 v50, v8;
	v34 =	vld [tilespmem:s8+$0xF0];
	s11 =	sadd.s32 $0x240, s11  }
0x1f1: {  	[tilespmem:s8+$0xFFFFFEE0] =	vst v4  }
0x1f2: {  	[tilespmem:s8+$0xFFFFFEF0] =	vst v3  }
0x1f3: {  	v2 =	vmul.f32 v16, v2;
	[tilespmem:s8+$0xFFFFFF00] =	vst v48  }
0x1f4: {  	v1 =	vmul.f32 v17, v1;
	[tilespmem:s8+$0xFFFFFF10] =	vst v43  }
0x1f5: {  	v0 =	vmul.f32 v18, v0;
	[tilespmem:s8+$0xFFFFFF20] =	vst v2  }
0x1f6: {  	v19 =	vmul.f32 v19, v63;
	[tilespmem:s8+$0xFFFFFF30] =	vst v1  }
0x1f7: {  	v20 =	vmul.f32 v20, v45;
	[tilespmem:s8+$0xFFFFFF40] =	vst v0  }
0x1f8: {  	v21 =	vmul.f32 v21, v44;
	[tilespmem:s8+$0xFFFFFF50] =	vst v19  }
0x1f9: {  	v22 =	vmul.f32 v22, v47;
	[tilespmem:s8+$0xFFFFFF70] =	vst v20  }
0x1fa: {  	v23 =	vmul.f32 v23, v46;
	[tilespmem:s8+$0xFFFFFF80] =	vst v21  }
0x1fb: {  	v24 =	vmul.f32 v24, v62;
	[tilespmem:s8+$0xFFFFFF90] =	vst v22  }
0x1fc: {  	v25 =	vmul.f32 v25, v61;
	[tilespmem:s8+$0xFFFFFFA0] =	vst v23  }
0x1fd: {  	v44 =	vmul.f32 v33, v59;
	[tilespmem:s8+$0xFFFFFFB0] =	vst v24  }
0x1fe: {  	v45 =	vmul.f32 v27, v58;
	[tilespmem:s8+$0xFFFFFFC0] =	vst v25  }
0x1ff: {  	v46 =	vmul.f32 v28, v57;
	[tilespmem:s8+$0xFFFFFFE0] =	vst v44  }
0x200: {  	v47 =	vmul.f32 v29, v56;
	[tilespmem:s8+$0x0] =	vst v45  }
0x201: {  	v50 =	vmul.f32 v36, v54;
	[tilespmem:s8+$0x10] =	vst v46  }
0x202: {  	v54 =	vmul.f32 v38, v51;
	[tilespmem:s8+$0x20] =	vst v47  }
0x203: {  	v56 =	vmul.f32 v42, v53;
	[tilespmem:s8+$0x40] =	vst v50  }
0x204: {  	v57 =	vmul.f32 v40, v14;
	[tilespmem:s8+$0x50] =	vst v54  }
0x205: {  	v58 =	vmul.f32 v41, v15;
	[tilespmem:s8+$0x70] =	vst v56  }
0x206: {  	v59 =	vmul.f32 v37, v13;
	[tilespmem:s8+$0x90] =	vst v57  }
0x207: {  	v43 =	vmul.f32 v26, v60;
	[tilespmem:s8+$0xA0] =	vst v58  }
0x208: {  	v48 =	vmul.f32 v35, v55;
	[tilespmem:s8+$0xB0] =	vst v59  }
0x209: {  	v55 =	vmul.f32 v39, v52;
	[tilespmem:s8+$0xFFFFFFD0] =	vst v43  }
0x20a: {  	v60 =	vmul.f32 v30, v12;
	[tilespmem:s8+$0x30] =	vst v48  }
0x20b: {  	v61 =	vmul.f32 v31, v11;
	[tilespmem:s8+$0x60] =	vst v55  }
0x20c: {  	v62 =	vmul.f32 v32, v10;
	[tilespmem:s8+$0xC0] =	vst v60  }
0x20d: {  	s7 =	sadd.s32 $0x1, s7;
	v63 =	vmul.f32 v34, v49;
	[tilespmem:s8+$0xD0] =	vst v61  }
0x20e: {  	p0 =	sne.s32 s7, $0x51;
	[tilespmem:s8+$0xE0] =	vst v62  }
.Ltmp3:
0x20f: {  	[tilespmem:s8+$0xF0] =	vst v63;
	(pc) =	sbr.rel @p0 .LBB2_4-.Ltmp3, $4  }
0x210: {  	[spmem:s2] =	stream.indirect.scatter.add.f32 [tilespmem:s26], [sflag:$0x5], $0x90, s28, s21, $0xb8;
	[tilespmem:$0x1E110] =	vst v63  }
0x211: {  	v41 =	vimm.s32 $0x1;
	_ =	swait.ge [sflag:s20], $0x2400  }
0x212: {  	v51 =	vimm.s32 $0x2;
	v7 =	vimm.s32 $0x3;
	v37 =	vimm.s32 $0x5;
	[sflag:s20] =	ssyncset.done $0x0  }
0x213: {  	v28 =	vimm.s32 $0x6;
	v15 =	vimm.s32 $0x7;
	v30 =	vimm.s32 $0x4;
	[sflag:s20] =	ssyncadd.s32 $0xFFFFDC00  }
0x214: {  	_ =	swait.ge [sflag:s30], $0x2400  }
0x215: {  	[sflag:s30] =	ssyncset.done $0x0  }
0x216: {  	[sflag:s30] =	ssyncadd.s32 $0xFFFFDC00  }
0x217: {  	s7 =	stileid.u32;
	_ =	swait.ge [sflag:s31], $0x800  }
0x218: {  	s8 =	sshrl.u32 s6, $0x3;
	s3 =	sadd.s32 $0x1, s3;
	[sflag:s31] =	ssyncset.done $0x0  }
0x219: {  	s7 =	sshll.u32 s7, $0x6;
	p0 =	sne.s32 s3, s18;
	[sflag:s31] =	ssyncadd.s32 $0xFFFFF800  }
.Ltmp4:
0x21a: {  	s7 =	sor.u32 $0x1C05, s7;
	[bflag:$0x0] =	sbarrier.arrive $0xFFFF;
	(pc) =	sbr.rel @p0 .LBB2_1-.Ltmp4, $4  }
0x21b: {  	[hbm:s17], [sflag:s7] =	dma.local [spmem:s8], $0x2BF2  }
0x21c: {  	_ =	swait.ge [sflag:s20], $0x2BF2  }
0x21d: {  	[sflag:s20] =	ssyncset.done $0x0  }
0x21e: {  	v0 =	vimm.f32 $0.0e+00;
	[sflag:s20] =	ssyncadd.s32 $0xFFFFD40E  }
0x21f: {  	_ =	sfence.sel $0x180000  }
0x220: {  	[bflag:$0x0] =	sbarrier.arrive $0xFFFF  }
0x221: {  	_ =	strace $0x90000047  }
0x222: {  	s0 =	stileid.u32;
	[bflag:$0x2] =	sbarrier.arrive $0xFFFF  }
0x223: {  	p0 =	sne.s32 s0, $0x0;
	s0 =	rddreg [dreg:$0x3]  }
0x224: {  	s0 =	sadd.s32 @!p0 $0x100000, s0  }
0x225: {  	[sflag:s0] =	ssyncadd.tile.s32 @!p0 $0x1;
	_ =	shalt  }
.Lfunc_end2:
_tile_overlayer_lowered:
.L_overlay_start_2:
0x226: {  	(tag) =	ssettag $0x2  }
0x227: {  	s0 =	rddreg [dreg:$0x0];
	s2 =	stileid.u32  }
0x228: {  	s1 =	rddreg [dreg:$0x1];
	p0 =	sne.s32 s2, $0x0  }
0x229: {  	s3 =	rddreg [dreg:$0x2];
	[bflag:$0x3] =	sbarrier.arrive $0xFFFF;
	s2 =	simm.s32 @!p0 $0x1C05  }
0x22a: {  	[timem:s3], [sflag:s2] =	dma.local @!p0 [hbm:s0], s1  }
0x22b: {  	s0 =	simm.s32 @!p0 $0x5  }
0x22c: {  	_ =	swait.ge @!p0 [sflag:s0], s1  }
0x22d: {  	s1 =	ssub.s32 @!p0 $0x0, s1;
	[sflag:s0] =	ssyncset.done @!p0 $0x0  }
0x22e: {  	[sflag:s0] =	ssyncadd.s32 @!p0 s1  }
0x22f: {  	[bflag:$0x3] =	sbarrier.arrive $0xFFFF  }
0x230: {  	_ =	shalt  }

</sc_bundles>
